<compile_context>
chip_gen: v7x
topology: tpu7x:2x2x1
jax: 0.10.2.dev20260603
libtpu: 0.0.44.dev20260713+nightly
codegen_flags: <defaults>
</compile_context>

<pallas_src>
import functools

import jax
import jax.numpy as jnp
from jax import lax
from jax.experimental import pallas as pl
from jax.experimental.pallas import tpu as pltpu
from jax.experimental.pallas import tpu_sc as plsc

NC = 2
NS = 16
B = 128


def _sc_aggregate(n, n_pad, hd, k_chunks, with_counts):
  rows_per = n_pad // NS
  tl_rows = n // NS

  mesh = plsc.VectorSubcoreMesh(core_axis_name="c", subcore_axis_name="s")

  @functools.partial(
      pl.kernel,
      mesh=mesh,
      compiler_params=pltpu.CompilerParams(use_tc_tiling_on_sc=False),
      out_type=[
          jax.ShapeDtypeStruct((NC, n_pad, hd), jnp.float32),
          jax.ShapeDtypeStruct((NC * n_pad,), jnp.float32),
      ],
      scratch_types=[
          pltpu.VMEM((k_chunks, B), jnp.int32),
          pltpu.VMEM((4, B), jnp.int32),
          pltpu.VMEM((2, B, hd), jnp.float32),
          pltpu.VMEM((B,), jnp.float32),
          pltpu.VMEM((rows_per,), jnp.float32),
          pltpu.VMEM_SHARED((n, hd), jnp.float32),
          pltpu.VMEM_SHARED((n_pad, hd), jnp.float32),
          pltpu.VMEM_SHARED((n_pad,), jnp.float32),
          pltpu.SemaphoreType.DMA,
          pltpu.SemaphoreType.DMA,
          pltpu.SemaphoreType.DMA,
          pltpu.SemaphoreType.DMA,
          pltpu.SemaphoreType.DMA,
          pltpu.SemaphoreType.DMA,
          pltpu.SemaphoreType.DMA,
      ],
  )
  def agg(table_hbm, src_hbm, dst_hbm, z2_hbm, z1_hbm, ones_hbm,
          psum_out, cnt_out,
          src_all, dst_v, rows_v, ones_v, cnt_v, table_sp, accum, cnt_acc,
          gsem0, gsem1, ssem0, ssem1, isem0, isem1, csem):
    c = lax.axis_index("c")
    s = lax.axis_index("s")
    r0 = s * rows_per
    t0 = s * tl_rows
    gsem = (gsem0, gsem1)
    ssem = (ssem0, ssem1)
    isem = (isem0, isem1)
    half = table_hbm.at[c]

    pltpu.sync_copy(src_hbm.at[s], src_all)
    pltpu.sync_copy(half.at[pl.ds(t0, tl_rows)],
                    table_sp.at[pl.ds(t0, tl_rows)])
    pltpu.sync_copy(z2_hbm.at[pl.ds(r0, rows_per)],
                    accum.at[pl.ds(r0, rows_per)])
    if with_counts:
      pltpu.sync_copy(z1_hbm.at[pl.ds(r0, rows_per)], cnt_v)
      pltpu.sync_copy(cnt_v, cnt_acc.at[pl.ds(r0, rows_per)])
      pltpu.sync_copy(ones_hbm, ones_v)
    plsc.subcore_barrier()

    def fire_gather(k, par):
      pltpu.async_copy(table_sp.at[src_all.at[k]], rows_v.at[par],
                       gsem[par])

    def drain_gather(k, par):
      pltpu.make_async_copy(table_sp.at[src_all.at[k]], rows_v.at[par],
                            gsem[par]).wait()

    def fire_scatter(par, q):
      pltpu.async_copy(rows_v.at[par], accum.at[dst_v.at[q]],
                       ssem[par], add=True)

    def drain_scatter(par, q):
      pltpu.make_async_copy(rows_v.at[par], accum.at[dst_v.at[q]],
                            ssem[par]).wait()

    def fetch_dst(k, q, ip):
      pltpu.async_copy(dst_hbm.at[s, k], dst_v.at[q], isem[ip])

    def drain_dst(k, q, ip):
      pltpu.make_async_copy(dst_hbm.at[s, k], dst_v.at[q],
                            isem[ip]).wait()

    fetch_dst(0, 0, 0)
    drain_dst(0, 0, 0)
    fetch_dst(1, 1, 1)
    fire_gather(0, 0)

    def body(i4, carry):
      for q in range(4):
        k = i4 * 4 + q
        par = q % 2
        drain_gather(k, par)
        fire_scatter(par, q)
        if with_counts:
          @pl.when(c == par)
          def _():
            pltpu.async_copy(ones_v, cnt_acc.at[dst_v.at[q]],
                             csem, add=True)

        @pl.when(k + 1 < k_chunks)
        def _():
          drain_dst(k + 1, (q + 1) % 4, (q + 1) % 2)
          @pl.when(k >= 1)
          def _():
            drain_scatter(1 - par, (q + 3) % 4)
          fire_gather(k + 1, 1 - par)

        @pl.when(k + 2 < k_chunks)
        def _():
          fetch_dst(k + 2, (q + 2) % 4, q % 2)

        if with_counts:
          @pl.when(c == par)
          def _():
            pltpu.make_async_copy(ones_v, cnt_acc.at[dst_v.at[q]],
                                  csem).wait()
      return carry

    lax.fori_loop(0, k_chunks // 4, body, 0)
    drain_scatter((k_chunks - 2) % 2, (k_chunks - 2) % 4)
    drain_scatter((k_chunks - 1) % 2, (k_chunks - 1) % 4)
    plsc.subcore_barrier()

    pltpu.sync_copy(accum.at[pl.ds(r0, rows_per)],
                    psum_out.at[c, pl.ds(r0, rows_per)])
    if with_counts:
      pltpu.sync_copy(cnt_acc.at[pl.ds(r0, rows_per)], cnt_v)
      pltpu.sync_copy(cnt_v, cnt_out.at[pl.ds(c * n_pad + r0, rows_per)])

  return agg


def _tc_layer(n, n_pad, d, hd, split_output):
  r = 2000
  dot = functools.partial(
      lax.dot_general,
      dimension_numbers=(((1,), (1,)), ((), ())),
      preferred_element_type=jnp.float32,
  )

  def body(x_ref, p_ref, c_ref, wl_ref, wr_ref, b_ref, o_ref):
    cnt = jnp.maximum(c_ref[0] + c_ref[1], 1.0)
    h = (dot(p_ref[0] / cnt, wl_ref[0]) + dot(p_ref[1] / cnt, wl_ref[1])
         + dot(x_ref[0], wr_ref[0]) + dot(x_ref[1], wr_ref[1])
         + b_ref[...])
    if split_output:
      h = jnp.maximum(h, 0.0)
      o_ref[0] = h[:, :hd]
      o_ref[1] = h[:, hd:]
    else:
      o_ref[...] = h

  if split_output:
    out_spec = pl.BlockSpec((NC, r, hd), lambda i: (0, i, 0))
    out_shape = jax.ShapeDtypeStruct((NC, n, hd), jnp.float32)
  else:
    out_spec = pl.BlockSpec((r, d), lambda i: (i, 0))
    out_shape = jax.ShapeDtypeStruct((n, d), jnp.float32)

  return pl.pallas_call(
      body,
      grid=(n // r,),
      in_specs=[
          pl.BlockSpec((NC, r, hd), lambda i: (0, i, 0)),
          pl.BlockSpec((NC, r, hd), lambda i: (0, i, 0)),
          pl.BlockSpec((NC, r, 1), lambda i: (0, i, 0)),
          pl.BlockSpec((NC, d, hd), lambda i: (0, 0, 0)),
          pl.BlockSpec((NC, d, hd), lambda i: (0, 0, 0)),
          pl.BlockSpec((1, d), lambda i: (0, 0)),
      ],
      out_specs=out_spec,
      out_shape=out_shape,
  )


def kernel(x, edge_index, W1_l, b1, W1_r, W2_l, b2, W2_r):
  n, d = x.shape
  e = edge_index.shape[1]
  hd = d // 2

  k_chunks = -(-e // (NS * B * 4)) * 4
  e_pad = NS * B * k_chunks
  n_pad = -(-(n + 1) // (NS * 8)) * (NS * 8)

  src = edge_index[0]
  dst = edge_index[1]
  pad = e_pad - e
  src3 = jnp.concatenate([src, jnp.zeros((pad,), jnp.int32)]).reshape(
      NS, k_chunks, B)
  dst3 = jnp.concatenate([dst, jnp.full((pad,), n, jnp.int32)]).reshape(
      NS, k_chunks, B)

  z2 = jnp.zeros((n_pad, hd), jnp.float32)
  z1 = jnp.zeros((n_pad,), jnp.float32)
  ones = jnp.ones((B,), jnp.float32)

  agg1 = _sc_aggregate(n, n_pad, hd, k_chunks, with_counts=True)
  agg2 = _sc_aggregate(n, n_pad, hd, k_chunks, with_counts=False)
  l1 = _tc_layer(n, n_pad, d, hd, split_output=True)
  l2 = _tc_layer(n, n_pad, d, hd, split_output=False)

  x2 = jnp.stack([x[:, :hd], x[:, hd:]])
  w1l = jnp.stack([W1_l[:, :hd], W1_l[:, hd:]])
  w1r = jnp.stack([W1_r[:, :hd], W1_r[:, hd:]])
  w2l = jnp.stack([W2_l[:, :hd], W2_l[:, hd:]])
  w2r = jnp.stack([W2_r[:, :hd], W2_r[:, hd:]])
  b1r = b1.reshape(1, d)
  b2r = b2.reshape(1, d)

  p1, c1 = agg1(x2, src3, dst3, z2, z1, ones)
  c1r = c1.reshape(NC, n_pad, 1)
  h2 = l1(x2, p1, c1r, w1l, w1r, b1r)
  p2, _ = agg2(h2, src3, dst3, z2, z1, ones)
  out = l2(h2, p2, c1r, w2l, w2r, b2r)
  return out

# --- scband reference (transcript-rebuilt; emitter-appended) ---
"""Pipeline reference for scband-sagenet-51908974739870 (READ-ONLY COPY).

The authoritative reference and input builder live on the scoring server;
editing this copy changes nothing except your own understanding.
"""

import jax, jax.numpy as jnp
import numpy as np

N = 10000
E = 320000
D_IN = 128
D_HID = 128
D_OUT = 128


def setup_inputs(seed: int = 0) -> dict:
    key = jax.random.key(seed)
    ks = jax.random.split(key, 9)
    x = jax.random.normal(ks[0], (N, D_IN), dtype=jnp.float32)
    edge_index = jax.random.randint(ks[1], (2, E), 0, N, dtype=jnp.int32)
    s1 = 1.0 / np.sqrt(D_IN)
    s2 = 1.0 / np.sqrt(D_HID)
    W1_l = jax.random.normal(ks[2], (D_HID, D_IN), dtype=jnp.float32) * s1
    b1 = jnp.zeros((D_HID,), dtype=jnp.float32)
    W1_r = jax.random.normal(ks[3], (D_HID, D_IN), dtype=jnp.float32) * s1
    W2_l = jax.random.normal(ks[4], (D_OUT, D_HID), dtype=jnp.float32) * s2
    b2 = jnp.zeros((D_OUT,), dtype=jnp.float32)
    W2_r = jax.random.normal(ks[5], (D_OUT, D_HID), dtype=jnp.float32) * s2
    return {"x": x, "edge_index": edge_index, "W1_l": W1_l, "b1": b1, "W1_r": W1_r, "W2_l": W2_l, "b2": b2, "W2_r": W2_r}


def _sage_conv(h, src, dst, Wl, b, Wr, num_nodes):
    # PyG SAGEConv (aggr='mean'): out = lin_l(mean_j x_j) + lin_r(x_i)
    msgs = h[src]
    summed = jax.ops.segment_sum(msgs, dst, num_segments=num_nodes)
    cnt = jax.ops.segment_sum(jnp.ones((src.shape[0],), jnp.float32), dst, num_segments=num_nodes)
    mean = summed / jnp.maximum(cnt, 1.0)[:, None]
    return mean @ Wl.T + b + h @ Wr.T


def reference(x, edge_index, W1_l, b1, W1_r, W2_l, b2, W2_r):
    src = edge_index[0]
    dst = edge_index[1]
    h = _sage_conv(x, src, dst, W1_l, b1, W1_r, N)
    h = jax.nn.relu(h)
    # dropout p=0.5 is identity in eval mode (training=False)
    out = _sage_conv(h, src, dst, W2_l, b2, W2_r, N)
    return out

if __name__ == "__main__":
    import jax
    _d = setup_inputs()
    print(jax.jit(kernel)(*tuple(_d.values())))

</pallas_src>

<mosaic_0001>
#map = affine_map<(d0, d1) -> (0, 0, 0)>
#map1 = affine_map<(d0, d1) -> (0, 0)>
#map2 = affine_map<(d0, d1) -> (0)>
module attributes {stable_mosaic.version = 14 : i64} {
  func.func @agg(%arg0: i32, %arg1: i32, %arg2: memref<2x10000x64xf32, #tpu.memory_space<hbm>>, %arg3: memref<16x160x128xi32, #tpu.memory_space<hbm>>, %arg4: memref<16x160x128xi32, #tpu.memory_space<hbm>>, %arg5: memref<10112x64xf32, #tpu.memory_space<hbm>>, %arg6: memref<10112xf32, #tpu.memory_space<hbm>>, %arg7: memref<128xf32, #tpu.memory_space<hbm>>, %arg8: memref<2x10112x64xf32, #tpu.memory_space<hbm>>, %arg9: memref<20224xf32, #tpu.memory_space<hbm>>, %arg10: memref<160x128xi32, #tpu.memory_space<vmem>>, %arg11: memref<4x128xi32, #tpu.memory_space<vmem>>, %arg12: memref<2x128x64xf32, #tpu.memory_space<vmem>>, %arg13: memref<128xf32, #tpu.memory_space<vmem>>, %arg14: memref<632xf32, #tpu.memory_space<vmem>>, %arg15: memref<10000x64xf32, #tpu.memory_space<vmem_shared>>, %arg16: memref<10112x64xf32, #tpu.memory_space<vmem_shared>>, %arg17: memref<10112xf32, #tpu.memory_space<vmem_shared>>, %arg18: memref<!tpu.dma_semaphore, #tpu.memory_space<semaphore_mem>>, %arg19: memref<!tpu.dma_semaphore, #tpu.memory_space<semaphore_mem>>, %arg20: memref<!tpu.dma_semaphore, #tpu.memory_space<semaphore_mem>>, %arg21: memref<!tpu.dma_semaphore, #tpu.memory_space<semaphore_mem>>, %arg22: memref<!tpu.dma_semaphore, #tpu.memory_space<semaphore_mem>>, %arg23: memref<!tpu.dma_semaphore, #tpu.memory_space<semaphore_mem>>, %arg24: memref<!tpu.dma_semaphore, #tpu.memory_space<semaphore_mem>>) attributes {dimension_semantics = [#tpu.dimension_semantics<core_parallel>, #tpu.dimension_semantics<subcore_parallel>], iteration_bounds = array<i64: 2, 16>, scalar_prefetch = 0 : i64, scratch_operands = 15 : i64, tpu.core_type = #tpu.core_type<sc_vector_subcore>, window_params = [{transform_indices = #map}, {transform_indices = #map}, {transform_indices = #map}, {transform_indices = #map1}, {transform_indices = #map2}, {transform_indices = #map2}, {transform_indices = #map}, {transform_indices = #map2}]} {
    %mul3A = arith.constant 632 : i32
    %mul3A_0 = arith.muli %arg1, %mul3A : i32
    %mul3A_1 = arith.constant 625 : i32
    %mul3A_2 = arith.muli %arg1, %mul3A_1 : i32
    "tpu.region"() ({
      %run_scoped3A = tpu.sem_alloc : memref<!tpu.dma_semaphore, #tpu.memory_space<semaphore_mem>>
      %dma_start3A_87 = arith.constant 0 : i32
      %dma_start3A_88 = arith.constant 0 : i32
      %dma_start3A_89 = tpu.memref_slice %arg3[%arg1, %dma_start3A_87, %dma_start3A_88] : memref<16x160x128xi32, #tpu.memory_space<hbm>> -> memref<1x160x128xi32, #tpu.memory_space<hbm>>
      %dma_start3A_90 = tpu.memref_squeeze %dma_start3A_89 : memref<1x160x128xi32, #tpu.memory_space<hbm>> -> memref<160x128xi32, #tpu.memory_space<hbm>>
      %dma_start3A_91 = arith.constant 0 : i32
      %dma_start3A_92 = arith.constant 0 : i32
      %dma_start3A_93 = tpu.memref_slice %arg3[%arg1, %dma_start3A_91, %dma_start3A_92] : memref<16x160x128xi32, #tpu.memory_space<hbm>> -> memref<1x160x128xi32, #tpu.memory_space<hbm>>
      %dma_start3A_94 = tpu.memref_squeeze %dma_start3A_93 : memref<1x160x128xi32, #tpu.memory_space<hbm>> -> memref<160x128xi32, #tpu.memory_space<hbm>>
      tpu.enqueue_dma source(%dma_start3A_94 : memref<160x128xi32, #tpu.memory_space<hbm>>) target(%arg10 : memref<160x128xi32, #tpu.memory_space<vmem>>) target_semaphore(%run_scoped3A : memref<!tpu.dma_semaphore, #tpu.memory_space<semaphore_mem>>)
      %dma_wait3A_95 = arith.constant 0 : i32
      %dma_wait3A_96 = arith.constant 0 : i32
      %dma_wait3A_97 = tpu.memref_slice %arg3[%arg1, %dma_wait3A_95, %dma_wait3A_96] : memref<16x160x128xi32, #tpu.memory_space<hbm>> -> memref<1x160x128xi32, #tpu.memory_space<hbm>>
      %dma_wait3A_98 = tpu.memref_squeeze %dma_wait3A_97 : memref<1x160x128xi32, #tpu.memory_space<hbm>> -> memref<160x128xi32, #tpu.memory_space<hbm>>
      %dma_wait3A_99 = arith.constant 0 : i32
      %dma_wait3A_100 = arith.constant 0 : i32
      %dma_wait3A_101 = tpu.memref_slice %arg3[%arg1, %dma_wait3A_99, %dma_wait3A_100] : memref<16x160x128xi32, #tpu.memory_space<hbm>> -> memref<1x160x128xi32, #tpu.memory_space<hbm>>
      %dma_wait3A_102 = tpu.memref_squeeze %dma_wait3A_101 : memref<1x160x128xi32, #tpu.memory_space<hbm>> -> memref<160x128xi32, #tpu.memory_space<hbm>>
      tpu.wait_dma2 semaphore(%run_scoped3A : memref<!tpu.dma_semaphore, #tpu.memory_space<semaphore_mem>>) src(%dma_wait3A_102 : memref<160x128xi32, #tpu.memory_space<hbm>>) dst(%arg10 : memref<160x128xi32, #tpu.memory_space<vmem>>)
      tpu.yield
    }) : () -> ()
    "tpu.region"() ({
      %run_scoped3A = tpu.sem_alloc : memref<!tpu.dma_semaphore, #tpu.memory_space<semaphore_mem>>
      %dma_start3A_87 = arith.constant 0 : i32
      %dma_start3A_88 = tpu.memref_slice %arg15[%mul3A_2, %dma_start3A_87] : memref<10000x64xf32, #tpu.memory_space<vmem_shared>> -> memref<625x64xf32, #tpu.memory_space<vmem_shared>>
      %dma_start3A_89 = arith.constant 0 : i32
      %dma_start3A_90 = arith.constant 0 : i32
      %dma_start3A_91 = tpu.memref_slice %arg2[%arg0, %dma_start3A_89, %dma_start3A_90] : memref<2x10000x64xf32, #tpu.memory_space<hbm>> -> memref<1x10000x64xf32, #tpu.memory_space<hbm>>
      %dma_start3A_92 = tpu.memref_squeeze %dma_start3A_91 : memref<1x10000x64xf32, #tpu.memory_space<hbm>> -> memref<10000x64xf32, #tpu.memory_space<hbm>>
      %dma_start3A_93 = arith.constant 0 : i32
      %dma_start3A_94 = tpu.memref_slice %dma_start3A_92[%mul3A_2, %dma_start3A_93] : memref<10000x64xf32, #tpu.memory_space<hbm>> -> memref<625x64xf32, #tpu.memory_space<hbm>>
      tpu.enqueue_dma source(%dma_start3A_94 : memref<625x64xf32, #tpu.memory_space<hbm>>) target(%dma_start3A_88 : memref<625x64xf32, #tpu.memory_space<vmem_shared>>) target_semaphore(%run_scoped3A : memref<!tpu.dma_semaphore, #tpu.memory_space<semaphore_mem>>)
      %dma_wait3A_95 = arith.constant 0 : i32
      %dma_wait3A_96 = tpu.memref_slice %arg15[%mul3A_2, %dma_wait3A_95] : memref<10000x64xf32, #tpu.memory_space<vmem_shared>> -> memref<625x64xf32, #tpu.memory_space<vmem_shared>>
      %dma_wait3A_97 = arith.constant 0 : i32
      %dma_wait3A_98 = arith.constant 0 : i32
      %dma_wait3A_99 = tpu.memref_slice %arg2[%arg0, %dma_wait3A_97, %dma_wait3A_98] : memref<2x10000x64xf32, #tpu.memory_space<hbm>> -> memref<1x10000x64xf32, #tpu.memory_space<hbm>>
      %dma_wait3A_100 = tpu.memref_squeeze %dma_wait3A_99 : memref<1x10000x64xf32, #tpu.memory_space<hbm>> -> memref<10000x64xf32, #tpu.memory_space<hbm>>
      %dma_wait3A_101 = arith.constant 0 : i32
      %dma_wait3A_102 = tpu.memref_slice %dma_wait3A_100[%mul3A_2, %dma_wait3A_101] : memref<10000x64xf32, #tpu.memory_space<hbm>> -> memref<625x64xf32, #tpu.memory_space<hbm>>
      tpu.wait_dma2 semaphore(%run_scoped3A : memref<!tpu.dma_semaphore, #tpu.memory_space<semaphore_mem>>) src(%dma_wait3A_102 : memref<625x64xf32, #tpu.memory_space<hbm>>) dst(%dma_wait3A_96 : memref<625x64xf32, #tpu.memory_space<vmem_shared>>)
      tpu.yield
    }) : () -> ()
    "tpu.region"() ({
      %run_scoped3A = tpu.sem_alloc : memref<!tpu.dma_semaphore, #tpu.memory_space<semaphore_mem>>
      %dma_start3A_87 = arith.constant 0 : i32
      %dma_start3A_88 = tpu.memref_slice %arg16[%mul3A_0, %dma_start3A_87] : memref<10112x64xf32, #tpu.memory_space<vmem_shared>> -> memref<632x64xf32, #tpu.memory_space<vmem_shared>>
      %dma_start3A_89 = arith.constant 0 : i32
      %dma_start3A_90 = tpu.memref_slice %arg5[%mul3A_0, %dma_start3A_89] : memref<10112x64xf32, #tpu.memory_space<hbm>> -> memref<632x64xf32, #tpu.memory_space<hbm>>
      tpu.enqueue_dma source(%dma_start3A_90 : memref<632x64xf32, #tpu.memory_space<hbm>>) target(%dma_start3A_88 : memref<632x64xf32, #tpu.memory_space<vmem_shared>>) target_semaphore(%run_scoped3A : memref<!tpu.dma_semaphore, #tpu.memory_space<semaphore_mem>>)
      %dma_wait3A_91 = arith.constant 0 : i32
      %dma_wait3A_92 = tpu.memref_slice %arg16[%mul3A_0, %dma_wait3A_91] : memref<10112x64xf32, #tpu.memory_space<vmem_shared>> -> memref<632x64xf32, #tpu.memory_space<vmem_shared>>
      %dma_wait3A_93 = arith.constant 0 : i32
      %dma_wait3A_94 = tpu.memref_slice %arg5[%mul3A_0, %dma_wait3A_93] : memref<10112x64xf32, #tpu.memory_space<hbm>> -> memref<632x64xf32, #tpu.memory_space<hbm>>
      tpu.wait_dma2 semaphore(%run_scoped3A : memref<!tpu.dma_semaphore, #tpu.memory_space<semaphore_mem>>) src(%dma_wait3A_94 : memref<632x64xf32, #tpu.memory_space<hbm>>) dst(%dma_wait3A_92 : memref<632x64xf32, #tpu.memory_space<vmem_shared>>)
      tpu.yield
    }) : () -> ()
    "tpu.region"() ({
      %run_scoped3A = tpu.sem_alloc : memref<!tpu.dma_semaphore, #tpu.memory_space<semaphore_mem>>
      %dma_start3A_87 = tpu.memref_slice %arg6[%mul3A_0] : memref<10112xf32, #tpu.memory_space<hbm>> -> memref<632xf32, #tpu.memory_space<hbm>>
      %dma_start3A_88 = tpu.memref_slice %arg6[%mul3A_0] : memref<10112xf32, #tpu.memory_space<hbm>> -> memref<632xf32, #tpu.memory_space<hbm>>
      tpu.enqueue_dma source(%dma_start3A_88 : memref<632xf32, #tpu.memory_space<hbm>>) target(%arg14 : memref<632xf32, #tpu.memory_space<vmem>>) target_semaphore(%run_scoped3A : memref<!tpu.dma_semaphore, #tpu.memory_space<semaphore_mem>>)
      %dma_wait3A_89 = tpu.memref_slice %arg6[%mul3A_0] : memref<10112xf32, #tpu.memory_space<hbm>> -> memref<632xf32, #tpu.memory_space<hbm>>
      %dma_wait3A_90 = tpu.memref_slice %arg6[%mul3A_0] : memref<10112xf32, #tpu.memory_space<hbm>> -> memref<632xf32, #tpu.memory_space<hbm>>
      tpu.wait_dma2 semaphore(%run_scoped3A : memref<!tpu.dma_semaphore, #tpu.memory_space<semaphore_mem>>) src(%dma_wait3A_90 : memref<632xf32, #tpu.memory_space<hbm>>) dst(%arg14 : memref<632xf32, #tpu.memory_space<vmem>>)
      tpu.yield
    }) : () -> ()
    "tpu.region"() ({
      %run_scoped3A = tpu.sem_alloc : memref<!tpu.dma_semaphore, #tpu.memory_space<semaphore_mem>>
      %dma_start3A_87 = tpu.memref_slice %arg17[%mul3A_0] : memref<10112xf32, #tpu.memory_space<vmem_shared>> -> memref<632xf32, #tpu.memory_space<vmem_shared>>
      %dma_start3A_88 = tpu.memref_slice %arg17[%mul3A_0] : memref<10112xf32, #tpu.memory_space<vmem_shared>> -> memref<632xf32, #tpu.memory_space<vmem_shared>>
      tpu.enqueue_dma source(%arg14 : memref<632xf32, #tpu.memory_space<vmem>>) target(%dma_start3A_88 : memref<632xf32, #tpu.memory_space<vmem_shared>>) target_semaphore(%run_scoped3A : memref<!tpu.dma_semaphore, #tpu.memory_space<semaphore_mem>>)
      %dma_wait3A_89 = tpu.memref_slice %arg17[%mul3A_0] : memref<10112xf32, #tpu.memory_space<vmem_shared>> -> memref<632xf32, #tpu.memory_space<vmem_shared>>
      %dma_wait3A_90 = tpu.memref_slice %arg17[%mul3A_0] : memref<10112xf32, #tpu.memory_space<vmem_shared>> -> memref<632xf32, #tpu.memory_space<vmem_shared>>
      tpu.wait_dma2 semaphore(%run_scoped3A : memref<!tpu.dma_semaphore, #tpu.memory_space<semaphore_mem>>) src(%arg14 : memref<632xf32, #tpu.memory_space<vmem>>) dst(%dma_wait3A_90 : memref<632xf32, #tpu.memory_space<vmem_shared>>)
      tpu.yield
    }) : () -> ()
    "tpu.region"() ({
      %run_scoped3A = tpu.sem_alloc : memref<!tpu.dma_semaphore, #tpu.memory_space<semaphore_mem>>
      tpu.enqueue_dma source(%arg7 : memref<128xf32, #tpu.memory_space<hbm>>) target(%arg13 : memref<128xf32, #tpu.memory_space<vmem>>) target_semaphore(%run_scoped3A : memref<!tpu.dma_semaphore, #tpu.memory_space<semaphore_mem>>)
      tpu.wait_dma2 semaphore(%run_scoped3A : memref<!tpu.dma_semaphore, #tpu.memory_space<semaphore_mem>>) src(%arg7 : memref<128xf32, #tpu.memory_space<hbm>>) dst(%arg13 : memref<128xf32, #tpu.memory_space<vmem>>)
      tpu.yield
    }) : () -> ()
    %barrier3A = arith.constant 0 : index
    tpu.barrier barrier_id(%barrier3A)
    %dma_start3A = arith.constant 0 : i32
    %dma_start3A_3 = arith.constant 0 : i32
    %dma_start3A_4 = arith.constant 0 : i32
    %dma_start3A_5 = tpu.memref_slice %arg11[%dma_start3A_3, %dma_start3A_4] : memref<4x128xi32, #tpu.memory_space<vmem>> -> memref<1x128xi32, #tpu.memory_space<vmem>>
    %dma_start3A_6 = tpu.memref_squeeze %dma_start3A_5 : memref<1x128xi32, #tpu.memory_space<vmem>> -> memref<128xi32, #tpu.memory_space<vmem>>
    %dma_start3A_7 = arith.constant 0 : i32
    %dma_start3A_8 = tpu.memref_slice %arg4[%arg1, %dma_start3A, %dma_start3A_7] : memref<16x160x128xi32, #tpu.memory_space<hbm>> -> memref<1x1x128xi32, #tpu.memory_space<hbm>>
    %dma_start3A_9 = tpu.memref_squeeze %dma_start3A_8 : memref<1x1x128xi32, #tpu.memory_space<hbm>> -> memref<128xi32, #tpu.memory_space<hbm>>
    %dma_start3A_10 = arith.constant 0 : i32
    %dma_start3A_11 = tpu.memref_slice %arg11[%dma_start3A_3, %dma_start3A_10] : memref<4x128xi32, #tpu.memory_space<vmem>> -> memref<1x128xi32, #tpu.memory_space<vmem>>
    %dma_start3A_12 = tpu.memref_squeeze %dma_start3A_11 : memref<1x128xi32, #tpu.memory_space<vmem>> -> memref<128xi32, #tpu.memory_space<vmem>>
    %dma_start3A_13 = arith.constant 0 : i32
    %dma_start3A_14 = tpu.memref_slice %arg4[%arg1, %dma_start3A, %dma_start3A_13] : memref<16x160x128xi32, #tpu.memory_space<hbm>> -> memref<1x1x128xi32, #tpu.memory_space<hbm>>
    %dma_start3A_15 = tpu.memref_squeeze %dma_start3A_14 : memref<1x1x128xi32, #tpu.memory_space<hbm>> -> memref<128xi32, #tpu.memory_space<hbm>>
    tpu.enqueue_dma source(%dma_start3A_15 : memref<128xi32, #tpu.memory_space<hbm>>) target(%dma_start3A_12 : memref<128xi32, #tpu.memory_space<vmem>>) target_semaphore(%arg22 : memref<!tpu.dma_semaphore, #tpu.memory_space<semaphore_mem>>)
    %dma_wait3A = arith.constant 0 : i32
    %dma_wait3A_16 = arith.constant 0 : i32
    %dma_wait3A_17 = arith.constant 0 : i32
    %dma_wait3A_18 = tpu.memref_slice %arg11[%dma_wait3A_16, %dma_wait3A_17] : memref<4x128xi32, #tpu.memory_space<vmem>> -> memref<1x128xi32, #tpu.memory_space<vmem>>
    %dma_wait3A_19 = tpu.memref_squeeze %dma_wait3A_18 : memref<1x128xi32, #tpu.memory_space<vmem>> -> memref<128xi32, #tpu.memory_space<vmem>>
    %dma_wait3A_20 = arith.constant 0 : i32
    %dma_wait3A_21 = tpu.memref_slice %arg4[%arg1, %dma_wait3A, %dma_wait3A_20] : memref<16x160x128xi32, #tpu.memory_space<hbm>> -> memref<1x1x128xi32, #tpu.memory_space<hbm>>
    %dma_wait3A_22 = tpu.memref_squeeze %dma_wait3A_21 : memref<1x1x128xi32, #tpu.memory_space<hbm>> -> memref<128xi32, #tpu.memory_space<hbm>>
    %dma_wait3A_23 = arith.constant 0 : i32
    %dma_wait3A_24 = tpu.memref_slice %arg11[%dma_wait3A_16, %dma_wait3A_23] : memref<4x128xi32, #tpu.memory_space<vmem>> -> memref<1x128xi32, #tpu.memory_space<vmem>>
    %dma_wait3A_25 = tpu.memref_squeeze %dma_wait3A_24 : memref<1x128xi32, #tpu.memory_space<vmem>> -> memref<128xi32, #tpu.memory_space<vmem>>
    %dma_wait3A_26 = arith.constant 0 : i32
    %dma_wait3A_27 = tpu.memref_slice %arg4[%arg1, %dma_wait3A, %dma_wait3A_26] : memref<16x160x128xi32, #tpu.memory_space<hbm>> -> memref<1x1x128xi32, #tpu.memory_space<hbm>>
    %dma_wait3A_28 = tpu.memref_squeeze %dma_wait3A_27 : memref<1x1x128xi32, #tpu.memory_space<hbm>> -> memref<128xi32, #tpu.memory_space<hbm>>
    tpu.wait_dma2 semaphore(%arg22 : memref<!tpu.dma_semaphore, #tpu.memory_space<semaphore_mem>>) src(%dma_wait3A_28 : memref<128xi32, #tpu.memory_space<hbm>>) dst(%dma_wait3A_25 : memref<128xi32, #tpu.memory_space<vmem>>)
    %dma_start3A_29 = arith.constant 1 : i32
    %dma_start3A_30 = arith.constant 1 : i32
    %dma_start3A_31 = arith.constant 0 : i32
    %dma_start3A_32 = tpu.memref_slice %arg11[%dma_start3A_30, %dma_start3A_31] : memref<4x128xi32, #tpu.memory_space<vmem>> -> memref<1x128xi32, #tpu.memory_space<vmem>>
    %dma_start3A_33 = tpu.memref_squeeze %dma_start3A_32 : memref<1x128xi32, #tpu.memory_space<vmem>> -> memref<128xi32, #tpu.memory_space<vmem>>
    %dma_start3A_34 = arith.constant 0 : i32
    %dma_start3A_35 = tpu.memref_slice %arg4[%arg1, %dma_start3A_29, %dma_start3A_34] : memref<16x160x128xi32, #tpu.memory_space<hbm>> -> memref<1x1x128xi32, #tpu.memory_space<hbm>>
    %dma_start3A_36 = tpu.memref_squeeze %dma_start3A_35 : memref<1x1x128xi32, #tpu.memory_space<hbm>> -> memref<128xi32, #tpu.memory_space<hbm>>
    %dma_start3A_37 = arith.constant 0 : i32
    %dma_start3A_38 = tpu.memref_slice %arg11[%dma_start3A_30, %dma_start3A_37] : memref<4x128xi32, #tpu.memory_space<vmem>> -> memref<1x128xi32, #tpu.memory_space<vmem>>
    %dma_start3A_39 = tpu.memref_squeeze %dma_start3A_38 : memref<1x128xi32, #tpu.memory_space<vmem>> -> memref<128xi32, #tpu.memory_space<vmem>>
    %dma_start3A_40 = arith.constant 0 : i32
    %dma_start3A_41 = tpu.memref_slice %arg4[%arg1, %dma_start3A_29, %dma_start3A_40] : memref<16x160x128xi32, #tpu.memory_space<hbm>> -> memref<1x1x128xi32, #tpu.memory_space<hbm>>
    %dma_start3A_42 = tpu.memref_squeeze %dma_start3A_41 : memref<1x1x128xi32, #tpu.memory_space<hbm>> -> memref<128xi32, #tpu.memory_space<hbm>>
    tpu.enqueue_dma source(%dma_start3A_42 : memref<128xi32, #tpu.memory_space<hbm>>) target(%dma_start3A_39 : memref<128xi32, #tpu.memory_space<vmem>>) target_semaphore(%arg23 : memref<!tpu.dma_semaphore, #tpu.memory_space<semaphore_mem>>)
    %dma_start3A_43 = arith.constant 0 : i32
    %dma_start3A_44 = arith.constant 0 : i32
    %dma_start3A_45 = arith.constant 0 : i32
    %dma_start3A_46 = arith.constant 0 : i32
    %dma_start3A_47 = tpu.memref_slice %arg12[%dma_start3A_44, %dma_start3A_45, %dma_start3A_46] : memref<2x128x64xf32, #tpu.memory_space<vmem>> -> memref<1x128x64xf32, #tpu.memory_space<vmem>>
    %dma_start3A_48 = tpu.memref_squeeze %dma_start3A_47 : memref<1x128x64xf32, #tpu.memory_space<vmem>> -> memref<128x64xf32, #tpu.memory_space<vmem>>
    %dma_start3A_49 = arith.constant 0 : i32
    %dma_start3A_50 = tpu.memref_slice %arg10[%dma_start3A_43, %dma_start3A_49] : memref<160x128xi32, #tpu.memory_space<vmem>> -> memref<1x128xi32, #tpu.memory_space<vmem>>
    %dma_start3A_51 = tpu.memref_squeeze %dma_start3A_50 : memref<1x128xi32, #tpu.memory_space<vmem>> -> memref<128xi32, #tpu.memory_space<vmem>>
    %dma_start3A_52 = arith.constant 0 : i32
    %dma_start3A_53 = arith.constant 0 : i32
    %dma_start3A_54 = tpu.memref_slice %arg15[%dma_start3A_52, %dma_start3A_53] : memref<10000x64xf32, #tpu.memory_space<vmem_shared>> -> memref<10000x64xf32, #tpu.memory_space<vmem_shared>>
    tpu.enqueue_indirect_dma source(%dma_start3A_54 : memref<10000x64xf32, #tpu.memory_space<vmem_shared>>) target(%dma_start3A_48 : memref<128x64xf32, #tpu.memory_space<vmem>>) offsets(%dma_start3A_51 : memref<128xi32, #tpu.memory_space<vmem>>) semaphore(%arg18 : memref<!tpu.dma_semaphore, #tpu.memory_space<semaphore_mem>>)
    %scan3A = arith.constant 0 : i32
    %scan3A_55 = arith.constant 0 : i32
    %scan3A_56 = arith.constant 40 : i32
    %scan3A_57 = arith.addi %scan3A_55, %scan3A_56 : i32
    %scan3A_58 = arith.constant 1 : i32
    scf.for %scan3A_87 = %scan3A_55 to %scan3A_57 step %scan3A_58  : i32 {
      %mul3A_88 = arith.constant 4 : i32
      %mul3A_89 = arith.muli %scan3A_87, %mul3A_88 : i32
      %add3A_90 = arith.constant 0 : i32
      %add3A_91 = arith.addi %mul3A_89, %add3A_90 : i32
      %dma_wait3A_92 = arith.constant 0 : i32
      %dma_wait3A_93 = arith.constant 0 : i32
      %dma_wait3A_94 = arith.constant 0 : i32
      %dma_wait3A_95 = tpu.memref_slice %arg12[%dma_wait3A_92, %dma_wait3A_93, %dma_wait3A_94] : memref<2x128x64xf32, #tpu.memory_space<vmem>> -> memref<1x128x64xf32, #tpu.memory_space<vmem>>
      %dma_wait3A_96 = tpu.memref_squeeze %dma_wait3A_95 : memref<1x128x64xf32, #tpu.memory_space<vmem>> -> memref<128x64xf32, #tpu.memory_space<vmem>>
      %dma_wait3A_97 = arith.constant 0 : i32
      %dma_wait3A_98 = tpu.memref_slice %arg10[%add3A_91, %dma_wait3A_97] : memref<160x128xi32, #tpu.memory_space<vmem>> -> memref<1x128xi32, #tpu.memory_space<vmem>>
      %dma_wait3A_99 = tpu.memref_squeeze %dma_wait3A_98 : memref<1x128xi32, #tpu.memory_space<vmem>> -> memref<128xi32, #tpu.memory_space<vmem>>
      %dma_wait3A_100 = arith.constant 0 : i32
      %dma_wait3A_101 = arith.constant 0 : i32
      %dma_wait3A_102 = tpu.memref_slice %arg15[%dma_wait3A_100, %dma_wait3A_101] : memref<10000x64xf32, #tpu.memory_space<vmem_shared>> -> memref<10000x64xf32, #tpu.memory_space<vmem_shared>>
      tpu.wait_indirect_dma semaphore(%arg18 : memref<!tpu.dma_semaphore, #tpu.memory_space<semaphore_mem>>) src(%dma_wait3A_102 : memref<10000x64xf32, #tpu.memory_space<vmem_shared>>) dst(%dma_wait3A_96 : memref<128x64xf32, #tpu.memory_space<vmem>>)
      %dma_start3A_103 = arith.constant 0 : i32
      %dma_start3A_104 = arith.constant 0 : i32
      %dma_start3A_105 = arith.constant 0 : i32
      %dma_start3A_106 = arith.constant 0 : i32
      %dma_start3A_107 = tpu.memref_slice %arg12[%dma_start3A_103, %dma_start3A_105, %dma_start3A_106] : memref<2x128x64xf32, #tpu.memory_space<vmem>> -> memref<1x128x64xf32, #tpu.memory_space<vmem>>
      %dma_start3A_108 = tpu.memref_squeeze %dma_start3A_107 : memref<1x128x64xf32, #tpu.memory_space<vmem>> -> memref<128x64xf32, #tpu.memory_space<vmem>>
      %dma_start3A_109 = arith.constant 0 : i32
      %dma_start3A_110 = tpu.memref_slice %arg11[%dma_start3A_104, %dma_start3A_109] : memref<4x128xi32, #tpu.memory_space<vmem>> -> memref<1x128xi32, #tpu.memory_space<vmem>>
      %dma_start3A_111 = tpu.memref_squeeze %dma_start3A_110 : memref<1x128xi32, #tpu.memory_space<vmem>> -> memref<128xi32, #tpu.memory_space<vmem>>
      %dma_start3A_112 = arith.constant 0 : i32
      %dma_start3A_113 = arith.constant 0 : i32
      %dma_start3A_114 = tpu.memref_slice %arg16[%dma_start3A_112, %dma_start3A_113] : memref<10112x64xf32, #tpu.memory_space<vmem_shared>> -> memref<10112x64xf32, #tpu.memory_space<vmem_shared>>
      tpu.enqueue_indirect_dma source(%dma_start3A_108 : memref<128x64xf32, #tpu.memory_space<vmem>>) target(%dma_start3A_114 : memref<10112x64xf32, #tpu.memory_space<vmem_shared>>) offsets(%dma_start3A_111 : memref<128xi32, #tpu.memory_space<vmem>>) semaphore(%arg20 : memref<!tpu.dma_semaphore, #tpu.memory_space<semaphore_mem>>) {add = true}
      %eq3A = arith.constant 0 : i32
      %eq3A_115 = arith.cmpi eq, %arg0, %eq3A : i32
      %convert_element_type3A = arith.extui %eq3A_115 : i1 to i32
      %cond3A = arith.constant 0 : i32
      %cond3A_116 = arith.cmpi ne, %convert_element_type3A, %cond3A : i32
      scf.if %cond3A_116 {
        %dma_start3A_288 = arith.constant 0 : i32
        %dma_start3A_289 = arith.constant 0 : i32
        %dma_start3A_290 = tpu.memref_slice %arg11[%dma_start3A_288, %dma_start3A_289] : memref<4x128xi32, #tpu.memory_space<vmem>> -> memref<1x128xi32, #tpu.memory_space<vmem>>
        %dma_start3A_291 = tpu.memref_squeeze %dma_start3A_290 : memref<1x128xi32, #tpu.memory_space<vmem>> -> memref<128xi32, #tpu.memory_space<vmem>>
        %dma_start3A_292 = arith.constant 0 : i32
        %dma_start3A_293 = tpu.memref_slice %arg17[%dma_start3A_292] : memref<10112xf32, #tpu.memory_space<vmem_shared>> -> memref<10112xf32, #tpu.memory_space<vmem_shared>>
        tpu.enqueue_indirect_dma source(%arg13 : memref<128xf32, #tpu.memory_space<vmem>>) target(%dma_start3A_293 : memref<10112xf32, #tpu.memory_space<vmem_shared>>) offsets(%dma_start3A_291 : memref<128xi32, #tpu.memory_space<vmem>>) semaphore(%arg24 : memref<!tpu.dma_semaphore, #tpu.memory_space<semaphore_mem>>) {add = true}
      } else {
      }
      %add3A_117 = arith.constant 1 : i32
      %add3A_118 = arith.addi %add3A_91, %add3A_117 : i32
      %lt3A = arith.constant 160 : i32
      %lt3A_119 = arith.cmpi slt, %add3A_118, %lt3A : i32
      %convert_element_type3A_120 = arith.extui %lt3A_119 : i1 to i32
      %cond3A_121 = arith.constant 0 : i32
      %cond3A_122 = arith.cmpi ne, %convert_element_type3A_120, %cond3A_121 : i32
      scf.if %cond3A_122 {
        %add3A_288 = arith.constant 1 : i32
        %add3A_289 = arith.addi %add3A_91, %add3A_288 : i32
        %dma_wait3A_290 = arith.constant 1 : i32
        %dma_wait3A_291 = arith.constant 0 : i32
        %dma_wait3A_292 = tpu.memref_slice %arg11[%dma_wait3A_290, %dma_wait3A_291] : memref<4x128xi32, #tpu.memory_space<vmem>> -> memref<1x128xi32, #tpu.memory_space<vmem>>
        %dma_wait3A_293 = tpu.memref_squeeze %dma_wait3A_292 : memref<1x128xi32, #tpu.memory_space<vmem>> -> memref<128xi32, #tpu.memory_space<vmem>>
        %dma_wait3A_294 = arith.constant 0 : i32
        %dma_wait3A_295 = tpu.memref_slice %arg4[%arg1, %add3A_289, %dma_wait3A_294] : memref<16x160x128xi32, #tpu.memory_space<hbm>> -> memref<1x1x128xi32, #tpu.memory_space<hbm>>
        %dma_wait3A_296 = tpu.memref_squeeze %dma_wait3A_295 : memref<1x1x128xi32, #tpu.memory_space<hbm>> -> memref<128xi32, #tpu.memory_space<hbm>>
        %dma_wait3A_297 = arith.constant 0 : i32
        %dma_wait3A_298 = tpu.memref_slice %arg11[%dma_wait3A_290, %dma_wait3A_297] : memref<4x128xi32, #tpu.memory_space<vmem>> -> memref<1x128xi32, #tpu.memory_space<vmem>>
        %dma_wait3A_299 = tpu.memref_squeeze %dma_wait3A_298 : memref<1x128xi32, #tpu.memory_space<vmem>> -> memref<128xi32, #tpu.memory_space<vmem>>
        %dma_wait3A_300 = arith.constant 0 : i32
        %dma_wait3A_301 = tpu.memref_slice %arg4[%arg1, %add3A_289, %dma_wait3A_300] : memref<16x160x128xi32, #tpu.memory_space<hbm>> -> memref<1x1x128xi32, #tpu.memory_space<hbm>>
        %dma_wait3A_302 = tpu.memref_squeeze %dma_wait3A_301 : memref<1x1x128xi32, #tpu.memory_space<hbm>> -> memref<128xi32, #tpu.memory_space<hbm>>
        tpu.wait_dma2 semaphore(%arg23 : memref<!tpu.dma_semaphore, #tpu.memory_space<semaphore_mem>>) src(%dma_wait3A_302 : memref<128xi32, #tpu.memory_space<hbm>>) dst(%dma_wait3A_299 : memref<128xi32, #tpu.memory_space<vmem>>)
        %ge3A = arith.constant 1 : i32
        %ge3A_303 = arith.cmpi sge, %add3A_91, %ge3A : i32
        %convert_element_type3A_304 = arith.extui %ge3A_303 : i1 to i32
        %cond3A_305 = arith.constant 0 : i32
        %cond3A_306 = arith.cmpi ne, %convert_element_type3A_304, %cond3A_305 : i32
        scf.if %cond3A_306 {
          %dma_wait3A_320 = arith.constant 1 : i32
          %dma_wait3A_321 = arith.constant 3 : i32
          %dma_wait3A_322 = arith.constant 0 : i32
          %dma_wait3A_323 = arith.constant 0 : i32
          %dma_wait3A_324 = tpu.memref_slice %arg12[%dma_wait3A_320, %dma_wait3A_322, %dma_wait3A_323] : memref<2x128x64xf32, #tpu.memory_space<vmem>> -> memref<1x128x64xf32, #tpu.memory_space<vmem>>
          %dma_wait3A_325 = tpu.memref_squeeze %dma_wait3A_324 : memref<1x128x64xf32, #tpu.memory_space<vmem>> -> memref<128x64xf32, #tpu.memory_space<vmem>>
          %dma_wait3A_326 = arith.constant 0 : i32
          %dma_wait3A_327 = tpu.memref_slice %arg11[%dma_wait3A_321, %dma_wait3A_326] : memref<4x128xi32, #tpu.memory_space<vmem>> -> memref<1x128xi32, #tpu.memory_space<vmem>>
          %dma_wait3A_328 = tpu.memref_squeeze %dma_wait3A_327 : memref<1x128xi32, #tpu.memory_space<vmem>> -> memref<128xi32, #tpu.memory_space<vmem>>
          %dma_wait3A_329 = arith.constant 0 : i32
          %dma_wait3A_330 = arith.constant 0 : i32
          %dma_wait3A_331 = tpu.memref_slice %arg16[%dma_wait3A_329, %dma_wait3A_330] : memref<10112x64xf32, #tpu.memory_space<vmem_shared>> -> memref<10112x64xf32, #tpu.memory_space<vmem_shared>>
          tpu.wait_indirect_dma semaphore(%arg21 : memref<!tpu.dma_semaphore, #tpu.memory_space<semaphore_mem>>) src(%dma_wait3A_325 : memref<128x64xf32, #tpu.memory_space<vmem>>) dst(%dma_wait3A_331 : memref<10112x64xf32, #tpu.memory_space<vmem_shared>>)
        } else {
        }
        %add3A_307 = arith.constant 1 : i32
        %add3A_308 = arith.addi %add3A_91, %add3A_307 : i32
        %dma_start3A_309 = arith.constant 1 : i32
        %dma_start3A_310 = arith.constant 0 : i32
        %dma_start3A_311 = arith.constant 0 : i32
        %dma_start3A_312 = tpu.memref_slice %arg12[%dma_start3A_309, %dma_start3A_310, %dma_start3A_311] : memref<2x128x64xf32, #tpu.memory_space<vmem>> -> memref<1x128x64xf32, #tpu.memory_space<vmem>>
        %dma_start3A_313 = tpu.memref_squeeze %dma_start3A_312 : memref<1x128x64xf32, #tpu.memory_space<vmem>> -> memref<128x64xf32, #tpu.memory_space<vmem>>
        %dma_start3A_314 = arith.constant 0 : i32
        %dma_start3A_315 = tpu.memref_slice %arg10[%add3A_308, %dma_start3A_314] : memref<160x128xi32, #tpu.memory_space<vmem>> -> memref<1x128xi32, #tpu.memory_space<vmem>>
        %dma_start3A_316 = tpu.memref_squeeze %dma_start3A_315 : memref<1x128xi32, #tpu.memory_space<vmem>> -> memref<128xi32, #tpu.memory_space<vmem>>
        %dma_start3A_317 = arith.constant 0 : i32
        %dma_start3A_318 = arith.constant 0 : i32
        %dma_start3A_319 = tpu.memref_slice %arg15[%dma_start3A_317, %dma_start3A_318] : memref<10000x64xf32, #tpu.memory_space<vmem_shared>> -> memref<10000x64xf32, #tpu.memory_space<vmem_shared>>
        tpu.enqueue_indirect_dma source(%dma_start3A_319 : memref<10000x64xf32, #tpu.memory_space<vmem_shared>>) target(%dma_start3A_313 : memref<128x64xf32, #tpu.memory_space<vmem>>) offsets(%dma_start3A_316 : memref<128xi32, #tpu.memory_space<vmem>>) semaphore(%arg19 : memref<!tpu.dma_semaphore, #tpu.memory_space<semaphore_mem>>)
      } else {
      }
      %add3A_123 = arith.constant 2 : i32
      %add3A_124 = arith.addi %add3A_91, %add3A_123 : i32
      %lt3A_125 = arith.constant 160 : i32
      %lt3A_126 = arith.cmpi slt, %add3A_124, %lt3A_125 : i32
      %convert_element_type3A_127 = arith.extui %lt3A_126 : i1 to i32
      %cond3A_128 = arith.constant 0 : i32
      %cond3A_129 = arith.cmpi ne, %convert_element_type3A_127, %cond3A_128 : i32
      scf.if %cond3A_129 {
        %add3A_288 = arith.constant 2 : i32
        %add3A_289 = arith.addi %add3A_91, %add3A_288 : i32
        %dma_start3A_290 = arith.constant 2 : i32
        %dma_start3A_291 = arith.constant 0 : i32
        %dma_start3A_292 = tpu.memref_slice %arg11[%dma_start3A_290, %dma_start3A_291] : memref<4x128xi32, #tpu.memory_space<vmem>> -> memref<1x128xi32, #tpu.memory_space<vmem>>
        %dma_start3A_293 = tpu.memref_squeeze %dma_start3A_292 : memref<1x128xi32, #tpu.memory_space<vmem>> -> memref<128xi32, #tpu.memory_space<vmem>>
        %dma_start3A_294 = arith.constant 0 : i32
        %dma_start3A_295 = tpu.memref_slice %arg4[%arg1, %add3A_289, %dma_start3A_294] : memref<16x160x128xi32, #tpu.memory_space<hbm>> -> memref<1x1x128xi32, #tpu.memory_space<hbm>>
        %dma_start3A_296 = tpu.memref_squeeze %dma_start3A_295 : memref<1x1x128xi32, #tpu.memory_space<hbm>> -> memref<128xi32, #tpu.memory_space<hbm>>
        %dma_start3A_297 = arith.constant 0 : i32
        %dma_start3A_298 = tpu.memref_slice %arg11[%dma_start3A_290, %dma_start3A_297] : memref<4x128xi32, #tpu.memory_space<vmem>> -> memref<1x128xi32, #tpu.memory_space<vmem>>
        %dma_start3A_299 = tpu.memref_squeeze %dma_start3A_298 : memref<1x128xi32, #tpu.memory_space<vmem>> -> memref<128xi32, #tpu.memory_space<vmem>>
        %dma_start3A_300 = arith.constant 0 : i32
        %dma_start3A_301 = tpu.memref_slice %arg4[%arg1, %add3A_289, %dma_start3A_300] : memref<16x160x128xi32, #tpu.memory_space<hbm>> -> memref<1x1x128xi32, #tpu.memory_space<hbm>>
        %dma_start3A_302 = tpu.memref_squeeze %dma_start3A_301 : memref<1x1x128xi32, #tpu.memory_space<hbm>> -> memref<128xi32, #tpu.memory_space<hbm>>
        tpu.enqueue_dma source(%dma_start3A_302 : memref<128xi32, #tpu.memory_space<hbm>>) target(%dma_start3A_299 : memref<128xi32, #tpu.memory_space<vmem>>) target_semaphore(%arg22 : memref<!tpu.dma_semaphore, #tpu.memory_space<semaphore_mem>>)
      } else {
      }
      %eq3A_130 = arith.constant 0 : i32
      %eq3A_131 = arith.cmpi eq, %arg0, %eq3A_130 : i32
      %convert_element_type3A_132 = arith.extui %eq3A_131 : i1 to i32
      %cond3A_133 = arith.constant 0 : i32
      %cond3A_134 = arith.cmpi ne, %convert_element_type3A_132, %cond3A_133 : i32
      scf.if %cond3A_134 {
        %dma_wait3A_288 = arith.constant 0 : i32
        %dma_wait3A_289 = arith.constant 0 : i32
        %dma_wait3A_290 = tpu.memref_slice %arg11[%dma_wait3A_288, %dma_wait3A_289] : memref<4x128xi32, #tpu.memory_space<vmem>> -> memref<1x128xi32, #tpu.memory_space<vmem>>
        %dma_wait3A_291 = tpu.memref_squeeze %dma_wait3A_290 : memref<1x128xi32, #tpu.memory_space<vmem>> -> memref<128xi32, #tpu.memory_space<vmem>>
        %dma_wait3A_292 = arith.constant 0 : i32
        %dma_wait3A_293 = tpu.memref_slice %arg17[%dma_wait3A_292] : memref<10112xf32, #tpu.memory_space<vmem_shared>> -> memref<10112xf32, #tpu.memory_space<vmem_shared>>
        tpu.wait_indirect_dma semaphore(%arg24 : memref<!tpu.dma_semaphore, #tpu.memory_space<semaphore_mem>>) src(%arg13 : memref<128xf32, #tpu.memory_space<vmem>>) dst(%dma_wait3A_293 : memref<10112xf32, #tpu.memory_space<vmem_shared>>)
      } else {
      }
      %mul3A_135 = arith.constant 4 : i32
      %mul3A_136 = arith.muli %scan3A_87, %mul3A_135 : i32
      %add3A_137 = arith.constant 1 : i32
      %add3A_138 = arith.addi %mul3A_136, %add3A_137 : i32
      %dma_wait3A_139 = arith.constant 1 : i32
      %dma_wait3A_140 = arith.constant 0 : i32
      %dma_wait3A_141 = arith.constant 0 : i32
      %dma_wait3A_142 = tpu.memref_slice %arg12[%dma_wait3A_139, %dma_wait3A_140, %dma_wait3A_141] : memref<2x128x64xf32, #tpu.memory_space<vmem>> -> memref<1x128x64xf32, #tpu.memory_space<vmem>>
      %dma_wait3A_143 = tpu.memref_squeeze %dma_wait3A_142 : memref<1x128x64xf32, #tpu.memory_space<vmem>> -> memref<128x64xf32, #tpu.memory_space<vmem>>
      %dma_wait3A_144 = arith.constant 0 : i32
      %dma_wait3A_145 = tpu.memref_slice %arg10[%add3A_138, %dma_wait3A_144] : memref<160x128xi32, #tpu.memory_space<vmem>> -> memref<1x128xi32, #tpu.memory_space<vmem>>
      %dma_wait3A_146 = tpu.memref_squeeze %dma_wait3A_145 : memref<1x128xi32, #tpu.memory_space<vmem>> -> memref<128xi32, #tpu.memory_space<vmem>>
      %dma_wait3A_147 = arith.constant 0 : i32
      %dma_wait3A_148 = arith.constant 0 : i32
      %dma_wait3A_149 = tpu.memref_slice %arg15[%dma_wait3A_147, %dma_wait3A_148] : memref<10000x64xf32, #tpu.memory_space<vmem_shared>> -> memref<10000x64xf32, #tpu.memory_space<vmem_shared>>
      tpu.wait_indirect_dma semaphore(%arg19 : memref<!tpu.dma_semaphore, #tpu.memory_space<semaphore_mem>>) src(%dma_wait3A_149 : memref<10000x64xf32, #tpu.memory_space<vmem_shared>>) dst(%dma_wait3A_143 : memref<128x64xf32, #tpu.memory_space<vmem>>)
      %dma_start3A_150 = arith.constant 1 : i32
      %dma_start3A_151 = arith.constant 1 : i32
      %dma_start3A_152 = arith.constant 0 : i32
      %dma_start3A_153 = arith.constant 0 : i32
      %dma_start3A_154 = tpu.memref_slice %arg12[%dma_start3A_150, %dma_start3A_152, %dma_start3A_153] : memref<2x128x64xf32, #tpu.memory_space<vmem>> -> memref<1x128x64xf32, #tpu.memory_space<vmem>>
      %dma_start3A_155 = tpu.memref_squeeze %dma_start3A_154 : memref<1x128x64xf32, #tpu.memory_space<vmem>> -> memref<128x64xf32, #tpu.memory_space<vmem>>
      %dma_start3A_156 = arith.constant 0 : i32
      %dma_start3A_157 = tpu.memref_slice %arg11[%dma_start3A_151, %dma_start3A_156] : memref<4x128xi32, #tpu.memory_space<vmem>> -> memref<1x128xi32, #tpu.memory_space<vmem>>
      %dma_start3A_158 = tpu.memref_squeeze %dma_start3A_157 : memref<1x128xi32, #tpu.memory_space<vmem>> -> memref<128xi32, #tpu.memory_space<vmem>>
      %dma_start3A_159 = arith.constant 0 : i32
      %dma_start3A_160 = arith.constant 0 : i32
      %dma_start3A_161 = tpu.memref_slice %arg16[%dma_start3A_159, %dma_start3A_160] : memref<10112x64xf32, #tpu.memory_space<vmem_shared>> -> memref<10112x64xf32, #tpu.memory_space<vmem_shared>>
      tpu.enqueue_indirect_dma source(%dma_start3A_155 : memref<128x64xf32, #tpu.memory_space<vmem>>) target(%dma_start3A_161 : memref<10112x64xf32, #tpu.memory_space<vmem_shared>>) offsets(%dma_start3A_158 : memref<128xi32, #tpu.memory_space<vmem>>) semaphore(%arg21 : memref<!tpu.dma_semaphore, #tpu.memory_space<semaphore_mem>>) {add = true}
      %eq3A_162 = arith.constant 1 : i32
      %eq3A_163 = arith.cmpi eq, %arg0, %eq3A_162 : i32
      %convert_element_type3A_164 = arith.extui %eq3A_163 : i1 to i32
      %cond3A_165 = arith.constant 0 : i32
      %cond3A_166 = arith.cmpi ne, %convert_element_type3A_164, %cond3A_165 : i32
      scf.if %cond3A_166 {
        %dma_start3A_288 = arith.constant 1 : i32
        %dma_start3A_289 = arith.constant 0 : i32
        %dma_start3A_290 = tpu.memref_slice %arg11[%dma_start3A_288, %dma_start3A_289] : memref<4x128xi32, #tpu.memory_space<vmem>> -> memref<1x128xi32, #tpu.memory_space<vmem>>
        %dma_start3A_291 = tpu.memref_squeeze %dma_start3A_290 : memref<1x128xi32, #tpu.memory_space<vmem>> -> memref<128xi32, #tpu.memory_space<vmem>>
        %dma_start3A_292 = arith.constant 0 : i32
        %dma_start3A_293 = tpu.memref_slice %arg17[%dma_start3A_292] : memref<10112xf32, #tpu.memory_space<vmem_shared>> -> memref<10112xf32, #tpu.memory_space<vmem_shared>>
        tpu.enqueue_indirect_dma source(%arg13 : memref<128xf32, #tpu.memory_space<vmem>>) target(%dma_start3A_293 : memref<10112xf32, #tpu.memory_space<vmem_shared>>) offsets(%dma_start3A_291 : memref<128xi32, #tpu.memory_space<vmem>>) semaphore(%arg24 : memref<!tpu.dma_semaphore, #tpu.memory_space<semaphore_mem>>) {add = true}
      } else {
      }
      %add3A_167 = arith.constant 1 : i32
      %add3A_168 = arith.addi %add3A_138, %add3A_167 : i32
      %lt3A_169 = arith.constant 160 : i32
      %lt3A_170 = arith.cmpi slt, %add3A_168, %lt3A_169 : i32
      %convert_element_type3A_171 = arith.extui %lt3A_170 : i1 to i32
      %cond3A_172 = arith.constant 0 : i32
      %cond3A_173 = arith.cmpi ne, %convert_element_type3A_171, %cond3A_172 : i32
      scf.if %cond3A_173 {
        %add3A_288 = arith.constant 1 : i32
        %add3A_289 = arith.addi %add3A_138, %add3A_288 : i32
        %dma_wait3A_290 = arith.constant 2 : i32
        %dma_wait3A_291 = arith.constant 0 : i32
        %dma_wait3A_292 = tpu.memref_slice %arg11[%dma_wait3A_290, %dma_wait3A_291] : memref<4x128xi32, #tpu.memory_space<vmem>> -> memref<1x128xi32, #tpu.memory_space<vmem>>
        %dma_wait3A_293 = tpu.memref_squeeze %dma_wait3A_292 : memref<1x128xi32, #tpu.memory_space<vmem>> -> memref<128xi32, #tpu.memory_space<vmem>>
        %dma_wait3A_294 = arith.constant 0 : i32
        %dma_wait3A_295 = tpu.memref_slice %arg4[%arg1, %add3A_289, %dma_wait3A_294] : memref<16x160x128xi32, #tpu.memory_space<hbm>> -> memref<1x1x128xi32, #tpu.memory_space<hbm>>
        %dma_wait3A_296 = tpu.memref_squeeze %dma_wait3A_295 : memref<1x1x128xi32, #tpu.memory_space<hbm>> -> memref<128xi32, #tpu.memory_space<hbm>>
        %dma_wait3A_297 = arith.constant 0 : i32
        %dma_wait3A_298 = tpu.memref_slice %arg11[%dma_wait3A_290, %dma_wait3A_297] : memref<4x128xi32, #tpu.memory_space<vmem>> -> memref<1x128xi32, #tpu.memory_space<vmem>>
        %dma_wait3A_299 = tpu.memref_squeeze %dma_wait3A_298 : memref<1x128xi32, #tpu.memory_space<vmem>> -> memref<128xi32, #tpu.memory_space<vmem>>
        %dma_wait3A_300 = arith.constant 0 : i32
        %dma_wait3A_301 = tpu.memref_slice %arg4[%arg1, %add3A_289, %dma_wait3A_300] : memref<16x160x128xi32, #tpu.memory_space<hbm>> -> memref<1x1x128xi32, #tpu.memory_space<hbm>>
        %dma_wait3A_302 = tpu.memref_squeeze %dma_wait3A_301 : memref<1x1x128xi32, #tpu.memory_space<hbm>> -> memref<128xi32, #tpu.memory_space<hbm>>
        tpu.wait_dma2 semaphore(%arg22 : memref<!tpu.dma_semaphore, #tpu.memory_space<semaphore_mem>>) src(%dma_wait3A_302 : memref<128xi32, #tpu.memory_space<hbm>>) dst(%dma_wait3A_299 : memref<128xi32, #tpu.memory_space<vmem>>)
        %ge3A = arith.constant 1 : i32
        %ge3A_303 = arith.cmpi sge, %add3A_138, %ge3A : i32
        %convert_element_type3A_304 = arith.extui %ge3A_303 : i1 to i32
        %cond3A_305 = arith.constant 0 : i32
        %cond3A_306 = arith.cmpi ne, %convert_element_type3A_304, %cond3A_305 : i32
        scf.if %cond3A_306 {
          %dma_wait3A_320 = arith.constant 0 : i32
          %dma_wait3A_321 = arith.constant 0 : i32
          %dma_wait3A_322 = arith.constant 0 : i32
          %dma_wait3A_323 = arith.constant 0 : i32
          %dma_wait3A_324 = tpu.memref_slice %arg12[%dma_wait3A_320, %dma_wait3A_322, %dma_wait3A_323] : memref<2x128x64xf32, #tpu.memory_space<vmem>> -> memref<1x128x64xf32, #tpu.memory_space<vmem>>
          %dma_wait3A_325 = tpu.memref_squeeze %dma_wait3A_324 : memref<1x128x64xf32, #tpu.memory_space<vmem>> -> memref<128x64xf32, #tpu.memory_space<vmem>>
          %dma_wait3A_326 = arith.constant 0 : i32
          %dma_wait3A_327 = tpu.memref_slice %arg11[%dma_wait3A_321, %dma_wait3A_326] : memref<4x128xi32, #tpu.memory_space<vmem>> -> memref<1x128xi32, #tpu.memory_space<vmem>>
          %dma_wait3A_328 = tpu.memref_squeeze %dma_wait3A_327 : memref<1x128xi32, #tpu.memory_space<vmem>> -> memref<128xi32, #tpu.memory_space<vmem>>
          %dma_wait3A_329 = arith.constant 0 : i32
          %dma_wait3A_330 = arith.constant 0 : i32
          %dma_wait3A_331 = tpu.memref_slice %arg16[%dma_wait3A_329, %dma_wait3A_330] : memref<10112x64xf32, #tpu.memory_space<vmem_shared>> -> memref<10112x64xf32, #tpu.memory_space<vmem_shared>>
          tpu.wait_indirect_dma semaphore(%arg20 : memref<!tpu.dma_semaphore, #tpu.memory_space<semaphore_mem>>) src(%dma_wait3A_325 : memref<128x64xf32, #tpu.memory_space<vmem>>) dst(%dma_wait3A_331 : memref<10112x64xf32, #tpu.memory_space<vmem_shared>>)
        } else {
        }
        %add3A_307 = arith.constant 1 : i32
        %add3A_308 = arith.addi %add3A_138, %add3A_307 : i32
        %dma_start3A_309 = arith.constant 0 : i32
        %dma_start3A_310 = arith.constant 0 : i32
        %dma_start3A_311 = arith.constant 0 : i32
        %dma_start3A_312 = tpu.memref_slice %arg12[%dma_start3A_309, %dma_start3A_310, %dma_start3A_311] : memref<2x128x64xf32, #tpu.memory_space<vmem>> -> memref<1x128x64xf32, #tpu.memory_space<vmem>>
        %dma_start3A_313 = tpu.memref_squeeze %dma_start3A_312 : memref<1x128x64xf32, #tpu.memory_space<vmem>> -> memref<128x64xf32, #tpu.memory_space<vmem>>
        %dma_start3A_314 = arith.constant 0 : i32
        %dma_start3A_315 = tpu.memref_slice %arg10[%add3A_308, %dma_start3A_314] : memref<160x128xi32, #tpu.memory_space<vmem>> -> memref<1x128xi32, #tpu.memory_space<vmem>>
        %dma_start3A_316 = tpu.memref_squeeze %dma_start3A_315 : memref<1x128xi32, #tpu.memory_space<vmem>> -> memref<128xi32, #tpu.memory_space<vmem>>
        %dma_start3A_317 = arith.constant 0 : i32
        %dma_start3A_318 = arith.constant 0 : i32
        %dma_start3A_319 = tpu.memref_slice %arg15[%dma_start3A_317, %dma_start3A_318] : memref<10000x64xf32, #tpu.memory_space<vmem_shared>> -> memref<10000x64xf32, #tpu.memory_space<vmem_shared>>
        tpu.enqueue_indirect_dma source(%dma_start3A_319 : memref<10000x64xf32, #tpu.memory_space<vmem_shared>>) target(%dma_start3A_313 : memref<128x64xf32, #tpu.memory_space<vmem>>) offsets(%dma_start3A_316 : memref<128xi32, #tpu.memory_space<vmem>>) semaphore(%arg18 : memref<!tpu.dma_semaphore, #tpu.memory_space<semaphore_mem>>)
      } else {
      }
      %add3A_174 = arith.constant 2 : i32
      %add3A_175 = arith.addi %add3A_138, %add3A_174 : i32
      %lt3A_176 = arith.constant 160 : i32
      %lt3A_177 = arith.cmpi slt, %add3A_175, %lt3A_176 : i32
      %convert_element_type3A_178 = arith.extui %lt3A_177 : i1 to i32
      %cond3A_179 = arith.constant 0 : i32
      %cond3A_180 = arith.cmpi ne, %convert_element_type3A_178, %cond3A_179 : i32
      scf.if %cond3A_180 {
        %add3A_288 = arith.constant 2 : i32
        %add3A_289 = arith.addi %add3A_138, %add3A_288 : i32
        %dma_start3A_290 = arith.constant 3 : i32
        %dma_start3A_291 = arith.constant 0 : i32
        %dma_start3A_292 = tpu.memref_slice %arg11[%dma_start3A_290, %dma_start3A_291] : memref<4x128xi32, #tpu.memory_space<vmem>> -> memref<1x128xi32, #tpu.memory_space<vmem>>
        %dma_start3A_293 = tpu.memref_squeeze %dma_start3A_292 : memref<1x128xi32, #tpu.memory_space<vmem>> -> memref<128xi32, #tpu.memory_space<vmem>>
        %dma_start3A_294 = arith.constant 0 : i32
        %dma_start3A_295 = tpu.memref_slice %arg4[%arg1, %add3A_289, %dma_start3A_294] : memref<16x160x128xi32, #tpu.memory_space<hbm>> -> memref<1x1x128xi32, #tpu.memory_space<hbm>>
        %dma_start3A_296 = tpu.memref_squeeze %dma_start3A_295 : memref<1x1x128xi32, #tpu.memory_space<hbm>> -> memref<128xi32, #tpu.memory_space<hbm>>
        %dma_start3A_297 = arith.constant 0 : i32
        %dma_start3A_298 = tpu.memref_slice %arg11[%dma_start3A_290, %dma_start3A_297] : memref<4x128xi32, #tpu.memory_space<vmem>> -> memref<1x128xi32, #tpu.memory_space<vmem>>
        %dma_start3A_299 = tpu.memref_squeeze %dma_start3A_298 : memref<1x128xi32, #tpu.memory_space<vmem>> -> memref<128xi32, #tpu.memory_space<vmem>>
        %dma_start3A_300 = arith.constant 0 : i32
        %dma_start3A_301 = tpu.memref_slice %arg4[%arg1, %add3A_289, %dma_start3A_300] : memref<16x160x128xi32, #tpu.memory_space<hbm>> -> memref<1x1x128xi32, #tpu.memory_space<hbm>>
        %dma_start3A_302 = tpu.memref_squeeze %dma_start3A_301 : memref<1x1x128xi32, #tpu.memory_space<hbm>> -> memref<128xi32, #tpu.memory_space<hbm>>
        tpu.enqueue_dma source(%dma_start3A_302 : memref<128xi32, #tpu.memory_space<hbm>>) target(%dma_start3A_299 : memref<128xi32, #tpu.memory_space<vmem>>) target_semaphore(%arg23 : memref<!tpu.dma_semaphore, #tpu.memory_space<semaphore_mem>>)
      } else {
      }
      %eq3A_181 = arith.constant 1 : i32
      %eq3A_182 = arith.cmpi eq, %arg0, %eq3A_181 : i32
      %convert_element_type3A_183 = arith.extui %eq3A_182 : i1 to i32
      %cond3A_184 = arith.constant 0 : i32
      %cond3A_185 = arith.cmpi ne, %convert_element_type3A_183, %cond3A_184 : i32
      scf.if %cond3A_185 {
        %dma_wait3A_288 = arith.constant 1 : i32
        %dma_wait3A_289 = arith.constant 0 : i32
        %dma_wait3A_290 = tpu.memref_slice %arg11[%dma_wait3A_288, %dma_wait3A_289] : memref<4x128xi32, #tpu.memory_space<vmem>> -> memref<1x128xi32, #tpu.memory_space<vmem>>
        %dma_wait3A_291 = tpu.memref_squeeze %dma_wait3A_290 : memref<1x128xi32, #tpu.memory_space<vmem>> -> memref<128xi32, #tpu.memory_space<vmem>>
        %dma_wait3A_292 = arith.constant 0 : i32
        %dma_wait3A_293 = tpu.memref_slice %arg17[%dma_wait3A_292] : memref<10112xf32, #tpu.memory_space<vmem_shared>> -> memref<10112xf32, #tpu.memory_space<vmem_shared>>
        tpu.wait_indirect_dma semaphore(%arg24 : memref<!tpu.dma_semaphore, #tpu.memory_space<semaphore_mem>>) src(%arg13 : memref<128xf32, #tpu.memory_space<vmem>>) dst(%dma_wait3A_293 : memref<10112xf32, #tpu.memory_space<vmem_shared>>)
      } else {
      }
      %mul3A_186 = arith.constant 4 : i32
      %mul3A_187 = arith.muli %scan3A_87, %mul3A_186 : i32
      %add3A_188 = arith.constant 2 : i32
      %add3A_189 = arith.addi %mul3A_187, %add3A_188 : i32
      %dma_wait3A_190 = arith.constant 0 : i32
      %dma_wait3A_191 = arith.constant 0 : i32
      %dma_wait3A_192 = arith.constant 0 : i32
      %dma_wait3A_193 = tpu.memref_slice %arg12[%dma_wait3A_190, %dma_wait3A_191, %dma_wait3A_192] : memref<2x128x64xf32, #tpu.memory_space<vmem>> -> memref<1x128x64xf32, #tpu.memory_space<vmem>>
      %dma_wait3A_194 = tpu.memref_squeeze %dma_wait3A_193 : memref<1x128x64xf32, #tpu.memory_space<vmem>> -> memref<128x64xf32, #tpu.memory_space<vmem>>
      %dma_wait3A_195 = arith.constant 0 : i32
      %dma_wait3A_196 = tpu.memref_slice %arg10[%add3A_189, %dma_wait3A_195] : memref<160x128xi32, #tpu.memory_space<vmem>> -> memref<1x128xi32, #tpu.memory_space<vmem>>
      %dma_wait3A_197 = tpu.memref_squeeze %dma_wait3A_196 : memref<1x128xi32, #tpu.memory_space<vmem>> -> memref<128xi32, #tpu.memory_space<vmem>>
      %dma_wait3A_198 = arith.constant 0 : i32
      %dma_wait3A_199 = arith.constant 0 : i32
      %dma_wait3A_200 = tpu.memref_slice %arg15[%dma_wait3A_198, %dma_wait3A_199] : memref<10000x64xf32, #tpu.memory_space<vmem_shared>> -> memref<10000x64xf32, #tpu.memory_space<vmem_shared>>
      tpu.wait_indirect_dma semaphore(%arg18 : memref<!tpu.dma_semaphore, #tpu.memory_space<semaphore_mem>>) src(%dma_wait3A_200 : memref<10000x64xf32, #tpu.memory_space<vmem_shared>>) dst(%dma_wait3A_194 : memref<128x64xf32, #tpu.memory_space<vmem>>)
      %dma_start3A_201 = arith.constant 0 : i32
      %dma_start3A_202 = arith.constant 2 : i32
      %dma_start3A_203 = arith.constant 0 : i32
      %dma_start3A_204 = arith.constant 0 : i32
      %dma_start3A_205 = tpu.memref_slice %arg12[%dma_start3A_201, %dma_start3A_203, %dma_start3A_204] : memref<2x128x64xf32, #tpu.memory_space<vmem>> -> memref<1x128x64xf32, #tpu.memory_space<vmem>>
      %dma_start3A_206 = tpu.memref_squeeze %dma_start3A_205 : memref<1x128x64xf32, #tpu.memory_space<vmem>> -> memref<128x64xf32, #tpu.memory_space<vmem>>
      %dma_start3A_207 = arith.constant 0 : i32
      %dma_start3A_208 = tpu.memref_slice %arg11[%dma_start3A_202, %dma_start3A_207] : memref<4x128xi32, #tpu.memory_space<vmem>> -> memref<1x128xi32, #tpu.memory_space<vmem>>
      %dma_start3A_209 = tpu.memref_squeeze %dma_start3A_208 : memref<1x128xi32, #tpu.memory_space<vmem>> -> memref<128xi32, #tpu.memory_space<vmem>>
      %dma_start3A_210 = arith.constant 0 : i32
      %dma_start3A_211 = arith.constant 0 : i32
      %dma_start3A_212 = tpu.memref_slice %arg16[%dma_start3A_210, %dma_start3A_211] : memref<10112x64xf32, #tpu.memory_space<vmem_shared>> -> memref<10112x64xf32, #tpu.memory_space<vmem_shared>>
      tpu.enqueue_indirect_dma source(%dma_start3A_206 : memref<128x64xf32, #tpu.memory_space<vmem>>) target(%dma_start3A_212 : memref<10112x64xf32, #tpu.memory_space<vmem_shared>>) offsets(%dma_start3A_209 : memref<128xi32, #tpu.memory_space<vmem>>) semaphore(%arg20 : memref<!tpu.dma_semaphore, #tpu.memory_space<semaphore_mem>>) {add = true}
      %eq3A_213 = arith.constant 0 : i32
      %eq3A_214 = arith.cmpi eq, %arg0, %eq3A_213 : i32
      %convert_element_type3A_215 = arith.extui %eq3A_214 : i1 to i32
      %cond3A_216 = arith.constant 0 : i32
      %cond3A_217 = arith.cmpi ne, %convert_element_type3A_215, %cond3A_216 : i32
      scf.if %cond3A_217 {
        %dma_start3A_288 = arith.constant 2 : i32
        %dma_start3A_289 = arith.constant 0 : i32
        %dma_start3A_290 = tpu.memref_slice %arg11[%dma_start3A_288, %dma_start3A_289] : memref<4x128xi32, #tpu.memory_space<vmem>> -> memref<1x128xi32, #tpu.memory_space<vmem>>
        %dma_start3A_291 = tpu.memref_squeeze %dma_start3A_290 : memref<1x128xi32, #tpu.memory_space<vmem>> -> memref<128xi32, #tpu.memory_space<vmem>>
        %dma_start3A_292 = arith.constant 0 : i32
        %dma_start3A_293 = tpu.memref_slice %arg17[%dma_start3A_292] : memref<10112xf32, #tpu.memory_space<vmem_shared>> -> memref<10112xf32, #tpu.memory_space<vmem_shared>>
        tpu.enqueue_indirect_dma source(%arg13 : memref<128xf32, #tpu.memory_space<vmem>>) target(%dma_start3A_293 : memref<10112xf32, #tpu.memory_space<vmem_shared>>) offsets(%dma_start3A_291 : memref<128xi32, #tpu.memory_space<vmem>>) semaphore(%arg24 : memref<!tpu.dma_semaphore, #tpu.memory_space<semaphore_mem>>) {add = true}
      } else {
      }
      %add3A_218 = arith.constant 1 : i32
      %add3A_219 = arith.addi %add3A_189, %add3A_218 : i32
      %lt3A_220 = arith.constant 160 : i32
      %lt3A_221 = arith.cmpi slt, %add3A_219, %lt3A_220 : i32
      %convert_element_type3A_222 = arith.extui %lt3A_221 : i1 to i32
      %cond3A_223 = arith.constant 0 : i32
      %cond3A_224 = arith.cmpi ne, %convert_element_type3A_222, %cond3A_223 : i32
      scf.if %cond3A_224 {
        %add3A_288 = arith.constant 1 : i32
        %add3A_289 = arith.addi %add3A_189, %add3A_288 : i32
        %dma_wait3A_290 = arith.constant 3 : i32
        %dma_wait3A_291 = arith.constant 0 : i32
        %dma_wait3A_292 = tpu.memref_slice %arg11[%dma_wait3A_290, %dma_wait3A_291] : memref<4x128xi32, #tpu.memory_space<vmem>> -> memref<1x128xi32, #tpu.memory_space<vmem>>
        %dma_wait3A_293 = tpu.memref_squeeze %dma_wait3A_292 : memref<1x128xi32, #tpu.memory_space<vmem>> -> memref<128xi32, #tpu.memory_space<vmem>>
        %dma_wait3A_294 = arith.constant 0 : i32
        %dma_wait3A_295 = tpu.memref_slice %arg4[%arg1, %add3A_289, %dma_wait3A_294] : memref<16x160x128xi32, #tpu.memory_space<hbm>> -> memref<1x1x128xi32, #tpu.memory_space<hbm>>
        %dma_wait3A_296 = tpu.memref_squeeze %dma_wait3A_295 : memref<1x1x128xi32, #tpu.memory_space<hbm>> -> memref<128xi32, #tpu.memory_space<hbm>>
        %dma_wait3A_297 = arith.constant 0 : i32
        %dma_wait3A_298 = tpu.memref_slice %arg11[%dma_wait3A_290, %dma_wait3A_297] : memref<4x128xi32, #tpu.memory_space<vmem>> -> memref<1x128xi32, #tpu.memory_space<vmem>>
        %dma_wait3A_299 = tpu.memref_squeeze %dma_wait3A_298 : memref<1x128xi32, #tpu.memory_space<vmem>> -> memref<128xi32, #tpu.memory_space<vmem>>
        %dma_wait3A_300 = arith.constant 0 : i32
        %dma_wait3A_301 = tpu.memref_slice %arg4[%arg1, %add3A_289, %dma_wait3A_300] : memref<16x160x128xi32, #tpu.memory_space<hbm>> -> memref<1x1x128xi32, #tpu.memory_space<hbm>>
        %dma_wait3A_302 = tpu.memref_squeeze %dma_wait3A_301 : memref<1x1x128xi32, #tpu.memory_space<hbm>> -> memref<128xi32, #tpu.memory_space<hbm>>
        tpu.wait_dma2 semaphore(%arg23 : memref<!tpu.dma_semaphore, #tpu.memory_space<semaphore_mem>>) src(%dma_wait3A_302 : memref<128xi32, #tpu.memory_space<hbm>>) dst(%dma_wait3A_299 : memref<128xi32, #tpu.memory_space<vmem>>)
        %ge3A = arith.constant 1 : i32
        %ge3A_303 = arith.cmpi sge, %add3A_189, %ge3A : i32
        %convert_element_type3A_304 = arith.extui %ge3A_303 : i1 to i32
        %cond3A_305 = arith.constant 0 : i32
        %cond3A_306 = arith.cmpi ne, %convert_element_type3A_304, %cond3A_305 : i32
        scf.if %cond3A_306 {
          %dma_wait3A_320 = arith.constant 1 : i32
          %dma_wait3A_321 = arith.constant 1 : i32
          %dma_wait3A_322 = arith.constant 0 : i32
          %dma_wait3A_323 = arith.constant 0 : i32
          %dma_wait3A_324 = tpu.memref_slice %arg12[%dma_wait3A_320, %dma_wait3A_322, %dma_wait3A_323] : memref<2x128x64xf32, #tpu.memory_space<vmem>> -> memref<1x128x64xf32, #tpu.memory_space<vmem>>
          %dma_wait3A_325 = tpu.memref_squeeze %dma_wait3A_324 : memref<1x128x64xf32, #tpu.memory_space<vmem>> -> memref<128x64xf32, #tpu.memory_space<vmem>>
          %dma_wait3A_326 = arith.constant 0 : i32
          %dma_wait3A_327 = tpu.memref_slice %arg11[%dma_wait3A_321, %dma_wait3A_326] : memref<4x128xi32, #tpu.memory_space<vmem>> -> memref<1x128xi32, #tpu.memory_space<vmem>>
          %dma_wait3A_328 = tpu.memref_squeeze %dma_wait3A_327 : memref<1x128xi32, #tpu.memory_space<vmem>> -> memref<128xi32, #tpu.memory_space<vmem>>
          %dma_wait3A_329 = arith.constant 0 : i32
          %dma_wait3A_330 = arith.constant 0 : i32
          %dma_wait3A_331 = tpu.memref_slice %arg16[%dma_wait3A_329, %dma_wait3A_330] : memref<10112x64xf32, #tpu.memory_space<vmem_shared>> -> memref<10112x64xf32, #tpu.memory_space<vmem_shared>>
          tpu.wait_indirect_dma semaphore(%arg21 : memref<!tpu.dma_semaphore, #tpu.memory_space<semaphore_mem>>) src(%dma_wait3A_325 : memref<128x64xf32, #tpu.memory_space<vmem>>) dst(%dma_wait3A_331 : memref<10112x64xf32, #tpu.memory_space<vmem_shared>>)
        } else {
        }
        %add3A_307 = arith.constant 1 : i32
        %add3A_308 = arith.addi %add3A_189, %add3A_307 : i32
        %dma_start3A_309 = arith.constant 1 : i32
        %dma_start3A_310 = arith.constant 0 : i32
        %dma_start3A_311 = arith.constant 0 : i32
        %dma_start3A_312 = tpu.memref_slice %arg12[%dma_start3A_309, %dma_start3A_310, %dma_start3A_311] : memref<2x128x64xf32, #tpu.memory_space<vmem>> -> memref<1x128x64xf32, #tpu.memory_space<vmem>>
        %dma_start3A_313 = tpu.memref_squeeze %dma_start3A_312 : memref<1x128x64xf32, #tpu.memory_space<vmem>> -> memref<128x64xf32, #tpu.memory_space<vmem>>
        %dma_start3A_314 = arith.constant 0 : i32
        %dma_start3A_315 = tpu.memref_slice %arg10[%add3A_308, %dma_start3A_314] : memref<160x128xi32, #tpu.memory_space<vmem>> -> memref<1x128xi32, #tpu.memory_space<vmem>>
        %dma_start3A_316 = tpu.memref_squeeze %dma_start3A_315 : memref<1x128xi32, #tpu.memory_space<vmem>> -> memref<128xi32, #tpu.memory_space<vmem>>
        %dma_start3A_317 = arith.constant 0 : i32
        %dma_start3A_318 = arith.constant 0 : i32
        %dma_start3A_319 = tpu.memref_slice %arg15[%dma_start3A_317, %dma_start3A_318] : memref<10000x64xf32, #tpu.memory_space<vmem_shared>> -> memref<10000x64xf32, #tpu.memory_space<vmem_shared>>
        tpu.enqueue_indirect_dma source(%dma_start3A_319 : memref<10000x64xf32, #tpu.memory_space<vmem_shared>>) target(%dma_start3A_313 : memref<128x64xf32, #tpu.memory_space<vmem>>) offsets(%dma_start3A_316 : memref<128xi32, #tpu.memory_space<vmem>>) semaphore(%arg19 : memref<!tpu.dma_semaphore, #tpu.memory_space<semaphore_mem>>)
      } else {
      }
      %add3A_225 = arith.constant 2 : i32
      %add3A_226 = arith.addi %add3A_189, %add3A_225 : i32
      %lt3A_227 = arith.constant 160 : i32
      %lt3A_228 = arith.cmpi slt, %add3A_226, %lt3A_227 : i32
      %convert_element_type3A_229 = arith.extui %lt3A_228 : i1 to i32
      %cond3A_230 = arith.constant 0 : i32
      %cond3A_231 = arith.cmpi ne, %convert_element_type3A_229, %cond3A_230 : i32
      scf.if %cond3A_231 {
        %add3A_288 = arith.constant 2 : i32
        %add3A_289 = arith.addi %add3A_189, %add3A_288 : i32
        %dma_start3A_290 = arith.constant 0 : i32
        %dma_start3A_291 = arith.constant 0 : i32
        %dma_start3A_292 = tpu.memref_slice %arg11[%dma_start3A_290, %dma_start3A_291] : memref<4x128xi32, #tpu.memory_space<vmem>> -> memref<1x128xi32, #tpu.memory_space<vmem>>
        %dma_start3A_293 = tpu.memref_squeeze %dma_start3A_292 : memref<1x128xi32, #tpu.memory_space<vmem>> -> memref<128xi32, #tpu.memory_space<vmem>>
        %dma_start3A_294 = arith.constant 0 : i32
        %dma_start3A_295 = tpu.memref_slice %arg4[%arg1, %add3A_289, %dma_start3A_294] : memref<16x160x128xi32, #tpu.memory_space<hbm>> -> memref<1x1x128xi32, #tpu.memory_space<hbm>>
        %dma_start3A_296 = tpu.memref_squeeze %dma_start3A_295 : memref<1x1x128xi32, #tpu.memory_space<hbm>> -> memref<128xi32, #tpu.memory_space<hbm>>
        %dma_start3A_297 = arith.constant 0 : i32
        %dma_start3A_298 = tpu.memref_slice %arg11[%dma_start3A_290, %dma_start3A_297] : memref<4x128xi32, #tpu.memory_space<vmem>> -> memref<1x128xi32, #tpu.memory_space<vmem>>
        %dma_start3A_299 = tpu.memref_squeeze %dma_start3A_298 : memref<1x128xi32, #tpu.memory_space<vmem>> -> memref<128xi32, #tpu.memory_space<vmem>>
        %dma_start3A_300 = arith.constant 0 : i32
        %dma_start3A_301 = tpu.memref_slice %arg4[%arg1, %add3A_289, %dma_start3A_300] : memref<16x160x128xi32, #tpu.memory_space<hbm>> -> memref<1x1x128xi32, #tpu.memory_space<hbm>>
        %dma_start3A_302 = tpu.memref_squeeze %dma_start3A_301 : memref<1x1x128xi32, #tpu.memory_space<hbm>> -> memref<128xi32, #tpu.memory_space<hbm>>
        tpu.enqueue_dma source(%dma_start3A_302 : memref<128xi32, #tpu.memory_space<hbm>>) target(%dma_start3A_299 : memref<128xi32, #tpu.memory_space<vmem>>) target_semaphore(%arg22 : memref<!tpu.dma_semaphore, #tpu.memory_space<semaphore_mem>>)
      } else {
      }
      %eq3A_232 = arith.constant 0 : i32
      %eq3A_233 = arith.cmpi eq, %arg0, %eq3A_232 : i32
      %convert_element_type3A_234 = arith.extui %eq3A_233 : i1 to i32
      %cond3A_235 = arith.constant 0 : i32
      %cond3A_236 = arith.cmpi ne, %convert_element_type3A_234, %cond3A_235 : i32
      scf.if %cond3A_236 {
        %dma_wait3A_288 = arith.constant 2 : i32
        %dma_wait3A_289 = arith.constant 0 : i32
        %dma_wait3A_290 = tpu.memref_slice %arg11[%dma_wait3A_288, %dma_wait3A_289] : memref<4x128xi32, #tpu.memory_space<vmem>> -> memref<1x128xi32, #tpu.memory_space<vmem>>
        %dma_wait3A_291 = tpu.memref_squeeze %dma_wait3A_290 : memref<1x128xi32, #tpu.memory_space<vmem>> -> memref<128xi32, #tpu.memory_space<vmem>>
        %dma_wait3A_292 = arith.constant 0 : i32
        %dma_wait3A_293 = tpu.memref_slice %arg17[%dma_wait3A_292] : memref<10112xf32, #tpu.memory_space<vmem_shared>> -> memref<10112xf32, #tpu.memory_space<vmem_shared>>
        tpu.wait_indirect_dma semaphore(%arg24 : memref<!tpu.dma_semaphore, #tpu.memory_space<semaphore_mem>>) src(%arg13 : memref<128xf32, #tpu.memory_space<vmem>>) dst(%dma_wait3A_293 : memref<10112xf32, #tpu.memory_space<vmem_shared>>)
      } else {
      }
      %mul3A_237 = arith.constant 4 : i32
      %mul3A_238 = arith.muli %scan3A_87, %mul3A_237 : i32
      %add3A_239 = arith.constant 3 : i32
      %add3A_240 = arith.addi %mul3A_238, %add3A_239 : i32
      %dma_wait3A_241 = arith.constant 1 : i32
      %dma_wait3A_242 = arith.constant 0 : i32
      %dma_wait3A_243 = arith.constant 0 : i32
      %dma_wait3A_244 = tpu.memref_slice %arg12[%dma_wait3A_241, %dma_wait3A_242, %dma_wait3A_243] : memref<2x128x64xf32, #tpu.memory_space<vmem>> -> memref<1x128x64xf32, #tpu.memory_space<vmem>>
      %dma_wait3A_245 = tpu.memref_squeeze %dma_wait3A_244 : memref<1x128x64xf32, #tpu.memory_space<vmem>> -> memref<128x64xf32, #tpu.memory_space<vmem>>
      %dma_wait3A_246 = arith.constant 0 : i32
      %dma_wait3A_247 = tpu.memref_slice %arg10[%add3A_240, %dma_wait3A_246] : memref<160x128xi32, #tpu.memory_space<vmem>> -> memref<1x128xi32, #tpu.memory_space<vmem>>
      %dma_wait3A_248 = tpu.memref_squeeze %dma_wait3A_247 : memref<1x128xi32, #tpu.memory_space<vmem>> -> memref<128xi32, #tpu.memory_space<vmem>>
      %dma_wait3A_249 = arith.constant 0 : i32
      %dma_wait3A_250 = arith.constant 0 : i32
      %dma_wait3A_251 = tpu.memref_slice %arg15[%dma_wait3A_249, %dma_wait3A_250] : memref<10000x64xf32, #tpu.memory_space<vmem_shared>> -> memref<10000x64xf32, #tpu.memory_space<vmem_shared>>
      tpu.wait_indirect_dma semaphore(%arg19 : memref<!tpu.dma_semaphore, #tpu.memory_space<semaphore_mem>>) src(%dma_wait3A_251 : memref<10000x64xf32, #tpu.memory_space<vmem_shared>>) dst(%dma_wait3A_245 : memref<128x64xf32, #tpu.memory_space<vmem>>)
      %dma_start3A_252 = arith.constant 1 : i32
      %dma_start3A_253 = arith.constant 3 : i32
      %dma_start3A_254 = arith.constant 0 : i32
      %dma_start3A_255 = arith.constant 0 : i32
      %dma_start3A_256 = tpu.memref_slice %arg12[%dma_start3A_252, %dma_start3A_254, %dma_start3A_255] : memref<2x128x64xf32, #tpu.memory_space<vmem>> -> memref<1x128x64xf32, #tpu.memory_space<vmem>>
      %dma_start3A_257 = tpu.memref_squeeze %dma_start3A_256 : memref<1x128x64xf32, #tpu.memory_space<vmem>> -> memref<128x64xf32, #tpu.memory_space<vmem>>
      %dma_start3A_258 = arith.constant 0 : i32
      %dma_start3A_259 = tpu.memref_slice %arg11[%dma_start3A_253, %dma_start3A_258] : memref<4x128xi32, #tpu.memory_space<vmem>> -> memref<1x128xi32, #tpu.memory_space<vmem>>
      %dma_start3A_260 = tpu.memref_squeeze %dma_start3A_259 : memref<1x128xi32, #tpu.memory_space<vmem>> -> memref<128xi32, #tpu.memory_space<vmem>>
      %dma_start3A_261 = arith.constant 0 : i32
      %dma_start3A_262 = arith.constant 0 : i32
      %dma_start3A_263 = tpu.memref_slice %arg16[%dma_start3A_261, %dma_start3A_262] : memref<10112x64xf32, #tpu.memory_space<vmem_shared>> -> memref<10112x64xf32, #tpu.memory_space<vmem_shared>>
      tpu.enqueue_indirect_dma source(%dma_start3A_257 : memref<128x64xf32, #tpu.memory_space<vmem>>) target(%dma_start3A_263 : memref<10112x64xf32, #tpu.memory_space<vmem_shared>>) offsets(%dma_start3A_260 : memref<128xi32, #tpu.memory_space<vmem>>) semaphore(%arg21 : memref<!tpu.dma_semaphore, #tpu.memory_space<semaphore_mem>>) {add = true}
      %eq3A_264 = arith.constant 1 : i32
      %eq3A_265 = arith.cmpi eq, %arg0, %eq3A_264 : i32
      %convert_element_type3A_266 = arith.extui %eq3A_265 : i1 to i32
      %cond3A_267 = arith.constant 0 : i32
      %cond3A_268 = arith.cmpi ne, %convert_element_type3A_266, %cond3A_267 : i32
      scf.if %cond3A_268 {
        %dma_start3A_288 = arith.constant 3 : i32
        %dma_start3A_289 = arith.constant 0 : i32
        %dma_start3A_290 = tpu.memref_slice %arg11[%dma_start3A_288, %dma_start3A_289] : memref<4x128xi32, #tpu.memory_space<vmem>> -> memref<1x128xi32, #tpu.memory_space<vmem>>
        %dma_start3A_291 = tpu.memref_squeeze %dma_start3A_290 : memref<1x128xi32, #tpu.memory_space<vmem>> -> memref<128xi32, #tpu.memory_space<vmem>>
        %dma_start3A_292 = arith.constant 0 : i32
        %dma_start3A_293 = tpu.memref_slice %arg17[%dma_start3A_292] : memref<10112xf32, #tpu.memory_space<vmem_shared>> -> memref<10112xf32, #tpu.memory_space<vmem_shared>>
        tpu.enqueue_indirect_dma source(%arg13 : memref<128xf32, #tpu.memory_space<vmem>>) target(%dma_start3A_293 : memref<10112xf32, #tpu.memory_space<vmem_shared>>) offsets(%dma_start3A_291 : memref<128xi32, #tpu.memory_space<vmem>>) semaphore(%arg24 : memref<!tpu.dma_semaphore, #tpu.memory_space<semaphore_mem>>) {add = true}
      } else {
      }
      %add3A_269 = arith.constant 1 : i32
      %add3A_270 = arith.addi %add3A_240, %add3A_269 : i32
      %lt3A_271 = arith.constant 160 : i32
      %lt3A_272 = arith.cmpi slt, %add3A_270, %lt3A_271 : i32
      %convert_element_type3A_273 = arith.extui %lt3A_272 : i1 to i32
      %cond3A_274 = arith.constant 0 : i32
      %cond3A_275 = arith.cmpi ne, %convert_element_type3A_273, %cond3A_274 : i32
      scf.if %cond3A_275 {
        %add3A_288 = arith.constant 1 : i32
        %add3A_289 = arith.addi %add3A_240, %add3A_288 : i32
        %dma_wait3A_290 = arith.constant 0 : i32
        %dma_wait3A_291 = arith.constant 0 : i32
        %dma_wait3A_292 = tpu.memref_slice %arg11[%dma_wait3A_290, %dma_wait3A_291] : memref<4x128xi32, #tpu.memory_space<vmem>> -> memref<1x128xi32, #tpu.memory_space<vmem>>
        %dma_wait3A_293 = tpu.memref_squeeze %dma_wait3A_292 : memref<1x128xi32, #tpu.memory_space<vmem>> -> memref<128xi32, #tpu.memory_space<vmem>>
        %dma_wait3A_294 = arith.constant 0 : i32
        %dma_wait3A_295 = tpu.memref_slice %arg4[%arg1, %add3A_289, %dma_wait3A_294] : memref<16x160x128xi32, #tpu.memory_space<hbm>> -> memref<1x1x128xi32, #tpu.memory_space<hbm>>
        %dma_wait3A_296 = tpu.memref_squeeze %dma_wait3A_295 : memref<1x1x128xi32, #tpu.memory_space<hbm>> -> memref<128xi32, #tpu.memory_space<hbm>>
        %dma_wait3A_297 = arith.constant 0 : i32
        %dma_wait3A_298 = tpu.memref_slice %arg11[%dma_wait3A_290, %dma_wait3A_297] : memref<4x128xi32, #tpu.memory_space<vmem>> -> memref<1x128xi32, #tpu.memory_space<vmem>>
        %dma_wait3A_299 = tpu.memref_squeeze %dma_wait3A_298 : memref<1x128xi32, #tpu.memory_space<vmem>> -> memref<128xi32, #tpu.memory_space<vmem>>
        %dma_wait3A_300 = arith.constant 0 : i32
        %dma_wait3A_301 = tpu.memref_slice %arg4[%arg1, %add3A_289, %dma_wait3A_300] : memref<16x160x128xi32, #tpu.memory_space<hbm>> -> memref<1x1x128xi32, #tpu.memory_space<hbm>>
        %dma_wait3A_302 = tpu.memref_squeeze %dma_wait3A_301 : memref<1x1x128xi32, #tpu.memory_space<hbm>> -> memref<128xi32, #tpu.memory_space<hbm>>
        tpu.wait_dma2 semaphore(%arg22 : memref<!tpu.dma_semaphore, #tpu.memory_space<semaphore_mem>>) src(%dma_wait3A_302 : memref<128xi32, #tpu.memory_space<hbm>>) dst(%dma_wait3A_299 : memref<128xi32, #tpu.memory_space<vmem>>)
        %ge3A = arith.constant 1 : i32
        %ge3A_303 = arith.cmpi sge, %add3A_240, %ge3A : i32
        %convert_element_type3A_304 = arith.extui %ge3A_303 : i1 to i32
        %cond3A_305 = arith.constant 0 : i32
        %cond3A_306 = arith.cmpi ne, %convert_element_type3A_304, %cond3A_305 : i32
        scf.if %cond3A_306 {
          %dma_wait3A_320 = arith.constant 0 : i32
          %dma_wait3A_321 = arith.constant 2 : i32
          %dma_wait3A_322 = arith.constant 0 : i32
          %dma_wait3A_323 = arith.constant 0 : i32
          %dma_wait3A_324 = tpu.memref_slice %arg12[%dma_wait3A_320, %dma_wait3A_322, %dma_wait3A_323] : memref<2x128x64xf32, #tpu.memory_space<vmem>> -> memref<1x128x64xf32, #tpu.memory_space<vmem>>
          %dma_wait3A_325 = tpu.memref_squeeze %dma_wait3A_324 : memref<1x128x64xf32, #tpu.memory_space<vmem>> -> memref<128x64xf32, #tpu.memory_space<vmem>>
          %dma_wait3A_326 = arith.constant 0 : i32
          %dma_wait3A_327 = tpu.memref_slice %arg11[%dma_wait3A_321, %dma_wait3A_326] : memref<4x128xi32, #tpu.memory_space<vmem>> -> memref<1x128xi32, #tpu.memory_space<vmem>>
          %dma_wait3A_328 = tpu.memref_squeeze %dma_wait3A_327 : memref<1x128xi32, #tpu.memory_space<vmem>> -> memref<128xi32, #tpu.memory_space<vmem>>
          %dma_wait3A_329 = arith.constant 0 : i32
          %dma_wait3A_330 = arith.constant 0 : i32
          %dma_wait3A_331 = tpu.memref_slice %arg16[%dma_wait3A_329, %dma_wait3A_330] : memref<10112x64xf32, #tpu.memory_space<vmem_shared>> -> memref<10112x64xf32, #tpu.memory_space<vmem_shared>>
          tpu.wait_indirect_dma semaphore(%arg20 : memref<!tpu.dma_semaphore, #tpu.memory_space<semaphore_mem>>) src(%dma_wait3A_325 : memref<128x64xf32, #tpu.memory_space<vmem>>) dst(%dma_wait3A_331 : memref<10112x64xf32, #tpu.memory_space<vmem_shared>>)
        } else {
        }
        %add3A_307 = arith.constant 1 : i32
        %add3A_308 = arith.addi %add3A_240, %add3A_307 : i32
        %dma_start3A_309 = arith.constant 0 : i32
        %dma_start3A_310 = arith.constant 0 : i32
        %dma_start3A_311 = arith.constant 0 : i32
        %dma_start3A_312 = tpu.memref_slice %arg12[%dma_start3A_309, %dma_start3A_310, %dma_start3A_311] : memref<2x128x64xf32, #tpu.memory_space<vmem>> -> memref<1x128x64xf32, #tpu.memory_space<vmem>>
        %dma_start3A_313 = tpu.memref_squeeze %dma_start3A_312 : memref<1x128x64xf32, #tpu.memory_space<vmem>> -> memref<128x64xf32, #tpu.memory_space<vmem>>
        %dma_start3A_314 = arith.constant 0 : i32
        %dma_start3A_315 = tpu.memref_slice %arg10[%add3A_308, %dma_start3A_314] : memref<160x128xi32, #tpu.memory_space<vmem>> -> memref<1x128xi32, #tpu.memory_space<vmem>>
        %dma_start3A_316 = tpu.memref_squeeze %dma_start3A_315 : memref<1x128xi32, #tpu.memory_space<vmem>> -> memref<128xi32, #tpu.memory_space<vmem>>
        %dma_start3A_317 = arith.constant 0 : i32
        %dma_start3A_318 = arith.constant 0 : i32
        %dma_start3A_319 = tpu.memref_slice %arg15[%dma_start3A_317, %dma_start3A_318] : memref<10000x64xf32, #tpu.memory_space<vmem_shared>> -> memref<10000x64xf32, #tpu.memory_space<vmem_shared>>
        tpu.enqueue_indirect_dma source(%dma_start3A_319 : memref<10000x64xf32, #tpu.memory_space<vmem_shared>>) target(%dma_start3A_313 : memref<128x64xf32, #tpu.memory_space<vmem>>) offsets(%dma_start3A_316 : memref<128xi32, #tpu.memory_space<vmem>>) semaphore(%arg18 : memref<!tpu.dma_semaphore, #tpu.memory_space<semaphore_mem>>)
      } else {
      }
      %add3A_276 = arith.constant 2 : i32
      %add3A_277 = arith.addi %add3A_240, %add3A_276 : i32
      %lt3A_278 = arith.constant 160 : i32
      %lt3A_279 = arith.cmpi slt, %add3A_277, %lt3A_278 : i32
      %convert_element_type3A_280 = arith.extui %lt3A_279 : i1 to i32
      %cond3A_281 = arith.constant 0 : i32
      %cond3A_282 = arith.cmpi ne, %convert_element_type3A_280, %cond3A_281 : i32
      scf.if %cond3A_282 {
        %add3A_288 = arith.constant 2 : i32
        %add3A_289 = arith.addi %add3A_240, %add3A_288 : i32
        %dma_start3A_290 = arith.constant 1 : i32
        %dma_start3A_291 = arith.constant 0 : i32
        %dma_start3A_292 = tpu.memref_slice %arg11[%dma_start3A_290, %dma_start3A_291] : memref<4x128xi32, #tpu.memory_space<vmem>> -> memref<1x128xi32, #tpu.memory_space<vmem>>
        %dma_start3A_293 = tpu.memref_squeeze %dma_start3A_292 : memref<1x128xi32, #tpu.memory_space<vmem>> -> memref<128xi32, #tpu.memory_space<vmem>>
        %dma_start3A_294 = arith.constant 0 : i32
        %dma_start3A_295 = tpu.memref_slice %arg4[%arg1, %add3A_289, %dma_start3A_294] : memref<16x160x128xi32, #tpu.memory_space<hbm>> -> memref<1x1x128xi32, #tpu.memory_space<hbm>>
        %dma_start3A_296 = tpu.memref_squeeze %dma_start3A_295 : memref<1x1x128xi32, #tpu.memory_space<hbm>> -> memref<128xi32, #tpu.memory_space<hbm>>
        %dma_start3A_297 = arith.constant 0 : i32
        %dma_start3A_298 = tpu.memref_slice %arg11[%dma_start3A_290, %dma_start3A_297] : memref<4x128xi32, #tpu.memory_space<vmem>> -> memref<1x128xi32, #tpu.memory_space<vmem>>
        %dma_start3A_299 = tpu.memref_squeeze %dma_start3A_298 : memref<1x128xi32, #tpu.memory_space<vmem>> -> memref<128xi32, #tpu.memory_space<vmem>>
        %dma_start3A_300 = arith.constant 0 : i32
        %dma_start3A_301 = tpu.memref_slice %arg4[%arg1, %add3A_289, %dma_start3A_300] : memref<16x160x128xi32, #tpu.memory_space<hbm>> -> memref<1x1x128xi32, #tpu.memory_space<hbm>>
        %dma_start3A_302 = tpu.memref_squeeze %dma_start3A_301 : memref<1x1x128xi32, #tpu.memory_space<hbm>> -> memref<128xi32, #tpu.memory_space<hbm>>
        tpu.enqueue_dma source(%dma_start3A_302 : memref<128xi32, #tpu.memory_space<hbm>>) target(%dma_start3A_299 : memref<128xi32, #tpu.memory_space<vmem>>) target_semaphore(%arg23 : memref<!tpu.dma_semaphore, #tpu.memory_space<semaphore_mem>>)
      } else {
      }
      %eq3A_283 = arith.constant 1 : i32
      %eq3A_284 = arith.cmpi eq, %arg0, %eq3A_283 : i32
      %convert_element_type3A_285 = arith.extui %eq3A_284 : i1 to i32
      %cond3A_286 = arith.constant 0 : i32
      %cond3A_287 = arith.cmpi ne, %convert_element_type3A_285, %cond3A_286 : i32
      scf.if %cond3A_287 {
        %dma_wait3A_288 = arith.constant 3 : i32
        %dma_wait3A_289 = arith.constant 0 : i32
        %dma_wait3A_290 = tpu.memref_slice %arg11[%dma_wait3A_288, %dma_wait3A_289] : memref<4x128xi32, #tpu.memory_space<vmem>> -> memref<1x128xi32, #tpu.memory_space<vmem>>
        %dma_wait3A_291 = tpu.memref_squeeze %dma_wait3A_290 : memref<1x128xi32, #tpu.memory_space<vmem>> -> memref<128xi32, #tpu.memory_space<vmem>>
        %dma_wait3A_292 = arith.constant 0 : i32
        %dma_wait3A_293 = tpu.memref_slice %arg17[%dma_wait3A_292] : memref<10112xf32, #tpu.memory_space<vmem_shared>> -> memref<10112xf32, #tpu.memory_space<vmem_shared>>
        tpu.wait_indirect_dma semaphore(%arg24 : memref<!tpu.dma_semaphore, #tpu.memory_space<semaphore_mem>>) src(%arg13 : memref<128xf32, #tpu.memory_space<vmem>>) dst(%dma_wait3A_293 : memref<10112xf32, #tpu.memory_space<vmem_shared>>)
      } else {
      }
    }
    %scan3A_59 = arith.constant 40 : i32
    %dma_wait3A_60 = arith.constant 0 : i32
    %dma_wait3A_61 = arith.constant 2 : i32
    %dma_wait3A_62 = arith.constant 0 : i32
    %dma_wait3A_63 = arith.constant 0 : i32
    %dma_wait3A_64 = tpu.memref_slice %arg12[%dma_wait3A_60, %dma_wait3A_62, %dma_wait3A_63] : memref<2x128x64xf32, #tpu.memory_space<vmem>> -> memref<1x128x64xf32, #tpu.memory_space<vmem>>
    %dma_wait3A_65 = tpu.memref_squeeze %dma_wait3A_64 : memref<1x128x64xf32, #tpu.memory_space<vmem>> -> memref<128x64xf32, #tpu.memory_space<vmem>>
    %dma_wait3A_66 = arith.constant 0 : i32
    %dma_wait3A_67 = tpu.memref_slice %arg11[%dma_wait3A_61, %dma_wait3A_66] : memref<4x128xi32, #tpu.memory_space<vmem>> -> memref<1x128xi32, #tpu.memory_space<vmem>>
    %dma_wait3A_68 = tpu.memref_squeeze %dma_wait3A_67 : memref<1x128xi32, #tpu.memory_space<vmem>> -> memref<128xi32, #tpu.memory_space<vmem>>
    %dma_wait3A_69 = arith.constant 0 : i32
    %dma_wait3A_70 = arith.constant 0 : i32
    %dma_wait3A_71 = tpu.memref_slice %arg16[%dma_wait3A_69, %dma_wait3A_70] : memref<10112x64xf32, #tpu.memory_space<vmem_shared>> -> memref<10112x64xf32, #tpu.memory_space<vmem_shared>>
    tpu.wait_indirect_dma semaphore(%arg20 : memref<!tpu.dma_semaphore, #tpu.memory_space<semaphore_mem>>) src(%dma_wait3A_65 : memref<128x64xf32, #tpu.memory_space<vmem>>) dst(%dma_wait3A_71 : memref<10112x64xf32, #tpu.memory_space<vmem_shared>>)
    %dma_wait3A_72 = arith.constant 1 : i32
    %dma_wait3A_73 = arith.constant 3 : i32
    %dma_wait3A_74 = arith.constant 0 : i32
    %dma_wait3A_75 = arith.constant 0 : i32
    %dma_wait3A_76 = tpu.memref_slice %arg12[%dma_wait3A_72, %dma_wait3A_74, %dma_wait3A_75] : memref<2x128x64xf32, #tpu.memory_space<vmem>> -> memref<1x128x64xf32, #tpu.memory_space<vmem>>
    %dma_wait3A_77 = tpu.memref_squeeze %dma_wait3A_76 : memref<1x128x64xf32, #tpu.memory_space<vmem>> -> memref<128x64xf32, #tpu.memory_space<vmem>>
    %dma_wait3A_78 = arith.constant 0 : i32
    %dma_wait3A_79 = tpu.memref_slice %arg11[%dma_wait3A_73, %dma_wait3A_78] : memref<4x128xi32, #tpu.memory_space<vmem>> -> memref<1x128xi32, #tpu.memory_space<vmem>>
    %dma_wait3A_80 = tpu.memref_squeeze %dma_wait3A_79 : memref<1x128xi32, #tpu.memory_space<vmem>> -> memref<128xi32, #tpu.memory_space<vmem>>
    %dma_wait3A_81 = arith.constant 0 : i32
    %dma_wait3A_82 = arith.constant 0 : i32
    %dma_wait3A_83 = tpu.memref_slice %arg16[%dma_wait3A_81, %dma_wait3A_82] : memref<10112x64xf32, #tpu.memory_space<vmem_shared>> -> memref<10112x64xf32, #tpu.memory_space<vmem_shared>>
    tpu.wait_indirect_dma semaphore(%arg21 : memref<!tpu.dma_semaphore, #tpu.memory_space<semaphore_mem>>) src(%dma_wait3A_77 : memref<128x64xf32, #tpu.memory_space<vmem>>) dst(%dma_wait3A_83 : memref<10112x64xf32, #tpu.memory_space<vmem_shared>>)
    %barrier3A_84 = arith.constant 0 : index
    tpu.barrier barrier_id(%barrier3A_84)
    "tpu.region"() ({
      %run_scoped3A = tpu.sem_alloc : memref<!tpu.dma_semaphore, #tpu.memory_space<semaphore_mem>>
      %dma_start3A_87 = arith.constant 0 : i32
      %dma_start3A_88 = tpu.memref_slice %arg8[%arg0, %mul3A_0, %dma_start3A_87] : memref<2x10112x64xf32, #tpu.memory_space<hbm>> -> memref<1x632x64xf32, #tpu.memory_space<hbm>>
      %dma_start3A_89 = tpu.memref_squeeze %dma_start3A_88 : memref<1x632x64xf32, #tpu.memory_space<hbm>> -> memref<632x64xf32, #tpu.memory_space<hbm>>
      %dma_start3A_90 = arith.constant 0 : i32
      %dma_start3A_91 = tpu.memref_slice %arg16[%mul3A_0, %dma_start3A_90] : memref<10112x64xf32, #tpu.memory_space<vmem_shared>> -> memref<632x64xf32, #tpu.memory_space<vmem_shared>>
      tpu.enqueue_dma source(%dma_start3A_91 : memref<632x64xf32, #tpu.memory_space<vmem_shared>>) target(%dma_start3A_89 : memref<632x64xf32, #tpu.memory_space<hbm>>) target_semaphore(%run_scoped3A : memref<!tpu.dma_semaphore, #tpu.memory_space<semaphore_mem>>)
      %dma_wait3A_92 = arith.constant 0 : i32
      %dma_wait3A_93 = tpu.memref_slice %arg8[%arg0, %mul3A_0, %dma_wait3A_92] : memref<2x10112x64xf32, #tpu.memory_space<hbm>> -> memref<1x632x64xf32, #tpu.memory_space<hbm>>
      %dma_wait3A_94 = tpu.memref_squeeze %dma_wait3A_93 : memref<1x632x64xf32, #tpu.memory_space<hbm>> -> memref<632x64xf32, #tpu.memory_space<hbm>>
      %dma_wait3A_95 = arith.constant 0 : i32
      %dma_wait3A_96 = tpu.memref_slice %arg16[%mul3A_0, %dma_wait3A_95] : memref<10112x64xf32, #tpu.memory_space<vmem_shared>> -> memref<632x64xf32, #tpu.memory_space<vmem_shared>>
      tpu.wait_dma2 semaphore(%run_scoped3A : memref<!tpu.dma_semaphore, #tpu.memory_space<semaphore_mem>>) src(%dma_wait3A_96 : memref<632x64xf32, #tpu.memory_space<vmem_shared>>) dst(%dma_wait3A_94 : memref<632x64xf32, #tpu.memory_space<hbm>>)
      tpu.yield
    }) : () -> ()
    "tpu.region"() ({
      %run_scoped3A = tpu.sem_alloc : memref<!tpu.dma_semaphore, #tpu.memory_space<semaphore_mem>>
      %dma_start3A_87 = tpu.memref_slice %arg17[%mul3A_0] : memref<10112xf32, #tpu.memory_space<vmem_shared>> -> memref<632xf32, #tpu.memory_space<vmem_shared>>
      %dma_start3A_88 = tpu.memref_slice %arg17[%mul3A_0] : memref<10112xf32, #tpu.memory_space<vmem_shared>> -> memref<632xf32, #tpu.memory_space<vmem_shared>>
      tpu.enqueue_dma source(%dma_start3A_88 : memref<632xf32, #tpu.memory_space<vmem_shared>>) target(%arg14 : memref<632xf32, #tpu.memory_space<vmem>>) target_semaphore(%run_scoped3A : memref<!tpu.dma_semaphore, #tpu.memory_space<semaphore_mem>>)
      %dma_wait3A_89 = tpu.memref_slice %arg17[%mul3A_0] : memref<10112xf32, #tpu.memory_space<vmem_shared>> -> memref<632xf32, #tpu.memory_space<vmem_shared>>
      %dma_wait3A_90 = tpu.memref_slice %arg17[%mul3A_0] : memref<10112xf32, #tpu.memory_space<vmem_shared>> -> memref<632xf32, #tpu.memory_space<vmem_shared>>
      tpu.wait_dma2 semaphore(%run_scoped3A : memref<!tpu.dma_semaphore, #tpu.memory_space<semaphore_mem>>) src(%dma_wait3A_90 : memref<632xf32, #tpu.memory_space<vmem_shared>>) dst(%arg14 : memref<632xf32, #tpu.memory_space<vmem>>)
      tpu.yield
    }) : () -> ()
    %mul3A_85 = arith.constant 10112 : i32
    %mul3A_86 = arith.muli %arg0, %mul3A_85 : i32
    %add3A = arith.addi %mul3A_86, %mul3A_0 : i32
    "tpu.region"() ({
      %run_scoped3A = tpu.sem_alloc : memref<!tpu.dma_semaphore, #tpu.memory_space<semaphore_mem>>
      %dma_start3A_87 = tpu.memref_slice %arg9[%add3A] : memref<20224xf32, #tpu.memory_space<hbm>> -> memref<632xf32, #tpu.memory_space<hbm>>
      %dma_start3A_88 = tpu.memref_slice %arg9[%add3A] : memref<20224xf32, #tpu.memory_space<hbm>> -> memref<632xf32, #tpu.memory_space<hbm>>
      tpu.enqueue_dma source(%arg14 : memref<632xf32, #tpu.memory_space<vmem>>) target(%dma_start3A_88 : memref<632xf32, #tpu.memory_space<hbm>>) target_semaphore(%run_scoped3A : memref<!tpu.dma_semaphore, #tpu.memory_space<semaphore_mem>>)
      %dma_wait3A_89 = tpu.memref_slice %arg9[%add3A] : memref<20224xf32, #tpu.memory_space<hbm>> -> memref<632xf32, #tpu.memory_space<hbm>>
      %dma_wait3A_90 = tpu.memref_slice %arg9[%add3A] : memref<20224xf32, #tpu.memory_space<hbm>> -> memref<632xf32, #tpu.memory_space<hbm>>
      tpu.wait_dma2 semaphore(%run_scoped3A : memref<!tpu.dma_semaphore, #tpu.memory_space<semaphore_mem>>) src(%arg14 : memref<632xf32, #tpu.memory_space<vmem>>) dst(%dma_wait3A_90 : memref<632xf32, #tpu.memory_space<hbm>>)
      tpu.yield
    }) : () -> ()
    return
  }
}

#map = affine_map<(d0, d1) -> (0, 0, 0)>
#map1 = affine_map<(d0, d1) -> (0, 0)>
#map2 = affine_map<(d0, d1) -> (0)>
module attributes {stable_mosaic.version = 14 : i64} {
  func.func @agg(%arg0: i32, %arg1: i32, %arg2: memref<2x10000x64xf32, #tpu.memory_space<hbm>>, %arg3: memref<16x160x128xi32, #tpu.memory_space<hbm>>, %arg4: memref<16x160x128xi32, #tpu.memory_space<hbm>>, %arg5: memref<10112x64xf32, #tpu.memory_space<hbm>>, %arg6: memref<10112xf32, #tpu.memory_space<hbm>>, %arg7: memref<128xf32, #tpu.memory_space<hbm>>, %arg8: memref<2x10112x64xf32, #tpu.memory_space<hbm>>, %arg9: memref<20224xf32, #tpu.memory_space<hbm>>, %arg10: memref<160x128xi32, #tpu.memory_space<vmem>>, %arg11: memref<4x128xi32, #tpu.memory_space<vmem>>, %arg12: memref<2x128x64xf32, #tpu.memory_space<vmem>>, %arg13: memref<128xf32, #tpu.memory_space<vmem>>, %arg14: memref<632xf32, #tpu.memory_space<vmem>>, %arg15: memref<10000x64xf32, #tpu.memory_space<vmem_shared>>, %arg16: memref<10112x64xf32, #tpu.memory_space<vmem_shared>>, %arg17: memref<10112xf32, #tpu.memory_space<vmem_shared>>, %arg18: memref<!tpu.dma_semaphore, #tpu.memory_space<semaphore_mem>>, %arg19: memref<!tpu.dma_semaphore, #tpu.memory_space<semaphore_mem>>, %arg20: memref<!tpu.dma_semaphore, #tpu.memory_space<semaphore_mem>>, %arg21: memref<!tpu.dma_semaphore, #tpu.memory_space<semaphore_mem>>, %arg22: memref<!tpu.dma_semaphore, #tpu.memory_space<semaphore_mem>>, %arg23: memref<!tpu.dma_semaphore, #tpu.memory_space<semaphore_mem>>, %arg24: memref<!tpu.dma_semaphore, #tpu.memory_space<semaphore_mem>>) attributes {dimension_semantics = [#tpu.dimension_semantics<core_parallel>, #tpu.dimension_semantics<subcore_parallel>], iteration_bounds = array<i64: 2, 16>, scalar_prefetch = 0 : i64, scratch_operands = 15 : i64, tpu.core_type = #tpu.core_type<sc_vector_subcore>, window_params = [{transform_indices = #map}, {transform_indices = #map}, {transform_indices = #map}, {transform_indices = #map1}, {transform_indices = #map2}, {transform_indices = #map2}, {transform_indices = #map}, {transform_indices = #map2}]} {
    %mul3A = arith.constant 632 : i32
    %mul3A_0 = arith.muli %arg1, %mul3A : i32
    %mul3A_1 = arith.constant 625 : i32
    %mul3A_2 = arith.muli %arg1, %mul3A_1 : i32
    "tpu.region"() ({
      %run_scoped3A = tpu.sem_alloc : memref<!tpu.dma_semaphore, #tpu.memory_space<semaphore_mem>>
      %dma_start3A_85 = arith.constant 0 : i32
      %dma_start3A_86 = arith.constant 0 : i32
      %dma_start3A_87 = tpu.memref_slice %arg3[%arg1, %dma_start3A_85, %dma_start3A_86] : memref<16x160x128xi32, #tpu.memory_space<hbm>> -> memref<1x160x128xi32, #tpu.memory_space<hbm>>
      %dma_start3A_88 = tpu.memref_squeeze %dma_start3A_87 : memref<1x160x128xi32, #tpu.memory_space<hbm>> -> memref<160x128xi32, #tpu.memory_space<hbm>>
      %dma_start3A_89 = arith.constant 0 : i32
      %dma_start3A_90 = arith.constant 0 : i32
      %dma_start3A_91 = tpu.memref_slice %arg3[%arg1, %dma_start3A_89, %dma_start3A_90] : memref<16x160x128xi32, #tpu.memory_space<hbm>> -> memref<1x160x128xi32, #tpu.memory_space<hbm>>
      %dma_start3A_92 = tpu.memref_squeeze %dma_start3A_91 : memref<1x160x128xi32, #tpu.memory_space<hbm>> -> memref<160x128xi32, #tpu.memory_space<hbm>>
      tpu.enqueue_dma source(%dma_start3A_92 : memref<160x128xi32, #tpu.memory_space<hbm>>) target(%arg10 : memref<160x128xi32, #tpu.memory_space<vmem>>) target_semaphore(%run_scoped3A : memref<!tpu.dma_semaphore, #tpu.memory_space<semaphore_mem>>)
      %dma_wait3A_93 = arith.constant 0 : i32
      %dma_wait3A_94 = arith.constant 0 : i32
      %dma_wait3A_95 = tpu.memref_slice %arg3[%arg1, %dma_wait3A_93, %dma_wait3A_94] : memref<16x160x128xi32, #tpu.memory_space<hbm>> -> memref<1x160x128xi32, #tpu.memory_space<hbm>>
      %dma_wait3A_96 = tpu.memref_squeeze %dma_wait3A_95 : memref<1x160x128xi32, #tpu.memory_space<hbm>> -> memref<160x128xi32, #tpu.memory_space<hbm>>
      %dma_wait3A_97 = arith.constant 0 : i32
      %dma_wait3A_98 = arith.constant 0 : i32
      %dma_wait3A_99 = tpu.memref_slice %arg3[%arg1, %dma_wait3A_97, %dma_wait3A_98] : memref<16x160x128xi32, #tpu.memory_space<hbm>> -> memref<1x160x128xi32, #tpu.memory_space<hbm>>
      %dma_wait3A_100 = tpu.memref_squeeze %dma_wait3A_99 : memref<1x160x128xi32, #tpu.memory_space<hbm>> -> memref<160x128xi32, #tpu.memory_space<hbm>>
      tpu.wait_dma2 semaphore(%run_scoped3A : memref<!tpu.dma_semaphore, #tpu.memory_space<semaphore_mem>>) src(%dma_wait3A_100 : memref<160x128xi32, #tpu.memory_space<hbm>>) dst(%arg10 : memref<160x128xi32, #tpu.memory_space<vmem>>)
      tpu.yield
    }) : () -> ()
    "tpu.region"() ({
      %run_scoped3A = tpu.sem_alloc : memref<!tpu.dma_semaphore, #tpu.memory_space<semaphore_mem>>
      %dma_start3A_85 = arith.constant 0 : i32
      %dma_start3A_86 = tpu.memref_slice %arg15[%mul3A_2, %dma_start3A_85] : memref<10000x64xf32, #tpu.memory_space<vmem_shared>> -> memref<625x64xf32, #tpu.memory_space<vmem_shared>>
      %dma_start3A_87 = arith.constant 0 : i32
      %dma_start3A_88 = arith.constant 0 : i32
      %dma_start3A_89 = tpu.memref_slice %arg2[%arg0, %dma_start3A_87, %dma_start3A_88] : memref<2x10000x64xf32, #tpu.memory_space<hbm>> -> memref<1x10000x64xf32, #tpu.memory_space<hbm>>
      %dma_start3A_90 = tpu.memref_squeeze %dma_start3A_89 : memref<1x10000x64xf32, #tpu.memory_space<hbm>> -> memref<10000x64xf32, #tpu.memory_space<hbm>>
      %dma_start3A_91 = arith.constant 0 : i32
      %dma_start3A_92 = tpu.memref_slice %dma_start3A_90[%mul3A_2, %dma_start3A_91] : memref<10000x64xf32, #tpu.memory_space<hbm>> -> memref<625x64xf32, #tpu.memory_space<hbm>>
      tpu.enqueue_dma source(%dma_start3A_92 : memref<625x64xf32, #tpu.memory_space<hbm>>) target(%dma_start3A_86 : memref<625x64xf32, #tpu.memory_space<vmem_shared>>) target_semaphore(%run_scoped3A : memref<!tpu.dma_semaphore, #tpu.memory_space<semaphore_mem>>)
      %dma_wait3A_93 = arith.constant 0 : i32
      %dma_wait3A_94 = tpu.memref_slice %arg15[%mul3A_2, %dma_wait3A_93] : memref<10000x64xf32, #tpu.memory_space<vmem_shared>> -> memref<625x64xf32, #tpu.memory_space<vmem_shared>>
      %dma_wait3A_95 = arith.constant 0 : i32
      %dma_wait3A_96 = arith.constant 0 : i32
      %dma_wait3A_97 = tpu.memref_slice %arg2[%arg0, %dma_wait3A_95, %dma_wait3A_96] : memref<2x10000x64xf32, #tpu.memory_space<hbm>> -> memref<1x10000x64xf32, #tpu.memory_space<hbm>>
      %dma_wait3A_98 = tpu.memref_squeeze %dma_wait3A_97 : memref<1x10000x64xf32, #tpu.memory_space<hbm>> -> memref<10000x64xf32, #tpu.memory_space<hbm>>
      %dma_wait3A_99 = arith.constant 0 : i32
      %dma_wait3A_100 = tpu.memref_slice %dma_wait3A_98[%mul3A_2, %dma_wait3A_99] : memref<10000x64xf32, #tpu.memory_space<hbm>> -> memref<625x64xf32, #tpu.memory_space<hbm>>
      tpu.wait_dma2 semaphore(%run_scoped3A : memref<!tpu.dma_semaphore, #tpu.memory_space<semaphore_mem>>) src(%dma_wait3A_100 : memref<625x64xf32, #tpu.memory_space<hbm>>) dst(%dma_wait3A_94 : memref<625x64xf32, #tpu.memory_space<vmem_shared>>)
      tpu.yield
    }) : () -> ()
    "tpu.region"() ({
      %run_scoped3A = tpu.sem_alloc : memref<!tpu.dma_semaphore, #tpu.memory_space<semaphore_mem>>
      %dma_start3A_85 = arith.constant 0 : i32
      %dma_start3A_86 = tpu.memref_slice %arg16[%mul3A_0, %dma_start3A_85] : memref<10112x64xf32, #tpu.memory_space<vmem_shared>> -> memref<632x64xf32, #tpu.memory_space<vmem_shared>>
      %dma_start3A_87 = arith.constant 0 : i32
      %dma_start3A_88 = tpu.memref_slice %arg5[%mul3A_0, %dma_start3A_87] : memref<10112x64xf32, #tpu.memory_space<hbm>> -> memref<632x64xf32, #tpu.memory_space<hbm>>
      tpu.enqueue_dma source(%dma_start3A_88 : memref<632x64xf32, #tpu.memory_space<hbm>>) target(%dma_start3A_86 : memref<632x64xf32, #tpu.memory_space<vmem_shared>>) target_semaphore(%run_scoped3A : memref<!tpu.dma_semaphore, #tpu.memory_space<semaphore_mem>>)
      %dma_wait3A_89 = arith.constant 0 : i32
      %dma_wait3A_90 = tpu.memref_slice %arg16[%mul3A_0, %dma_wait3A_89] : memref<10112x64xf32, #tpu.memory_space<vmem_shared>> -> memref<632x64xf32, #tpu.memory_space<vmem_shared>>
      %dma_wait3A_91 = arith.constant 0 : i32
      %dma_wait3A_92 = tpu.memref_slice %arg5[%mul3A_0, %dma_wait3A_91] : memref<10112x64xf32, #tpu.memory_space<hbm>> -> memref<632x64xf32, #tpu.memory_space<hbm>>
      tpu.wait_dma2 semaphore(%run_scoped3A : memref<!tpu.dma_semaphore, #tpu.memory_space<semaphore_mem>>) src(%dma_wait3A_92 : memref<632x64xf32, #tpu.memory_space<hbm>>) dst(%dma_wait3A_90 : memref<632x64xf32, #tpu.memory_space<vmem_shared>>)
      tpu.yield
    }) : () -> ()
    %barrier3A = arith.constant 0 : index
    tpu.barrier barrier_id(%barrier3A)
    %dma_start3A = arith.constant 0 : i32
    %dma_start3A_3 = arith.constant 0 : i32
    %dma_start3A_4 = arith.constant 0 : i32
    %dma_start3A_5 = tpu.memref_slice %arg11[%dma_start3A_3, %dma_start3A_4] : memref<4x128xi32, #tpu.memory_space<vmem>> -> memref<1x128xi32, #tpu.memory_space<vmem>>
    %dma_start3A_6 = tpu.memref_squeeze %dma_start3A_5 : memref<1x128xi32, #tpu.memory_space<vmem>> -> memref<128xi32, #tpu.memory_space<vmem>>
    %dma_start3A_7 = arith.constant 0 : i32
    %dma_start3A_8 = tpu.memref_slice %arg4[%arg1, %dma_start3A, %dma_start3A_7] : memref<16x160x128xi32, #tpu.memory_space<hbm>> -> memref<1x1x128xi32, #tpu.memory_space<hbm>>
    %dma_start3A_9 = tpu.memref_squeeze %dma_start3A_8 : memref<1x1x128xi32, #tpu.memory_space<hbm>> -> memref<128xi32, #tpu.memory_space<hbm>>
    %dma_start3A_10 = arith.constant 0 : i32
    %dma_start3A_11 = tpu.memref_slice %arg11[%dma_start3A_3, %dma_start3A_10] : memref<4x128xi32, #tpu.memory_space<vmem>> -> memref<1x128xi32, #tpu.memory_space<vmem>>
    %dma_start3A_12 = tpu.memref_squeeze %dma_start3A_11 : memref<1x128xi32, #tpu.memory_space<vmem>> -> memref<128xi32, #tpu.memory_space<vmem>>
    %dma_start3A_13 = arith.constant 0 : i32
    %dma_start3A_14 = tpu.memref_slice %arg4[%arg1, %dma_start3A, %dma_start3A_13] : memref<16x160x128xi32, #tpu.memory_space<hbm>> -> memref<1x1x128xi32, #tpu.memory_space<hbm>>
    %dma_start3A_15 = tpu.memref_squeeze %dma_start3A_14 : memref<1x1x128xi32, #tpu.memory_space<hbm>> -> memref<128xi32, #tpu.memory_space<hbm>>
    tpu.enqueue_dma source(%dma_start3A_15 : memref<128xi32, #tpu.memory_space<hbm>>) target(%dma_start3A_12 : memref<128xi32, #tpu.memory_space<vmem>>) target_semaphore(%arg22 : memref<!tpu.dma_semaphore, #tpu.memory_space<semaphore_mem>>)
    %dma_wait3A = arith.constant 0 : i32
    %dma_wait3A_16 = arith.constant 0 : i32
    %dma_wait3A_17 = arith.constant 0 : i32
    %dma_wait3A_18 = tpu.memref_slice %arg11[%dma_wait3A_16, %dma_wait3A_17] : memref<4x128xi32, #tpu.memory_space<vmem>> -> memref<1x128xi32, #tpu.memory_space<vmem>>
    %dma_wait3A_19 = tpu.memref_squeeze %dma_wait3A_18 : memref<1x128xi32, #tpu.memory_space<vmem>> -> memref<128xi32, #tpu.memory_space<vmem>>
    %dma_wait3A_20 = arith.constant 0 : i32
    %dma_wait3A_21 = tpu.memref_slice %arg4[%arg1, %dma_wait3A, %dma_wait3A_20] : memref<16x160x128xi32, #tpu.memory_space<hbm>> -> memref<1x1x128xi32, #tpu.memory_space<hbm>>
    %dma_wait3A_22 = tpu.memref_squeeze %dma_wait3A_21 : memref<1x1x128xi32, #tpu.memory_space<hbm>> -> memref<128xi32, #tpu.memory_space<hbm>>
    %dma_wait3A_23 = arith.constant 0 : i32
    %dma_wait3A_24 = tpu.memref_slice %arg11[%dma_wait3A_16, %dma_wait3A_23] : memref<4x128xi32, #tpu.memory_space<vmem>> -> memref<1x128xi32, #tpu.memory_space<vmem>>
    %dma_wait3A_25 = tpu.memref_squeeze %dma_wait3A_24 : memref<1x128xi32, #tpu.memory_space<vmem>> -> memref<128xi32, #tpu.memory_space<vmem>>
    %dma_wait3A_26 = arith.constant 0 : i32
    %dma_wait3A_27 = tpu.memref_slice %arg4[%arg1, %dma_wait3A, %dma_wait3A_26] : memref<16x160x128xi32, #tpu.memory_space<hbm>> -> memref<1x1x128xi32, #tpu.memory_space<hbm>>
    %dma_wait3A_28 = tpu.memref_squeeze %dma_wait3A_27 : memref<1x1x128xi32, #tpu.memory_space<hbm>> -> memref<128xi32, #tpu.memory_space<hbm>>
    tpu.wait_dma2 semaphore(%arg22 : memref<!tpu.dma_semaphore, #tpu.memory_space<semaphore_mem>>) src(%dma_wait3A_28 : memref<128xi32, #tpu.memory_space<hbm>>) dst(%dma_wait3A_25 : memref<128xi32, #tpu.memory_space<vmem>>)
    %dma_start3A_29 = arith.constant 1 : i32
    %dma_start3A_30 = arith.constant 1 : i32
    %dma_start3A_31 = arith.constant 0 : i32
    %dma_start3A_32 = tpu.memref_slice %arg11[%dma_start3A_30, %dma_start3A_31] : memref<4x128xi32, #tpu.memory_space<vmem>> -> memref<1x128xi32, #tpu.memory_space<vmem>>
    %dma_start3A_33 = tpu.memref_squeeze %dma_start3A_32 : memref<1x128xi32, #tpu.memory_space<vmem>> -> memref<128xi32, #tpu.memory_space<vmem>>
    %dma_start3A_34 = arith.constant 0 : i32
    %dma_start3A_35 = tpu.memref_slice %arg4[%arg1, %dma_start3A_29, %dma_start3A_34] : memref<16x160x128xi32, #tpu.memory_space<hbm>> -> memref<1x1x128xi32, #tpu.memory_space<hbm>>
    %dma_start3A_36 = tpu.memref_squeeze %dma_start3A_35 : memref<1x1x128xi32, #tpu.memory_space<hbm>> -> memref<128xi32, #tpu.memory_space<hbm>>
    %dma_start3A_37 = arith.constant 0 : i32
    %dma_start3A_38 = tpu.memref_slice %arg11[%dma_start3A_30, %dma_start3A_37] : memref<4x128xi32, #tpu.memory_space<vmem>> -> memref<1x128xi32, #tpu.memory_space<vmem>>
    %dma_start3A_39 = tpu.memref_squeeze %dma_start3A_38 : memref<1x128xi32, #tpu.memory_space<vmem>> -> memref<128xi32, #tpu.memory_space<vmem>>
    %dma_start3A_40 = arith.constant 0 : i32
    %dma_start3A_41 = tpu.memref_slice %arg4[%arg1, %dma_start3A_29, %dma_start3A_40] : memref<16x160x128xi32, #tpu.memory_space<hbm>> -> memref<1x1x128xi32, #tpu.memory_space<hbm>>
    %dma_start3A_42 = tpu.memref_squeeze %dma_start3A_41 : memref<1x1x128xi32, #tpu.memory_space<hbm>> -> memref<128xi32, #tpu.memory_space<hbm>>
    tpu.enqueue_dma source(%dma_start3A_42 : memref<128xi32, #tpu.memory_space<hbm>>) target(%dma_start3A_39 : memref<128xi32, #tpu.memory_space<vmem>>) target_semaphore(%arg23 : memref<!tpu.dma_semaphore, #tpu.memory_space<semaphore_mem>>)
    %dma_start3A_43 = arith.constant 0 : i32
    %dma_start3A_44 = arith.constant 0 : i32
    %dma_start3A_45 = arith.constant 0 : i32
    %dma_start3A_46 = arith.constant 0 : i32
    %dma_start3A_47 = tpu.memref_slice %arg12[%dma_start3A_44, %dma_start3A_45, %dma_start3A_46] : memref<2x128x64xf32, #tpu.memory_space<vmem>> -> memref<1x128x64xf32, #tpu.memory_space<vmem>>
    %dma_start3A_48 = tpu.memref_squeeze %dma_start3A_47 : memref<1x128x64xf32, #tpu.memory_space<vmem>> -> memref<128x64xf32, #tpu.memory_space<vmem>>
    %dma_start3A_49 = arith.constant 0 : i32
    %dma_start3A_50 = tpu.memref_slice %arg10[%dma_start3A_43, %dma_start3A_49] : memref<160x128xi32, #tpu.memory_space<vmem>> -> memref<1x128xi32, #tpu.memory_space<vmem>>
    %dma_start3A_51 = tpu.memref_squeeze %dma_start3A_50 : memref<1x128xi32, #tpu.memory_space<vmem>> -> memref<128xi32, #tpu.memory_space<vmem>>
    %dma_start3A_52 = arith.constant 0 : i32
    %dma_start3A_53 = arith.constant 0 : i32
    %dma_start3A_54 = tpu.memref_slice %arg15[%dma_start3A_52, %dma_start3A_53] : memref<10000x64xf32, #tpu.memory_space<vmem_shared>> -> memref<10000x64xf32, #tpu.memory_space<vmem_shared>>
    tpu.enqueue_indirect_dma source(%dma_start3A_54 : memref<10000x64xf32, #tpu.memory_space<vmem_shared>>) target(%dma_start3A_48 : memref<128x64xf32, #tpu.memory_space<vmem>>) offsets(%dma_start3A_51 : memref<128xi32, #tpu.memory_space<vmem>>) semaphore(%arg18 : memref<!tpu.dma_semaphore, #tpu.memory_space<semaphore_mem>>)
    %scan3A = arith.constant 0 : i32
    %scan3A_55 = arith.constant 0 : i32
    %scan3A_56 = arith.constant 40 : i32
    %scan3A_57 = arith.addi %scan3A_55, %scan3A_56 : i32
    %scan3A_58 = arith.constant 1 : i32
    scf.for %scan3A_85 = %scan3A_55 to %scan3A_57 step %scan3A_58  : i32 {
      %mul3A_86 = arith.constant 4 : i32
      %mul3A_87 = arith.muli %scan3A_85, %mul3A_86 : i32
      %add3A = arith.constant 0 : i32
      %add3A_88 = arith.addi %mul3A_87, %add3A : i32
      %dma_wait3A_89 = arith.constant 0 : i32
      %dma_wait3A_90 = arith.constant 0 : i32
      %dma_wait3A_91 = arith.constant 0 : i32
      %dma_wait3A_92 = tpu.memref_slice %arg12[%dma_wait3A_89, %dma_wait3A_90, %dma_wait3A_91] : memref<2x128x64xf32, #tpu.memory_space<vmem>> -> memref<1x128x64xf32, #tpu.memory_space<vmem>>
      %dma_wait3A_93 = tpu.memref_squeeze %dma_wait3A_92 : memref<1x128x64xf32, #tpu.memory_space<vmem>> -> memref<128x64xf32, #tpu.memory_space<vmem>>
      %dma_wait3A_94 = arith.constant 0 : i32
      %dma_wait3A_95 = tpu.memref_slice %arg10[%add3A_88, %dma_wait3A_94] : memref<160x128xi32, #tpu.memory_space<vmem>> -> memref<1x128xi32, #tpu.memory_space<vmem>>
      %dma_wait3A_96 = tpu.memref_squeeze %dma_wait3A_95 : memref<1x128xi32, #tpu.memory_space<vmem>> -> memref<128xi32, #tpu.memory_space<vmem>>
      %dma_wait3A_97 = arith.constant 0 : i32
      %dma_wait3A_98 = arith.constant 0 : i32
      %dma_wait3A_99 = tpu.memref_slice %arg15[%dma_wait3A_97, %dma_wait3A_98] : memref<10000x64xf32, #tpu.memory_space<vmem_shared>> -> memref<10000x64xf32, #tpu.memory_space<vmem_shared>>
      tpu.wait_indirect_dma semaphore(%arg18 : memref<!tpu.dma_semaphore, #tpu.memory_space<semaphore_mem>>) src(%dma_wait3A_99 : memref<10000x64xf32, #tpu.memory_space<vmem_shared>>) dst(%dma_wait3A_93 : memref<128x64xf32, #tpu.memory_space<vmem>>)
      %dma_start3A_100 = arith.constant 0 : i32
      %dma_start3A_101 = arith.constant 0 : i32
      %dma_start3A_102 = arith.constant 0 : i32
      %dma_start3A_103 = arith.constant 0 : i32
      %dma_start3A_104 = tpu.memref_slice %arg12[%dma_start3A_100, %dma_start3A_102, %dma_start3A_103] : memref<2x128x64xf32, #tpu.memory_space<vmem>> -> memref<1x128x64xf32, #tpu.memory_space<vmem>>
      %dma_start3A_105 = tpu.memref_squeeze %dma_start3A_104 : memref<1x128x64xf32, #tpu.memory_space<vmem>> -> memref<128x64xf32, #tpu.memory_space<vmem>>
      %dma_start3A_106 = arith.constant 0 : i32
      %dma_start3A_107 = tpu.memref_slice %arg11[%dma_start3A_101, %dma_start3A_106] : memref<4x128xi32, #tpu.memory_space<vmem>> -> memref<1x128xi32, #tpu.memory_space<vmem>>
      %dma_start3A_108 = tpu.memref_squeeze %dma_start3A_107 : memref<1x128xi32, #tpu.memory_space<vmem>> -> memref<128xi32, #tpu.memory_space<vmem>>
      %dma_start3A_109 = arith.constant 0 : i32
      %dma_start3A_110 = arith.constant 0 : i32
      %dma_start3A_111 = tpu.memref_slice %arg16[%dma_start3A_109, %dma_start3A_110] : memref<10112x64xf32, #tpu.memory_space<vmem_shared>> -> memref<10112x64xf32, #tpu.memory_space<vmem_shared>>
      tpu.enqueue_indirect_dma source(%dma_start3A_105 : memref<128x64xf32, #tpu.memory_space<vmem>>) target(%dma_start3A_111 : memref<10112x64xf32, #tpu.memory_space<vmem_shared>>) offsets(%dma_start3A_108 : memref<128xi32, #tpu.memory_space<vmem>>) semaphore(%arg20 : memref<!tpu.dma_semaphore, #tpu.memory_space<semaphore_mem>>) {add = true}
      %add3A_112 = arith.constant 1 : i32
      %add3A_113 = arith.addi %add3A_88, %add3A_112 : i32
      %lt3A = arith.constant 160 : i32
      %lt3A_114 = arith.cmpi slt, %add3A_113, %lt3A : i32
      %convert_element_type3A = arith.extui %lt3A_114 : i1 to i32
      %cond3A = arith.constant 0 : i32
      %cond3A_115 = arith.cmpi ne, %convert_element_type3A, %cond3A : i32
      scf.if %cond3A_115 {
        %add3A_246 = arith.constant 1 : i32
        %add3A_247 = arith.addi %add3A_88, %add3A_246 : i32
        %dma_wait3A_248 = arith.constant 1 : i32
        %dma_wait3A_249 = arith.constant 0 : i32
        %dma_wait3A_250 = tpu.memref_slice %arg11[%dma_wait3A_248, %dma_wait3A_249] : memref<4x128xi32, #tpu.memory_space<vmem>> -> memref<1x128xi32, #tpu.memory_space<vmem>>
        %dma_wait3A_251 = tpu.memref_squeeze %dma_wait3A_250 : memref<1x128xi32, #tpu.memory_space<vmem>> -> memref<128xi32, #tpu.memory_space<vmem>>
        %dma_wait3A_252 = arith.constant 0 : i32
        %dma_wait3A_253 = tpu.memref_slice %arg4[%arg1, %add3A_247, %dma_wait3A_252] : memref<16x160x128xi32, #tpu.memory_space<hbm>> -> memref<1x1x128xi32, #tpu.memory_space<hbm>>
        %dma_wait3A_254 = tpu.memref_squeeze %dma_wait3A_253 : memref<1x1x128xi32, #tpu.memory_space<hbm>> -> memref<128xi32, #tpu.memory_space<hbm>>
        %dma_wait3A_255 = arith.constant 0 : i32
        %dma_wait3A_256 = tpu.memref_slice %arg11[%dma_wait3A_248, %dma_wait3A_255] : memref<4x128xi32, #tpu.memory_space<vmem>> -> memref<1x128xi32, #tpu.memory_space<vmem>>
        %dma_wait3A_257 = tpu.memref_squeeze %dma_wait3A_256 : memref<1x128xi32, #tpu.memory_space<vmem>> -> memref<128xi32, #tpu.memory_space<vmem>>
        %dma_wait3A_258 = arith.constant 0 : i32
        %dma_wait3A_259 = tpu.memref_slice %arg4[%arg1, %add3A_247, %dma_wait3A_258] : memref<16x160x128xi32, #tpu.memory_space<hbm>> -> memref<1x1x128xi32, #tpu.memory_space<hbm>>
        %dma_wait3A_260 = tpu.memref_squeeze %dma_wait3A_259 : memref<1x1x128xi32, #tpu.memory_space<hbm>> -> memref<128xi32, #tpu.memory_space<hbm>>
        tpu.wait_dma2 semaphore(%arg23 : memref<!tpu.dma_semaphore, #tpu.memory_space<semaphore_mem>>) src(%dma_wait3A_260 : memref<128xi32, #tpu.memory_space<hbm>>) dst(%dma_wait3A_257 : memref<128xi32, #tpu.memory_space<vmem>>)
        %ge3A = arith.constant 1 : i32
        %ge3A_261 = arith.cmpi sge, %add3A_88, %ge3A : i32
        %convert_element_type3A_262 = arith.extui %ge3A_261 : i1 to i32
        %cond3A_263 = arith.constant 0 : i32
        %cond3A_264 = arith.cmpi ne, %convert_element_type3A_262, %cond3A_263 : i32
        scf.if %cond3A_264 {
          %dma_wait3A_278 = arith.constant 1 : i32
          %dma_wait3A_279 = arith.constant 3 : i32
          %dma_wait3A_280 = arith.constant 0 : i32
          %dma_wait3A_281 = arith.constant 0 : i32
          %dma_wait3A_282 = tpu.memref_slice %arg12[%dma_wait3A_278, %dma_wait3A_280, %dma_wait3A_281] : memref<2x128x64xf32, #tpu.memory_space<vmem>> -> memref<1x128x64xf32, #tpu.memory_space<vmem>>
          %dma_wait3A_283 = tpu.memref_squeeze %dma_wait3A_282 : memref<1x128x64xf32, #tpu.memory_space<vmem>> -> memref<128x64xf32, #tpu.memory_space<vmem>>
          %dma_wait3A_284 = arith.constant 0 : i32
          %dma_wait3A_285 = tpu.memref_slice %arg11[%dma_wait3A_279, %dma_wait3A_284] : memref<4x128xi32, #tpu.memory_space<vmem>> -> memref<1x128xi32, #tpu.memory_space<vmem>>
          %dma_wait3A_286 = tpu.memref_squeeze %dma_wait3A_285 : memref<1x128xi32, #tpu.memory_space<vmem>> -> memref<128xi32, #tpu.memory_space<vmem>>
          %dma_wait3A_287 = arith.constant 0 : i32
          %dma_wait3A_288 = arith.constant 0 : i32
          %dma_wait3A_289 = tpu.memref_slice %arg16[%dma_wait3A_287, %dma_wait3A_288] : memref<10112x64xf32, #tpu.memory_space<vmem_shared>> -> memref<10112x64xf32, #tpu.memory_space<vmem_shared>>
          tpu.wait_indirect_dma semaphore(%arg21 : memref<!tpu.dma_semaphore, #tpu.memory_space<semaphore_mem>>) src(%dma_wait3A_283 : memref<128x64xf32, #tpu.memory_space<vmem>>) dst(%dma_wait3A_289 : memref<10112x64xf32, #tpu.memory_space<vmem_shared>>)
        } else {
        }
        %add3A_265 = arith.constant 1 : i32
        %add3A_266 = arith.addi %add3A_88, %add3A_265 : i32
        %dma_start3A_267 = arith.constant 1 : i32
        %dma_start3A_268 = arith.constant 0 : i32
        %dma_start3A_269 = arith.constant 0 : i32
        %dma_start3A_270 = tpu.memref_slice %arg12[%dma_start3A_267, %dma_start3A_268, %dma_start3A_269] : memref<2x128x64xf32, #tpu.memory_space<vmem>> -> memref<1x128x64xf32, #tpu.memory_space<vmem>>
        %dma_start3A_271 = tpu.memref_squeeze %dma_start3A_270 : memref<1x128x64xf32, #tpu.memory_space<vmem>> -> memref<128x64xf32, #tpu.memory_space<vmem>>
        %dma_start3A_272 = arith.constant 0 : i32
        %dma_start3A_273 = tpu.memref_slice %arg10[%add3A_266, %dma_start3A_272] : memref<160x128xi32, #tpu.memory_space<vmem>> -> memref<1x128xi32, #tpu.memory_space<vmem>>
        %dma_start3A_274 = tpu.memref_squeeze %dma_start3A_273 : memref<1x128xi32, #tpu.memory_space<vmem>> -> memref<128xi32, #tpu.memory_space<vmem>>
        %dma_start3A_275 = arith.constant 0 : i32
        %dma_start3A_276 = arith.constant 0 : i32
        %dma_start3A_277 = tpu.memref_slice %arg15[%dma_start3A_275, %dma_start3A_276] : memref<10000x64xf32, #tpu.memory_space<vmem_shared>> -> memref<10000x64xf32, #tpu.memory_space<vmem_shared>>
        tpu.enqueue_indirect_dma source(%dma_start3A_277 : memref<10000x64xf32, #tpu.memory_space<vmem_shared>>) target(%dma_start3A_271 : memref<128x64xf32, #tpu.memory_space<vmem>>) offsets(%dma_start3A_274 : memref<128xi32, #tpu.memory_space<vmem>>) semaphore(%arg19 : memref<!tpu.dma_semaphore, #tpu.memory_space<semaphore_mem>>)
      } else {
      }
      %add3A_116 = arith.constant 2 : i32
      %add3A_117 = arith.addi %add3A_88, %add3A_116 : i32
      %lt3A_118 = arith.constant 160 : i32
      %lt3A_119 = arith.cmpi slt, %add3A_117, %lt3A_118 : i32
      %convert_element_type3A_120 = arith.extui %lt3A_119 : i1 to i32
      %cond3A_121 = arith.constant 0 : i32
      %cond3A_122 = arith.cmpi ne, %convert_element_type3A_120, %cond3A_121 : i32
      scf.if %cond3A_122 {
        %add3A_246 = arith.constant 2 : i32
        %add3A_247 = arith.addi %add3A_88, %add3A_246 : i32
        %dma_start3A_248 = arith.constant 2 : i32
        %dma_start3A_249 = arith.constant 0 : i32
        %dma_start3A_250 = tpu.memref_slice %arg11[%dma_start3A_248, %dma_start3A_249] : memref<4x128xi32, #tpu.memory_space<vmem>> -> memref<1x128xi32, #tpu.memory_space<vmem>>
        %dma_start3A_251 = tpu.memref_squeeze %dma_start3A_250 : memref<1x128xi32, #tpu.memory_space<vmem>> -> memref<128xi32, #tpu.memory_space<vmem>>
        %dma_start3A_252 = arith.constant 0 : i32
        %dma_start3A_253 = tpu.memref_slice %arg4[%arg1, %add3A_247, %dma_start3A_252] : memref<16x160x128xi32, #tpu.memory_space<hbm>> -> memref<1x1x128xi32, #tpu.memory_space<hbm>>
        %dma_start3A_254 = tpu.memref_squeeze %dma_start3A_253 : memref<1x1x128xi32, #tpu.memory_space<hbm>> -> memref<128xi32, #tpu.memory_space<hbm>>
        %dma_start3A_255 = arith.constant 0 : i32
        %dma_start3A_256 = tpu.memref_slice %arg11[%dma_start3A_248, %dma_start3A_255] : memref<4x128xi32, #tpu.memory_space<vmem>> -> memref<1x128xi32, #tpu.memory_space<vmem>>
        %dma_start3A_257 = tpu.memref_squeeze %dma_start3A_256 : memref<1x128xi32, #tpu.memory_space<vmem>> -> memref<128xi32, #tpu.memory_space<vmem>>
        %dma_start3A_258 = arith.constant 0 : i32
        %dma_start3A_259 = tpu.memref_slice %arg4[%arg1, %add3A_247, %dma_start3A_258] : memref<16x160x128xi32, #tpu.memory_space<hbm>> -> memref<1x1x128xi32, #tpu.memory_space<hbm>>
        %dma_start3A_260 = tpu.memref_squeeze %dma_start3A_259 : memref<1x1x128xi32, #tpu.memory_space<hbm>> -> memref<128xi32, #tpu.memory_space<hbm>>
        tpu.enqueue_dma source(%dma_start3A_260 : memref<128xi32, #tpu.memory_space<hbm>>) target(%dma_start3A_257 : memref<128xi32, #tpu.memory_space<vmem>>) target_semaphore(%arg22 : memref<!tpu.dma_semaphore, #tpu.memory_space<semaphore_mem>>)
      } else {
      }
      %mul3A_123 = arith.constant 4 : i32
      %mul3A_124 = arith.muli %scan3A_85, %mul3A_123 : i32
      %add3A_125 = arith.constant 1 : i32
      %add3A_126 = arith.addi %mul3A_124, %add3A_125 : i32
      %dma_wait3A_127 = arith.constant 1 : i32
      %dma_wait3A_128 = arith.constant 0 : i32
      %dma_wait3A_129 = arith.constant 0 : i32
      %dma_wait3A_130 = tpu.memref_slice %arg12[%dma_wait3A_127, %dma_wait3A_128, %dma_wait3A_129] : memref<2x128x64xf32, #tpu.memory_space<vmem>> -> memref<1x128x64xf32, #tpu.memory_space<vmem>>
      %dma_wait3A_131 = tpu.memref_squeeze %dma_wait3A_130 : memref<1x128x64xf32, #tpu.memory_space<vmem>> -> memref<128x64xf32, #tpu.memory_space<vmem>>
      %dma_wait3A_132 = arith.constant 0 : i32
      %dma_wait3A_133 = tpu.memref_slice %arg10[%add3A_126, %dma_wait3A_132] : memref<160x128xi32, #tpu.memory_space<vmem>> -> memref<1x128xi32, #tpu.memory_space<vmem>>
      %dma_wait3A_134 = tpu.memref_squeeze %dma_wait3A_133 : memref<1x128xi32, #tpu.memory_space<vmem>> -> memref<128xi32, #tpu.memory_space<vmem>>
      %dma_wait3A_135 = arith.constant 0 : i32
      %dma_wait3A_136 = arith.constant 0 : i32
      %dma_wait3A_137 = tpu.memref_slice %arg15[%dma_wait3A_135, %dma_wait3A_136] : memref<10000x64xf32, #tpu.memory_space<vmem_shared>> -> memref<10000x64xf32, #tpu.memory_space<vmem_shared>>
      tpu.wait_indirect_dma semaphore(%arg19 : memref<!tpu.dma_semaphore, #tpu.memory_space<semaphore_mem>>) src(%dma_wait3A_137 : memref<10000x64xf32, #tpu.memory_space<vmem_shared>>) dst(%dma_wait3A_131 : memref<128x64xf32, #tpu.memory_space<vmem>>)
      %dma_start3A_138 = arith.constant 1 : i32
      %dma_start3A_139 = arith.constant 1 : i32
      %dma_start3A_140 = arith.constant 0 : i32
      %dma_start3A_141 = arith.constant 0 : i32
      %dma_start3A_142 = tpu.memref_slice %arg12[%dma_start3A_138, %dma_start3A_140, %dma_start3A_141] : memref<2x128x64xf32, #tpu.memory_space<vmem>> -> memref<1x128x64xf32, #tpu.memory_space<vmem>>
      %dma_start3A_143 = tpu.memref_squeeze %dma_start3A_142 : memref<1x128x64xf32, #tpu.memory_space<vmem>> -> memref<128x64xf32, #tpu.memory_space<vmem>>
      %dma_start3A_144 = arith.constant 0 : i32
      %dma_start3A_145 = tpu.memref_slice %arg11[%dma_start3A_139, %dma_start3A_144] : memref<4x128xi32, #tpu.memory_space<vmem>> -> memref<1x128xi32, #tpu.memory_space<vmem>>
      %dma_start3A_146 = tpu.memref_squeeze %dma_start3A_145 : memref<1x128xi32, #tpu.memory_space<vmem>> -> memref<128xi32, #tpu.memory_space<vmem>>
      %dma_start3A_147 = arith.constant 0 : i32
      %dma_start3A_148 = arith.constant 0 : i32
      %dma_start3A_149 = tpu.memref_slice %arg16[%dma_start3A_147, %dma_start3A_148] : memref<10112x64xf32, #tpu.memory_space<vmem_shared>> -> memref<10112x64xf32, #tpu.memory_space<vmem_shared>>
      tpu.enqueue_indirect_dma source(%dma_start3A_143 : memref<128x64xf32, #tpu.memory_space<vmem>>) target(%dma_start3A_149 : memref<10112x64xf32, #tpu.memory_space<vmem_shared>>) offsets(%dma_start3A_146 : memref<128xi32, #tpu.memory_space<vmem>>) semaphore(%arg21 : memref<!tpu.dma_semaphore, #tpu.memory_space<semaphore_mem>>) {add = true}
      %add3A_150 = arith.constant 1 : i32
      %add3A_151 = arith.addi %add3A_126, %add3A_150 : i32
      %lt3A_152 = arith.constant 160 : i32
      %lt3A_153 = arith.cmpi slt, %add3A_151, %lt3A_152 : i32
      %convert_element_type3A_154 = arith.extui %lt3A_153 : i1 to i32
      %cond3A_155 = arith.constant 0 : i32
      %cond3A_156 = arith.cmpi ne, %convert_element_type3A_154, %cond3A_155 : i32
      scf.if %cond3A_156 {
        %add3A_246 = arith.constant 1 : i32
        %add3A_247 = arith.addi %add3A_126, %add3A_246 : i32
        %dma_wait3A_248 = arith.constant 2 : i32
        %dma_wait3A_249 = arith.constant 0 : i32
        %dma_wait3A_250 = tpu.memref_slice %arg11[%dma_wait3A_248, %dma_wait3A_249] : memref<4x128xi32, #tpu.memory_space<vmem>> -> memref<1x128xi32, #tpu.memory_space<vmem>>
        %dma_wait3A_251 = tpu.memref_squeeze %dma_wait3A_250 : memref<1x128xi32, #tpu.memory_space<vmem>> -> memref<128xi32, #tpu.memory_space<vmem>>
        %dma_wait3A_252 = arith.constant 0 : i32
        %dma_wait3A_253 = tpu.memref_slice %arg4[%arg1, %add3A_247, %dma_wait3A_252] : memref<16x160x128xi32, #tpu.memory_space<hbm>> -> memref<1x1x128xi32, #tpu.memory_space<hbm>>
        %dma_wait3A_254 = tpu.memref_squeeze %dma_wait3A_253 : memref<1x1x128xi32, #tpu.memory_space<hbm>> -> memref<128xi32, #tpu.memory_space<hbm>>
        %dma_wait3A_255 = arith.constant 0 : i32
        %dma_wait3A_256 = tpu.memref_slice %arg11[%dma_wait3A_248, %dma_wait3A_255] : memref<4x128xi32, #tpu.memory_space<vmem>> -> memref<1x128xi32, #tpu.memory_space<vmem>>
        %dma_wait3A_257 = tpu.memref_squeeze %dma_wait3A_256 : memref<1x128xi32, #tpu.memory_space<vmem>> -> memref<128xi32, #tpu.memory_space<vmem>>
        %dma_wait3A_258 = arith.constant 0 : i32
        %dma_wait3A_259 = tpu.memref_slice %arg4[%arg1, %add3A_247, %dma_wait3A_258] : memref<16x160x128xi32, #tpu.memory_space<hbm>> -> memref<1x1x128xi32, #tpu.memory_space<hbm>>
        %dma_wait3A_260 = tpu.memref_squeeze %dma_wait3A_259 : memref<1x1x128xi32, #tpu.memory_space<hbm>> -> memref<128xi32, #tpu.memory_space<hbm>>
        tpu.wait_dma2 semaphore(%arg22 : memref<!tpu.dma_semaphore, #tpu.memory_space<semaphore_mem>>) src(%dma_wait3A_260 : memref<128xi32, #tpu.memory_space<hbm>>) dst(%dma_wait3A_257 : memref<128xi32, #tpu.memory_space<vmem>>)
        %ge3A = arith.constant 1 : i32
        %ge3A_261 = arith.cmpi sge, %add3A_126, %ge3A : i32
        %convert_element_type3A_262 = arith.extui %ge3A_261 : i1 to i32
        %cond3A_263 = arith.constant 0 : i32
        %cond3A_264 = arith.cmpi ne, %convert_element_type3A_262, %cond3A_263 : i32
        scf.if %cond3A_264 {
          %dma_wait3A_278 = arith.constant 0 : i32
          %dma_wait3A_279 = arith.constant 0 : i32
          %dma_wait3A_280 = arith.constant 0 : i32
          %dma_wait3A_281 = arith.constant 0 : i32
          %dma_wait3A_282 = tpu.memref_slice %arg12[%dma_wait3A_278, %dma_wait3A_280, %dma_wait3A_281] : memref<2x128x64xf32, #tpu.memory_space<vmem>> -> memref<1x128x64xf32, #tpu.memory_space<vmem>>
          %dma_wait3A_283 = tpu.memref_squeeze %dma_wait3A_282 : memref<1x128x64xf32, #tpu.memory_space<vmem>> -> memref<128x64xf32, #tpu.memory_space<vmem>>
          %dma_wait3A_284 = arith.constant 0 : i32
          %dma_wait3A_285 = tpu.memref_slice %arg11[%dma_wait3A_279, %dma_wait3A_284] : memref<4x128xi32, #tpu.memory_space<vmem>> -> memref<1x128xi32, #tpu.memory_space<vmem>>
          %dma_wait3A_286 = tpu.memref_squeeze %dma_wait3A_285 : memref<1x128xi32, #tpu.memory_space<vmem>> -> memref<128xi32, #tpu.memory_space<vmem>>
          %dma_wait3A_287 = arith.constant 0 : i32
          %dma_wait3A_288 = arith.constant 0 : i32
          %dma_wait3A_289 = tpu.memref_slice %arg16[%dma_wait3A_287, %dma_wait3A_288] : memref<10112x64xf32, #tpu.memory_space<vmem_shared>> -> memref<10112x64xf32, #tpu.memory_space<vmem_shared>>
          tpu.wait_indirect_dma semaphore(%arg20 : memref<!tpu.dma_semaphore, #tpu.memory_space<semaphore_mem>>) src(%dma_wait3A_283 : memref<128x64xf32, #tpu.memory_space<vmem>>) dst(%dma_wait3A_289 : memref<10112x64xf32, #tpu.memory_space<vmem_shared>>)
        } else {
        }
        %add3A_265 = arith.constant 1 : i32
        %add3A_266 = arith.addi %add3A_126, %add3A_265 : i32
        %dma_start3A_267 = arith.constant 0 : i32
        %dma_start3A_268 = arith.constant 0 : i32
        %dma_start3A_269 = arith.constant 0 : i32
        %dma_start3A_270 = tpu.memref_slice %arg12[%dma_start3A_267, %dma_start3A_268, %dma_start3A_269] : memref<2x128x64xf32, #tpu.memory_space<vmem>> -> memref<1x128x64xf32, #tpu.memory_space<vmem>>
        %dma_start3A_271 = tpu.memref_squeeze %dma_start3A_270 : memref<1x128x64xf32, #tpu.memory_space<vmem>> -> memref<128x64xf32, #tpu.memory_space<vmem>>
        %dma_start3A_272 = arith.constant 0 : i32
        %dma_start3A_273 = tpu.memref_slice %arg10[%add3A_266, %dma_start3A_272] : memref<160x128xi32, #tpu.memory_space<vmem>> -> memref<1x128xi32, #tpu.memory_space<vmem>>
        %dma_start3A_274 = tpu.memref_squeeze %dma_start3A_273 : memref<1x128xi32, #tpu.memory_space<vmem>> -> memref<128xi32, #tpu.memory_space<vmem>>
        %dma_start3A_275 = arith.constant 0 : i32
        %dma_start3A_276 = arith.constant 0 : i32
        %dma_start3A_277 = tpu.memref_slice %arg15[%dma_start3A_275, %dma_start3A_276] : memref<10000x64xf32, #tpu.memory_space<vmem_shared>> -> memref<10000x64xf32, #tpu.memory_space<vmem_shared>>
        tpu.enqueue_indirect_dma source(%dma_start3A_277 : memref<10000x64xf32, #tpu.memory_space<vmem_shared>>) target(%dma_start3A_271 : memref<128x64xf32, #tpu.memory_space<vmem>>) offsets(%dma_start3A_274 : memref<128xi32, #tpu.memory_space<vmem>>) semaphore(%arg18 : memref<!tpu.dma_semaphore, #tpu.memory_space<semaphore_mem>>)
      } else {
      }
      %add3A_157 = arith.constant 2 : i32
      %add3A_158 = arith.addi %add3A_126, %add3A_157 : i32
      %lt3A_159 = arith.constant 160 : i32
      %lt3A_160 = arith.cmpi slt, %add3A_158, %lt3A_159 : i32
      %convert_element_type3A_161 = arith.extui %lt3A_160 : i1 to i32
      %cond3A_162 = arith.constant 0 : i32
      %cond3A_163 = arith.cmpi ne, %convert_element_type3A_161, %cond3A_162 : i32
      scf.if %cond3A_163 {
        %add3A_246 = arith.constant 2 : i32
        %add3A_247 = arith.addi %add3A_126, %add3A_246 : i32
        %dma_start3A_248 = arith.constant 3 : i32
        %dma_start3A_249 = arith.constant 0 : i32
        %dma_start3A_250 = tpu.memref_slice %arg11[%dma_start3A_248, %dma_start3A_249] : memref<4x128xi32, #tpu.memory_space<vmem>> -> memref<1x128xi32, #tpu.memory_space<vmem>>
        %dma_start3A_251 = tpu.memref_squeeze %dma_start3A_250 : memref<1x128xi32, #tpu.memory_space<vmem>> -> memref<128xi32, #tpu.memory_space<vmem>>
        %dma_start3A_252 = arith.constant 0 : i32
        %dma_start3A_253 = tpu.memref_slice %arg4[%arg1, %add3A_247, %dma_start3A_252] : memref<16x160x128xi32, #tpu.memory_space<hbm>> -> memref<1x1x128xi32, #tpu.memory_space<hbm>>
        %dma_start3A_254 = tpu.memref_squeeze %dma_start3A_253 : memref<1x1x128xi32, #tpu.memory_space<hbm>> -> memref<128xi32, #tpu.memory_space<hbm>>
        %dma_start3A_255 = arith.constant 0 : i32
        %dma_start3A_256 = tpu.memref_slice %arg11[%dma_start3A_248, %dma_start3A_255] : memref<4x128xi32, #tpu.memory_space<vmem>> -> memref<1x128xi32, #tpu.memory_space<vmem>>
        %dma_start3A_257 = tpu.memref_squeeze %dma_start3A_256 : memref<1x128xi32, #tpu.memory_space<vmem>> -> memref<128xi32, #tpu.memory_space<vmem>>
        %dma_start3A_258 = arith.constant 0 : i32
        %dma_start3A_259 = tpu.memref_slice %arg4[%arg1, %add3A_247, %dma_start3A_258] : memref<16x160x128xi32, #tpu.memory_space<hbm>> -> memref<1x1x128xi32, #tpu.memory_space<hbm>>
        %dma_start3A_260 = tpu.memref_squeeze %dma_start3A_259 : memref<1x1x128xi32, #tpu.memory_space<hbm>> -> memref<128xi32, #tpu.memory_space<hbm>>
        tpu.enqueue_dma source(%dma_start3A_260 : memref<128xi32, #tpu.memory_space<hbm>>) target(%dma_start3A_257 : memref<128xi32, #tpu.memory_space<vmem>>) target_semaphore(%arg23 : memref<!tpu.dma_semaphore, #tpu.memory_space<semaphore_mem>>)
      } else {
      }
      %mul3A_164 = arith.constant 4 : i32
      %mul3A_165 = arith.muli %scan3A_85, %mul3A_164 : i32
      %add3A_166 = arith.constant 2 : i32
      %add3A_167 = arith.addi %mul3A_165, %add3A_166 : i32
      %dma_wait3A_168 = arith.constant 0 : i32
      %dma_wait3A_169 = arith.constant 0 : i32
      %dma_wait3A_170 = arith.constant 0 : i32
      %dma_wait3A_171 = tpu.memref_slice %arg12[%dma_wait3A_168, %dma_wait3A_169, %dma_wait3A_170] : memref<2x128x64xf32, #tpu.memory_space<vmem>> -> memref<1x128x64xf32, #tpu.memory_space<vmem>>
      %dma_wait3A_172 = tpu.memref_squeeze %dma_wait3A_171 : memref<1x128x64xf32, #tpu.memory_space<vmem>> -> memref<128x64xf32, #tpu.memory_space<vmem>>
      %dma_wait3A_173 = arith.constant 0 : i32
      %dma_wait3A_174 = tpu.memref_slice %arg10[%add3A_167, %dma_wait3A_173] : memref<160x128xi32, #tpu.memory_space<vmem>> -> memref<1x128xi32, #tpu.memory_space<vmem>>
      %dma_wait3A_175 = tpu.memref_squeeze %dma_wait3A_174 : memref<1x128xi32, #tpu.memory_space<vmem>> -> memref<128xi32, #tpu.memory_space<vmem>>
      %dma_wait3A_176 = arith.constant 0 : i32
      %dma_wait3A_177 = arith.constant 0 : i32
      %dma_wait3A_178 = tpu.memref_slice %arg15[%dma_wait3A_176, %dma_wait3A_177] : memref<10000x64xf32, #tpu.memory_space<vmem_shared>> -> memref<10000x64xf32, #tpu.memory_space<vmem_shared>>
      tpu.wait_indirect_dma semaphore(%arg18 : memref<!tpu.dma_semaphore, #tpu.memory_space<semaphore_mem>>) src(%dma_wait3A_178 : memref<10000x64xf32, #tpu.memory_space<vmem_shared>>) dst(%dma_wait3A_172 : memref<128x64xf32, #tpu.memory_space<vmem>>)
      %dma_start3A_179 = arith.constant 0 : i32
      %dma_start3A_180 = arith.constant 2 : i32
      %dma_start3A_181 = arith.constant 0 : i32
      %dma_start3A_182 = arith.constant 0 : i32
      %dma_start3A_183 = tpu.memref_slice %arg12[%dma_start3A_179, %dma_start3A_181, %dma_start3A_182] : memref<2x128x64xf32, #tpu.memory_space<vmem>> -> memref<1x128x64xf32, #tpu.memory_space<vmem>>
      %dma_start3A_184 = tpu.memref_squeeze %dma_start3A_183 : memref<1x128x64xf32, #tpu.memory_space<vmem>> -> memref<128x64xf32, #tpu.memory_space<vmem>>
      %dma_start3A_185 = arith.constant 0 : i32
      %dma_start3A_186 = tpu.memref_slice %arg11[%dma_start3A_180, %dma_start3A_185] : memref<4x128xi32, #tpu.memory_space<vmem>> -> memref<1x128xi32, #tpu.memory_space<vmem>>
      %dma_start3A_187 = tpu.memref_squeeze %dma_start3A_186 : memref<1x128xi32, #tpu.memory_space<vmem>> -> memref<128xi32, #tpu.memory_space<vmem>>
      %dma_start3A_188 = arith.constant 0 : i32
      %dma_start3A_189 = arith.constant 0 : i32
      %dma_start3A_190 = tpu.memref_slice %arg16[%dma_start3A_188, %dma_start3A_189] : memref<10112x64xf32, #tpu.memory_space<vmem_shared>> -> memref<10112x64xf32, #tpu.memory_space<vmem_shared>>
      tpu.enqueue_indirect_dma source(%dma_start3A_184 : memref<128x64xf32, #tpu.memory_space<vmem>>) target(%dma_start3A_190 : memref<10112x64xf32, #tpu.memory_space<vmem_shared>>) offsets(%dma_start3A_187 : memref<128xi32, #tpu.memory_space<vmem>>) semaphore(%arg20 : memref<!tpu.dma_semaphore, #tpu.memory_space<semaphore_mem>>) {add = true}
      %add3A_191 = arith.constant 1 : i32
      %add3A_192 = arith.addi %add3A_167, %add3A_191 : i32
      %lt3A_193 = arith.constant 160 : i32
      %lt3A_194 = arith.cmpi slt, %add3A_192, %lt3A_193 : i32
      %convert_element_type3A_195 = arith.extui %lt3A_194 : i1 to i32
      %cond3A_196 = arith.constant 0 : i32
      %cond3A_197 = arith.cmpi ne, %convert_element_type3A_195, %cond3A_196 : i32
      scf.if %cond3A_197 {
        %add3A_246 = arith.constant 1 : i32
        %add3A_247 = arith.addi %add3A_167, %add3A_246 : i32
        %dma_wait3A_248 = arith.constant 3 : i32
        %dma_wait3A_249 = arith.constant 0 : i32
        %dma_wait3A_250 = tpu.memref_slice %arg11[%dma_wait3A_248, %dma_wait3A_249] : memref<4x128xi32, #tpu.memory_space<vmem>> -> memref<1x128xi32, #tpu.memory_space<vmem>>
        %dma_wait3A_251 = tpu.memref_squeeze %dma_wait3A_250 : memref<1x128xi32, #tpu.memory_space<vmem>> -> memref<128xi32, #tpu.memory_space<vmem>>
        %dma_wait3A_252 = arith.constant 0 : i32
        %dma_wait3A_253 = tpu.memref_slice %arg4[%arg1, %add3A_247, %dma_wait3A_252] : memref<16x160x128xi32, #tpu.memory_space<hbm>> -> memref<1x1x128xi32, #tpu.memory_space<hbm>>
        %dma_wait3A_254 = tpu.memref_squeeze %dma_wait3A_253 : memref<1x1x128xi32, #tpu.memory_space<hbm>> -> memref<128xi32, #tpu.memory_space<hbm>>
        %dma_wait3A_255 = arith.constant 0 : i32
        %dma_wait3A_256 = tpu.memref_slice %arg11[%dma_wait3A_248, %dma_wait3A_255] : memref<4x128xi32, #tpu.memory_space<vmem>> -> memref<1x128xi32, #tpu.memory_space<vmem>>
        %dma_wait3A_257 = tpu.memref_squeeze %dma_wait3A_256 : memref<1x128xi32, #tpu.memory_space<vmem>> -> memref<128xi32, #tpu.memory_space<vmem>>
        %dma_wait3A_258 = arith.constant 0 : i32
        %dma_wait3A_259 = tpu.memref_slice %arg4[%arg1, %add3A_247, %dma_wait3A_258] : memref<16x160x128xi32, #tpu.memory_space<hbm>> -> memref<1x1x128xi32, #tpu.memory_space<hbm>>
        %dma_wait3A_260 = tpu.memref_squeeze %dma_wait3A_259 : memref<1x1x128xi32, #tpu.memory_space<hbm>> -> memref<128xi32, #tpu.memory_space<hbm>>
        tpu.wait_dma2 semaphore(%arg23 : memref<!tpu.dma_semaphore, #tpu.memory_space<semaphore_mem>>) src(%dma_wait3A_260 : memref<128xi32, #tpu.memory_space<hbm>>) dst(%dma_wait3A_257 : memref<128xi32, #tpu.memory_space<vmem>>)
        %ge3A = arith.constant 1 : i32
        %ge3A_261 = arith.cmpi sge, %add3A_167, %ge3A : i32
        %convert_element_type3A_262 = arith.extui %ge3A_261 : i1 to i32
        %cond3A_263 = arith.constant 0 : i32
        %cond3A_264 = arith.cmpi ne, %convert_element_type3A_262, %cond3A_263 : i32
        scf.if %cond3A_264 {
          %dma_wait3A_278 = arith.constant 1 : i32
          %dma_wait3A_279 = arith.constant 1 : i32
          %dma_wait3A_280 = arith.constant 0 : i32
          %dma_wait3A_281 = arith.constant 0 : i32
          %dma_wait3A_282 = tpu.memref_slice %arg12[%dma_wait3A_278, %dma_wait3A_280, %dma_wait3A_281] : memref<2x128x64xf32, #tpu.memory_space<vmem>> -> memref<1x128x64xf32, #tpu.memory_space<vmem>>
          %dma_wait3A_283 = tpu.memref_squeeze %dma_wait3A_282 : memref<1x128x64xf32, #tpu.memory_space<vmem>> -> memref<128x64xf32, #tpu.memory_space<vmem>>
          %dma_wait3A_284 = arith.constant 0 : i32
          %dma_wait3A_285 = tpu.memref_slice %arg11[%dma_wait3A_279, %dma_wait3A_284] : memref<4x128xi32, #tpu.memory_space<vmem>> -> memref<1x128xi32, #tpu.memory_space<vmem>>
          %dma_wait3A_286 = tpu.memref_squeeze %dma_wait3A_285 : memref<1x128xi32, #tpu.memory_space<vmem>> -> memref<128xi32, #tpu.memory_space<vmem>>
          %dma_wait3A_287 = arith.constant 0 : i32
          %dma_wait3A_288 = arith.constant 0 : i32
          %dma_wait3A_289 = tpu.memref_slice %arg16[%dma_wait3A_287, %dma_wait3A_288] : memref<10112x64xf32, #tpu.memory_space<vmem_shared>> -> memref<10112x64xf32, #tpu.memory_space<vmem_shared>>
          tpu.wait_indirect_dma semaphore(%arg21 : memref<!tpu.dma_semaphore, #tpu.memory_space<semaphore_mem>>) src(%dma_wait3A_283 : memref<128x64xf32, #tpu.memory_space<vmem>>) dst(%dma_wait3A_289 : memref<10112x64xf32, #tpu.memory_space<vmem_shared>>)
        } else {
        }
        %add3A_265 = arith.constant 1 : i32
        %add3A_266 = arith.addi %add3A_167, %add3A_265 : i32
        %dma_start3A_267 = arith.constant 1 : i32
        %dma_start3A_268 = arith.constant 0 : i32
        %dma_start3A_269 = arith.constant 0 : i32
        %dma_start3A_270 = tpu.memref_slice %arg12[%dma_start3A_267, %dma_start3A_268, %dma_start3A_269] : memref<2x128x64xf32, #tpu.memory_space<vmem>> -> memref<1x128x64xf32, #tpu.memory_space<vmem>>
        %dma_start3A_271 = tpu.memref_squeeze %dma_start3A_270 : memref<1x128x64xf32, #tpu.memory_space<vmem>> -> memref<128x64xf32, #tpu.memory_space<vmem>>
        %dma_start3A_272 = arith.constant 0 : i32
        %dma_start3A_273 = tpu.memref_slice %arg10[%add3A_266, %dma_start3A_272] : memref<160x128xi32, #tpu.memory_space<vmem>> -> memref<1x128xi32, #tpu.memory_space<vmem>>
        %dma_start3A_274 = tpu.memref_squeeze %dma_start3A_273 : memref<1x128xi32, #tpu.memory_space<vmem>> -> memref<128xi32, #tpu.memory_space<vmem>>
        %dma_start3A_275 = arith.constant 0 : i32
        %dma_start3A_276 = arith.constant 0 : i32
        %dma_start3A_277 = tpu.memref_slice %arg15[%dma_start3A_275, %dma_start3A_276] : memref<10000x64xf32, #tpu.memory_space<vmem_shared>> -> memref<10000x64xf32, #tpu.memory_space<vmem_shared>>
        tpu.enqueue_indirect_dma source(%dma_start3A_277 : memref<10000x64xf32, #tpu.memory_space<vmem_shared>>) target(%dma_start3A_271 : memref<128x64xf32, #tpu.memory_space<vmem>>) offsets(%dma_start3A_274 : memref<128xi32, #tpu.memory_space<vmem>>) semaphore(%arg19 : memref<!tpu.dma_semaphore, #tpu.memory_space<semaphore_mem>>)
      } else {
      }
      %add3A_198 = arith.constant 2 : i32
      %add3A_199 = arith.addi %add3A_167, %add3A_198 : i32
      %lt3A_200 = arith.constant 160 : i32
      %lt3A_201 = arith.cmpi slt, %add3A_199, %lt3A_200 : i32
      %convert_element_type3A_202 = arith.extui %lt3A_201 : i1 to i32
      %cond3A_203 = arith.constant 0 : i32
      %cond3A_204 = arith.cmpi ne, %convert_element_type3A_202, %cond3A_203 : i32
      scf.if %cond3A_204 {
        %add3A_246 = arith.constant 2 : i32
        %add3A_247 = arith.addi %add3A_167, %add3A_246 : i32
        %dma_start3A_248 = arith.constant 0 : i32
        %dma_start3A_249 = arith.constant 0 : i32
        %dma_start3A_250 = tpu.memref_slice %arg11[%dma_start3A_248, %dma_start3A_249] : memref<4x128xi32, #tpu.memory_space<vmem>> -> memref<1x128xi32, #tpu.memory_space<vmem>>
        %dma_start3A_251 = tpu.memref_squeeze %dma_start3A_250 : memref<1x128xi32, #tpu.memory_space<vmem>> -> memref<128xi32, #tpu.memory_space<vmem>>
        %dma_start3A_252 = arith.constant 0 : i32
        %dma_start3A_253 = tpu.memref_slice %arg4[%arg1, %add3A_247, %dma_start3A_252] : memref<16x160x128xi32, #tpu.memory_space<hbm>> -> memref<1x1x128xi32, #tpu.memory_space<hbm>>
        %dma_start3A_254 = tpu.memref_squeeze %dma_start3A_253 : memref<1x1x128xi32, #tpu.memory_space<hbm>> -> memref<128xi32, #tpu.memory_space<hbm>>
        %dma_start3A_255 = arith.constant 0 : i32
        %dma_start3A_256 = tpu.memref_slice %arg11[%dma_start3A_248, %dma_start3A_255] : memref<4x128xi32, #tpu.memory_space<vmem>> -> memref<1x128xi32, #tpu.memory_space<vmem>>
        %dma_start3A_257 = tpu.memref_squeeze %dma_start3A_256 : memref<1x128xi32, #tpu.memory_space<vmem>> -> memref<128xi32, #tpu.memory_space<vmem>>
        %dma_start3A_258 = arith.constant 0 : i32
        %dma_start3A_259 = tpu.memref_slice %arg4[%arg1, %add3A_247, %dma_start3A_258] : memref<16x160x128xi32, #tpu.memory_space<hbm>> -> memref<1x1x128xi32, #tpu.memory_space<hbm>>
        %dma_start3A_260 = tpu.memref_squeeze %dma_start3A_259 : memref<1x1x128xi32, #tpu.memory_space<hbm>> -> memref<128xi32, #tpu.memory_space<hbm>>
        tpu.enqueue_dma source(%dma_start3A_260 : memref<128xi32, #tpu.memory_space<hbm>>) target(%dma_start3A_257 : memref<128xi32, #tpu.memory_space<vmem>>) target_semaphore(%arg22 : memref<!tpu.dma_semaphore, #tpu.memory_space<semaphore_mem>>)
      } else {
      }
      %mul3A_205 = arith.constant 4 : i32
      %mul3A_206 = arith.muli %scan3A_85, %mul3A_205 : i32
      %add3A_207 = arith.constant 3 : i32
      %add3A_208 = arith.addi %mul3A_206, %add3A_207 : i32
      %dma_wait3A_209 = arith.constant 1 : i32
      %dma_wait3A_210 = arith.constant 0 : i32
      %dma_wait3A_211 = arith.constant 0 : i32
      %dma_wait3A_212 = tpu.memref_slice %arg12[%dma_wait3A_209, %dma_wait3A_210, %dma_wait3A_211] : memref<2x128x64xf32, #tpu.memory_space<vmem>> -> memref<1x128x64xf32, #tpu.memory_space<vmem>>
      %dma_wait3A_213 = tpu.memref_squeeze %dma_wait3A_212 : memref<1x128x64xf32, #tpu.memory_space<vmem>> -> memref<128x64xf32, #tpu.memory_space<vmem>>
      %dma_wait3A_214 = arith.constant 0 : i32
      %dma_wait3A_215 = tpu.memref_slice %arg10[%add3A_208, %dma_wait3A_214] : memref<160x128xi32, #tpu.memory_space<vmem>> -> memref<1x128xi32, #tpu.memory_space<vmem>>
      %dma_wait3A_216 = tpu.memref_squeeze %dma_wait3A_215 : memref<1x128xi32, #tpu.memory_space<vmem>> -> memref<128xi32, #tpu.memory_space<vmem>>
      %dma_wait3A_217 = arith.constant 0 : i32
      %dma_wait3A_218 = arith.constant 0 : i32
      %dma_wait3A_219 = tpu.memref_slice %arg15[%dma_wait3A_217, %dma_wait3A_218] : memref<10000x64xf32, #tpu.memory_space<vmem_shared>> -> memref<10000x64xf32, #tpu.memory_space<vmem_shared>>
      tpu.wait_indirect_dma semaphore(%arg19 : memref<!tpu.dma_semaphore, #tpu.memory_space<semaphore_mem>>) src(%dma_wait3A_219 : memref<10000x64xf32, #tpu.memory_space<vmem_shared>>) dst(%dma_wait3A_213 : memref<128x64xf32, #tpu.memory_space<vmem>>)
      %dma_start3A_220 = arith.constant 1 : i32
      %dma_start3A_221 = arith.constant 3 : i32
      %dma_start3A_222 = arith.constant 0 : i32
      %dma_start3A_223 = arith.constant 0 : i32
      %dma_start3A_224 = tpu.memref_slice %arg12[%dma_start3A_220, %dma_start3A_222, %dma_start3A_223] : memref<2x128x64xf32, #tpu.memory_space<vmem>> -> memref<1x128x64xf32, #tpu.memory_space<vmem>>
      %dma_start3A_225 = tpu.memref_squeeze %dma_start3A_224 : memref<1x128x64xf32, #tpu.memory_space<vmem>> -> memref<128x64xf32, #tpu.memory_space<vmem>>
      %dma_start3A_226 = arith.constant 0 : i32
      %dma_start3A_227 = tpu.memref_slice %arg11[%dma_start3A_221, %dma_start3A_226] : memref<4x128xi32, #tpu.memory_space<vmem>> -> memref<1x128xi32, #tpu.memory_space<vmem>>
      %dma_start3A_228 = tpu.memref_squeeze %dma_start3A_227 : memref<1x128xi32, #tpu.memory_space<vmem>> -> memref<128xi32, #tpu.memory_space<vmem>>
      %dma_start3A_229 = arith.constant 0 : i32
      %dma_start3A_230 = arith.constant 0 : i32
      %dma_start3A_231 = tpu.memref_slice %arg16[%dma_start3A_229, %dma_start3A_230] : memref<10112x64xf32, #tpu.memory_space<vmem_shared>> -> memref<10112x64xf32, #tpu.memory_space<vmem_shared>>
      tpu.enqueue_indirect_dma source(%dma_start3A_225 : memref<128x64xf32, #tpu.memory_space<vmem>>) target(%dma_start3A_231 : memref<10112x64xf32, #tpu.memory_space<vmem_shared>>) offsets(%dma_start3A_228 : memref<128xi32, #tpu.memory_space<vmem>>) semaphore(%arg21 : memref<!tpu.dma_semaphore, #tpu.memory_space<semaphore_mem>>) {add = true}
      %add3A_232 = arith.constant 1 : i32
      %add3A_233 = arith.addi %add3A_208, %add3A_232 : i32
      %lt3A_234 = arith.constant 160 : i32
      %lt3A_235 = arith.cmpi slt, %add3A_233, %lt3A_234 : i32
      %convert_element_type3A_236 = arith.extui %lt3A_235 : i1 to i32
      %cond3A_237 = arith.constant 0 : i32
      %cond3A_238 = arith.cmpi ne, %convert_element_type3A_236, %cond3A_237 : i32
      scf.if %cond3A_238 {
        %add3A_246 = arith.constant 1 : i32
        %add3A_247 = arith.addi %add3A_208, %add3A_246 : i32
        %dma_wait3A_248 = arith.constant 0 : i32
        %dma_wait3A_249 = arith.constant 0 : i32
        %dma_wait3A_250 = tpu.memref_slice %arg11[%dma_wait3A_248, %dma_wait3A_249] : memref<4x128xi32, #tpu.memory_space<vmem>> -> memref<1x128xi32, #tpu.memory_space<vmem>>
        %dma_wait3A_251 = tpu.memref_squeeze %dma_wait3A_250 : memref<1x128xi32, #tpu.memory_space<vmem>> -> memref<128xi32, #tpu.memory_space<vmem>>
        %dma_wait3A_252 = arith.constant 0 : i32
        %dma_wait3A_253 = tpu.memref_slice %arg4[%arg1, %add3A_247, %dma_wait3A_252] : memref<16x160x128xi32, #tpu.memory_space<hbm>> -> memref<1x1x128xi32, #tpu.memory_space<hbm>>
        %dma_wait3A_254 = tpu.memref_squeeze %dma_wait3A_253 : memref<1x1x128xi32, #tpu.memory_space<hbm>> -> memref<128xi32, #tpu.memory_space<hbm>>
        %dma_wait3A_255 = arith.constant 0 : i32
        %dma_wait3A_256 = tpu.memref_slice %arg11[%dma_wait3A_248, %dma_wait3A_255] : memref<4x128xi32, #tpu.memory_space<vmem>> -> memref<1x128xi32, #tpu.memory_space<vmem>>
        %dma_wait3A_257 = tpu.memref_squeeze %dma_wait3A_256 : memref<1x128xi32, #tpu.memory_space<vmem>> -> memref<128xi32, #tpu.memory_space<vmem>>
        %dma_wait3A_258 = arith.constant 0 : i32
        %dma_wait3A_259 = tpu.memref_slice %arg4[%arg1, %add3A_247, %dma_wait3A_258] : memref<16x160x128xi32, #tpu.memory_space<hbm>> -> memref<1x1x128xi32, #tpu.memory_space<hbm>>
        %dma_wait3A_260 = tpu.memref_squeeze %dma_wait3A_259 : memref<1x1x128xi32, #tpu.memory_space<hbm>> -> memref<128xi32, #tpu.memory_space<hbm>>
        tpu.wait_dma2 semaphore(%arg22 : memref<!tpu.dma_semaphore, #tpu.memory_space<semaphore_mem>>) src(%dma_wait3A_260 : memref<128xi32, #tpu.memory_space<hbm>>) dst(%dma_wait3A_257 : memref<128xi32, #tpu.memory_space<vmem>>)
        %ge3A = arith.constant 1 : i32
        %ge3A_261 = arith.cmpi sge, %add3A_208, %ge3A : i32
        %convert_element_type3A_262 = arith.extui %ge3A_261 : i1 to i32
        %cond3A_263 = arith.constant 0 : i32
        %cond3A_264 = arith.cmpi ne, %convert_element_type3A_262, %cond3A_263 : i32
        scf.if %cond3A_264 {
          %dma_wait3A_278 = arith.constant 0 : i32
          %dma_wait3A_279 = arith.constant 2 : i32
          %dma_wait3A_280 = arith.constant 0 : i32
          %dma_wait3A_281 = arith.constant 0 : i32
          %dma_wait3A_282 = tpu.memref_slice %arg12[%dma_wait3A_278, %dma_wait3A_280, %dma_wait3A_281] : memref<2x128x64xf32, #tpu.memory_space<vmem>> -> memref<1x128x64xf32, #tpu.memory_space<vmem>>
          %dma_wait3A_283 = tpu.memref_squeeze %dma_wait3A_282 : memref<1x128x64xf32, #tpu.memory_space<vmem>> -> memref<128x64xf32, #tpu.memory_space<vmem>>
          %dma_wait3A_284 = arith.constant 0 : i32
          %dma_wait3A_285 = tpu.memref_slice %arg11[%dma_wait3A_279, %dma_wait3A_284] : memref<4x128xi32, #tpu.memory_space<vmem>> -> memref<1x128xi32, #tpu.memory_space<vmem>>
          %dma_wait3A_286 = tpu.memref_squeeze %dma_wait3A_285 : memref<1x128xi32, #tpu.memory_space<vmem>> -> memref<128xi32, #tpu.memory_space<vmem>>
          %dma_wait3A_287 = arith.constant 0 : i32
          %dma_wait3A_288 = arith.constant 0 : i32
          %dma_wait3A_289 = tpu.memref_slice %arg16[%dma_wait3A_287, %dma_wait3A_288] : memref<10112x64xf32, #tpu.memory_space<vmem_shared>> -> memref<10112x64xf32, #tpu.memory_space<vmem_shared>>
          tpu.wait_indirect_dma semaphore(%arg20 : memref<!tpu.dma_semaphore, #tpu.memory_space<semaphore_mem>>) src(%dma_wait3A_283 : memref<128x64xf32, #tpu.memory_space<vmem>>) dst(%dma_wait3A_289 : memref<10112x64xf32, #tpu.memory_space<vmem_shared>>)
        } else {
        }
        %add3A_265 = arith.constant 1 : i32
        %add3A_266 = arith.addi %add3A_208, %add3A_265 : i32
        %dma_start3A_267 = arith.constant 0 : i32
        %dma_start3A_268 = arith.constant 0 : i32
        %dma_start3A_269 = arith.constant 0 : i32
        %dma_start3A_270 = tpu.memref_slice %arg12[%dma_start3A_267, %dma_start3A_268, %dma_start3A_269] : memref<2x128x64xf32, #tpu.memory_space<vmem>> -> memref<1x128x64xf32, #tpu.memory_space<vmem>>
        %dma_start3A_271 = tpu.memref_squeeze %dma_start3A_270 : memref<1x128x64xf32, #tpu.memory_space<vmem>> -> memref<128x64xf32, #tpu.memory_space<vmem>>
        %dma_start3A_272 = arith.constant 0 : i32
        %dma_start3A_273 = tpu.memref_slice %arg10[%add3A_266, %dma_start3A_272] : memref<160x128xi32, #tpu.memory_space<vmem>> -> memref<1x128xi32, #tpu.memory_space<vmem>>
        %dma_start3A_274 = tpu.memref_squeeze %dma_start3A_273 : memref<1x128xi32, #tpu.memory_space<vmem>> -> memref<128xi32, #tpu.memory_space<vmem>>
        %dma_start3A_275 = arith.constant 0 : i32
        %dma_start3A_276 = arith.constant 0 : i32
        %dma_start3A_277 = tpu.memref_slice %arg15[%dma_start3A_275, %dma_start3A_276] : memref<10000x64xf32, #tpu.memory_space<vmem_shared>> -> memref<10000x64xf32, #tpu.memory_space<vmem_shared>>
        tpu.enqueue_indirect_dma source(%dma_start3A_277 : memref<10000x64xf32, #tpu.memory_space<vmem_shared>>) target(%dma_start3A_271 : memref<128x64xf32, #tpu.memory_space<vmem>>) offsets(%dma_start3A_274 : memref<128xi32, #tpu.memory_space<vmem>>) semaphore(%arg18 : memref<!tpu.dma_semaphore, #tpu.memory_space<semaphore_mem>>)
      } else {
      }
      %add3A_239 = arith.constant 2 : i32
      %add3A_240 = arith.addi %add3A_208, %add3A_239 : i32
      %lt3A_241 = arith.constant 160 : i32
      %lt3A_242 = arith.cmpi slt, %add3A_240, %lt3A_241 : i32
      %convert_element_type3A_243 = arith.extui %lt3A_242 : i1 to i32
      %cond3A_244 = arith.constant 0 : i32
      %cond3A_245 = arith.cmpi ne, %convert_element_type3A_243, %cond3A_244 : i32
      scf.if %cond3A_245 {
        %add3A_246 = arith.constant 2 : i32
        %add3A_247 = arith.addi %add3A_208, %add3A_246 : i32
        %dma_start3A_248 = arith.constant 1 : i32
        %dma_start3A_249 = arith.constant 0 : i32
        %dma_start3A_250 = tpu.memref_slice %arg11[%dma_start3A_248, %dma_start3A_249] : memref<4x128xi32, #tpu.memory_space<vmem>> -> memref<1x128xi32, #tpu.memory_space<vmem>>
        %dma_start3A_251 = tpu.memref_squeeze %dma_start3A_250 : memref<1x128xi32, #tpu.memory_space<vmem>> -> memref<128xi32, #tpu.memory_space<vmem>>
        %dma_start3A_252 = arith.constant 0 : i32
        %dma_start3A_253 = tpu.memref_slice %arg4[%arg1, %add3A_247, %dma_start3A_252] : memref<16x160x128xi32, #tpu.memory_space<hbm>> -> memref<1x1x128xi32, #tpu.memory_space<hbm>>
        %dma_start3A_254 = tpu.memref_squeeze %dma_start3A_253 : memref<1x1x128xi32, #tpu.memory_space<hbm>> -> memref<128xi32, #tpu.memory_space<hbm>>
        %dma_start3A_255 = arith.constant 0 : i32
        %dma_start3A_256 = tpu.memref_slice %arg11[%dma_start3A_248, %dma_start3A_255] : memref<4x128xi32, #tpu.memory_space<vmem>> -> memref<1x128xi32, #tpu.memory_space<vmem>>
        %dma_start3A_257 = tpu.memref_squeeze %dma_start3A_256 : memref<1x128xi32, #tpu.memory_space<vmem>> -> memref<128xi32, #tpu.memory_space<vmem>>
        %dma_start3A_258 = arith.constant 0 : i32
        %dma_start3A_259 = tpu.memref_slice %arg4[%arg1, %add3A_247, %dma_start3A_258] : memref<16x160x128xi32, #tpu.memory_space<hbm>> -> memref<1x1x128xi32, #tpu.memory_space<hbm>>
        %dma_start3A_260 = tpu.memref_squeeze %dma_start3A_259 : memref<1x1x128xi32, #tpu.memory_space<hbm>> -> memref<128xi32, #tpu.memory_space<hbm>>
        tpu.enqueue_dma source(%dma_start3A_260 : memref<128xi32, #tpu.memory_space<hbm>>) target(%dma_start3A_257 : memref<128xi32, #tpu.memory_space<vmem>>) target_semaphore(%arg23 : memref<!tpu.dma_semaphore, #tpu.memory_space<semaphore_mem>>)
      } else {
      }
    }
    %scan3A_59 = arith.constant 40 : i32
    %dma_wait3A_60 = arith.constant 0 : i32
    %dma_wait3A_61 = arith.constant 2 : i32
    %dma_wait3A_62 = arith.constant 0 : i32
    %dma_wait3A_63 = arith.constant 0 : i32
    %dma_wait3A_64 = tpu.memref_slice %arg12[%dma_wait3A_60, %dma_wait3A_62, %dma_wait3A_63] : memref<2x128x64xf32, #tpu.memory_space<vmem>> -> memref<1x128x64xf32, #tpu.memory_space<vmem>>
    %dma_wait3A_65 = tpu.memref_squeeze %dma_wait3A_64 : memref<1x128x64xf32, #tpu.memory_space<vmem>> -> memref<128x64xf32, #tpu.memory_space<vmem>>
    %dma_wait3A_66 = arith.constant 0 : i32
    %dma_wait3A_67 = tpu.memref_slice %arg11[%dma_wait3A_61, %dma_wait3A_66] : memref<4x128xi32, #tpu.memory_space<vmem>> -> memref<1x128xi32, #tpu.memory_space<vmem>>
    %dma_wait3A_68 = tpu.memref_squeeze %dma_wait3A_67 : memref<1x128xi32, #tpu.memory_space<vmem>> -> memref<128xi32, #tpu.memory_space<vmem>>
    %dma_wait3A_69 = arith.constant 0 : i32
    %dma_wait3A_70 = arith.constant 0 : i32
    %dma_wait3A_71 = tpu.memref_slice %arg16[%dma_wait3A_69, %dma_wait3A_70] : memref<10112x64xf32, #tpu.memory_space<vmem_shared>> -> memref<10112x64xf32, #tpu.memory_space<vmem_shared>>
    tpu.wait_indirect_dma semaphore(%arg20 : memref<!tpu.dma_semaphore, #tpu.memory_space<semaphore_mem>>) src(%dma_wait3A_65 : memref<128x64xf32, #tpu.memory_space<vmem>>) dst(%dma_wait3A_71 : memref<10112x64xf32, #tpu.memory_space<vmem_shared>>)
    %dma_wait3A_72 = arith.constant 1 : i32
    %dma_wait3A_73 = arith.constant 3 : i32
    %dma_wait3A_74 = arith.constant 0 : i32
    %dma_wait3A_75 = arith.constant 0 : i32
    %dma_wait3A_76 = tpu.memref_slice %arg12[%dma_wait3A_72, %dma_wait3A_74, %dma_wait3A_75] : memref<2x128x64xf32, #tpu.memory_space<vmem>> -> memref<1x128x64xf32, #tpu.memory_space<vmem>>
    %dma_wait3A_77 = tpu.memref_squeeze %dma_wait3A_76 : memref<1x128x64xf32, #tpu.memory_space<vmem>> -> memref<128x64xf32, #tpu.memory_space<vmem>>
    %dma_wait3A_78 = arith.constant 0 : i32
    %dma_wait3A_79 = tpu.memref_slice %arg11[%dma_wait3A_73, %dma_wait3A_78] : memref<4x128xi32, #tpu.memory_space<vmem>> -> memref<1x128xi32, #tpu.memory_space<vmem>>
    %dma_wait3A_80 = tpu.memref_squeeze %dma_wait3A_79 : memref<1x128xi32, #tpu.memory_space<vmem>> -> memref<128xi32, #tpu.memory_space<vmem>>
    %dma_wait3A_81 = arith.constant 0 : i32
    %dma_wait3A_82 = arith.constant 0 : i32
    %dma_wait3A_83 = tpu.memref_slice %arg16[%dma_wait3A_81, %dma_wait3A_82] : memref<10112x64xf32, #tpu.memory_space<vmem_shared>> -> memref<10112x64xf32, #tpu.memory_space<vmem_shared>>
    tpu.wait_indirect_dma semaphore(%arg21 : memref<!tpu.dma_semaphore, #tpu.memory_space<semaphore_mem>>) src(%dma_wait3A_77 : memref<128x64xf32, #tpu.memory_space<vmem>>) dst(%dma_wait3A_83 : memref<10112x64xf32, #tpu.memory_space<vmem_shared>>)
    %barrier3A_84 = arith.constant 0 : index
    tpu.barrier barrier_id(%barrier3A_84)
    "tpu.region"() ({
      %run_scoped3A = tpu.sem_alloc : memref<!tpu.dma_semaphore, #tpu.memory_space<semaphore_mem>>
      %dma_start3A_85 = arith.constant 0 : i32
      %dma_start3A_86 = tpu.memref_slice %arg8[%arg0, %mul3A_0, %dma_start3A_85] : memref<2x10112x64xf32, #tpu.memory_space<hbm>> -> memref<1x632x64xf32, #tpu.memory_space<hbm>>
      %dma_start3A_87 = tpu.memref_squeeze %dma_start3A_86 : memref<1x632x64xf32, #tpu.memory_space<hbm>> -> memref<632x64xf32, #tpu.memory_space<hbm>>
      %dma_start3A_88 = arith.constant 0 : i32
      %dma_start3A_89 = tpu.memref_slice %arg16[%mul3A_0, %dma_start3A_88] : memref<10112x64xf32, #tpu.memory_space<vmem_shared>> -> memref<632x64xf32, #tpu.memory_space<vmem_shared>>
      tpu.enqueue_dma source(%dma_start3A_89 : memref<632x64xf32, #tpu.memory_space<vmem_shared>>) target(%dma_start3A_87 : memref<632x64xf32, #tpu.memory_space<hbm>>) target_semaphore(%run_scoped3A : memref<!tpu.dma_semaphore, #tpu.memory_space<semaphore_mem>>)
      %dma_wait3A_90 = arith.constant 0 : i32
      %dma_wait3A_91 = tpu.memref_slice %arg8[%arg0, %mul3A_0, %dma_wait3A_90] : memref<2x10112x64xf32, #tpu.memory_space<hbm>> -> memref<1x632x64xf32, #tpu.memory_space<hbm>>
      %dma_wait3A_92 = tpu.memref_squeeze %dma_wait3A_91 : memref<1x632x64xf32, #tpu.memory_space<hbm>> -> memref<632x64xf32, #tpu.memory_space<hbm>>
      %dma_wait3A_93 = arith.constant 0 : i32
      %dma_wait3A_94 = tpu.memref_slice %arg16[%mul3A_0, %dma_wait3A_93] : memref<10112x64xf32, #tpu.memory_space<vmem_shared>> -> memref<632x64xf32, #tpu.memory_space<vmem_shared>>
      tpu.wait_dma2 semaphore(%run_scoped3A : memref<!tpu.dma_semaphore, #tpu.memory_space<semaphore_mem>>) src(%dma_wait3A_94 : memref<632x64xf32, #tpu.memory_space<vmem_shared>>) dst(%dma_wait3A_92 : memref<632x64xf32, #tpu.memory_space<hbm>>)
      tpu.yield
    }) : () -> ()
    return
  }
}

module attributes {stable_mosaic.version = 14 : i64} {
  func.func @body(%arg0: i32, %arg1: memref<2x2000x64xf32, #tpu.memory_space<vmem>>, %arg2: memref<2x2000x64xf32, #tpu.memory_space<vmem>>, %arg3: memref<2x2000x1xf32, #tpu.memory_space<vmem>>, %arg4: memref<2x128x64xf32, #tpu.memory_space<vmem>>, %arg5: memref<2x128x64xf32, #tpu.memory_space<vmem>>, %arg6: memref<1x128xf32, #tpu.memory_space<vmem>>, %arg7: memref<2x2000x64xf32, #tpu.memory_space<vmem>>) attributes {dimension_semantics = [#tpu.dimension_semantics<arbitrary>], iteration_bounds = array<i64: 5>, scalar_prefetch = 0 : i64, scratch_operands = 0 : i64, tpu.core_type = #tpu.core_type<tc>, window_params = [{transform_indices = @transform_0, window_bounds = array<i64: 2, 2000, 64>}, {transform_indices = @transform_1, window_bounds = array<i64: 2, 2000, 64>}, {transform_indices = @transform_2, window_bounds = array<i64: 2, 2000, 1>}, {pipeline_mode = #tpu.pipeline_mode<synchronous>, transform_indices = @transform_3, window_bounds = array<i64: 2, 128, 64>}, {pipeline_mode = #tpu.pipeline_mode<synchronous>, transform_indices = @transform_4, window_bounds = array<i64: 2, 128, 64>}, {pipeline_mode = #tpu.pipeline_mode<synchronous>, transform_indices = @transform_5, window_bounds = array<i64: 1, 128>}, {transform_indices = @transform_6, window_bounds = array<i64: 2, 2000, 64>}]} {
    %get3A = arith.constant 0 : index
    %get3A_0 = arith.constant 0 : index
    %get3A_1 = arith.constant 0 : index
    %get3A_2 = vector.load %arg3[%get3A, %get3A_0, %get3A_1] : memref<2x2000x1xf32, #tpu.memory_space<vmem>>, vector<1x2000x1xf32>
    %get3A_3 = vector.shape_cast %get3A_2 : vector<1x2000x1xf32> to vector<2000x1xf32>
    %get3A_4 = arith.constant 1 : index
    %get3A_5 = arith.constant 0 : index
    %get3A_6 = arith.constant 0 : index
    %get3A_7 = vector.load %arg3[%get3A_4, %get3A_5, %get3A_6] : memref<2x2000x1xf32, #tpu.memory_space<vmem>>, vector<1x2000x1xf32>
    %get3A_8 = vector.shape_cast %get3A_7 : vector<1x2000x1xf32> to vector<2000x1xf32>
    %add3A = arith.addf %get3A_3, %get3A_8 : vector<2000x1xf32>
    %max3A = arith.constant 1.000000e+00 : f32
    %max3A_9 = vector.broadcast %max3A : f32 to vector<2000x1xf32>
    %max3A_10 = arith.maximumf %add3A, %max3A_9 : vector<2000x1xf32>
    %get3A_11 = arith.constant 0 : index
    %get3A_12 = arith.constant 0 : index
    %get3A_13 = arith.constant 0 : index
    %get3A_14 = vector.load %arg2[%get3A_11, %get3A_12, %get3A_13] : memref<2x2000x64xf32, #tpu.memory_space<vmem>>, vector<1x2000x64xf32>
    %get3A_15 = vector.shape_cast %get3A_14 : vector<1x2000x64xf32> to vector<2000x64xf32>
    %div3A = vector.broadcast %max3A_10 : vector<2000x1xf32> to vector<2000x64xf32>
    %div3A_16 = arith.divf %get3A_15, %div3A : vector<2000x64xf32>
    %get3A_17 = arith.constant 0 : index
    %get3A_18 = arith.constant 0 : index
    %get3A_19 = arith.constant 0 : index
    %get3A_20 = vector.load %arg4[%get3A_17, %get3A_18, %get3A_19] : memref<2x128x64xf32, #tpu.memory_space<vmem>>, vector<1x128x64xf32>
    %get3A_21 = vector.shape_cast %get3A_20 : vector<1x128x64xf32> to vector<128x64xf32>
    %dot_general3A = arith.constant dense<0.000000e+00> : vector<2000x128xf32>
    %dot_general3A_22 = tpu.matmul %div3A_16, %get3A_21, %dot_general3A {dimension_numbers = #tpu.dot_dimension_numbers<[1], [1], [0], [0], [0, 0, 1, 0], [], []>, transpose_lhs_hint = false} : vector<2000x64xf32>, vector<128x64xf32>, vector<2000x128xf32> -> vector<2000x128xf32>
    %get3A_23 = arith.constant 1 : index
    %get3A_24 = arith.constant 0 : index
    %get3A_25 = arith.constant 0 : index
    %get3A_26 = vector.load %arg2[%get3A_23, %get3A_24, %get3A_25] : memref<2x2000x64xf32, #tpu.memory_space<vmem>>, vector<1x2000x64xf32>
    %get3A_27 = vector.shape_cast %get3A_26 : vector<1x2000x64xf32> to vector<2000x64xf32>
    %div3A_28 = vector.broadcast %max3A_10 : vector<2000x1xf32> to vector<2000x64xf32>
    %div3A_29 = arith.divf %get3A_27, %div3A_28 : vector<2000x64xf32>
    %get3A_30 = arith.constant 1 : index
    %get3A_31 = arith.constant 0 : index
    %get3A_32 = arith.constant 0 : index
    %get3A_33 = vector.load %arg4[%get3A_30, %get3A_31, %get3A_32] : memref<2x128x64xf32, #tpu.memory_space<vmem>>, vector<1x128x64xf32>
    %get3A_34 = vector.shape_cast %get3A_33 : vector<1x128x64xf32> to vector<128x64xf32>
    %dot_general3A_35 = arith.constant dense<0.000000e+00> : vector<2000x128xf32>
    %dot_general3A_36 = tpu.matmul %div3A_29, %get3A_34, %dot_general3A_35 {dimension_numbers = #tpu.dot_dimension_numbers<[1], [1], [0], [0], [0, 0, 1, 0], [], []>, transpose_lhs_hint = false} : vector<2000x64xf32>, vector<128x64xf32>, vector<2000x128xf32> -> vector<2000x128xf32>
    %add3A_37 = arith.addf %dot_general3A_22, %dot_general3A_36 : vector<2000x128xf32>
    %get3A_38 = arith.constant 0 : index
    %get3A_39 = arith.constant 0 : index
    %get3A_40 = arith.constant 0 : index
    %get3A_41 = vector.load %arg1[%get3A_38, %get3A_39, %get3A_40] : memref<2x2000x64xf32, #tpu.memory_space<vmem>>, vector<1x2000x64xf32>
    %get3A_42 = vector.shape_cast %get3A_41 : vector<1x2000x64xf32> to vector<2000x64xf32>
    %get3A_43 = arith.constant 0 : index
    %get3A_44 = arith.constant 0 : index
    %get3A_45 = arith.constant 0 : index
    %get3A_46 = vector.load %arg5[%get3A_43, %get3A_44, %get3A_45] : memref<2x128x64xf32, #tpu.memory_space<vmem>>, vector<1x128x64xf32>
    %get3A_47 = vector.shape_cast %get3A_46 : vector<1x128x64xf32> to vector<128x64xf32>
    %dot_general3A_48 = arith.constant dense<0.000000e+00> : vector<2000x128xf32>
    %dot_general3A_49 = tpu.matmul %get3A_42, %get3A_47, %dot_general3A_48 {dimension_numbers = #tpu.dot_dimension_numbers<[1], [1], [0], [0], [0, 0, 1, 0], [], []>, transpose_lhs_hint = false} : vector<2000x64xf32>, vector<128x64xf32>, vector<2000x128xf32> -> vector<2000x128xf32>
    %add3A_50 = arith.addf %add3A_37, %dot_general3A_49 : vector<2000x128xf32>
    %get3A_51 = arith.constant 1 : index
    %get3A_52 = arith.constant 0 : index
    %get3A_53 = arith.constant 0 : index
    %get3A_54 = vector.load %arg1[%get3A_51, %get3A_52, %get3A_53] : memref<2x2000x64xf32, #tpu.memory_space<vmem>>, vector<1x2000x64xf32>
    %get3A_55 = vector.shape_cast %get3A_54 : vector<1x2000x64xf32> to vector<2000x64xf32>
    %get3A_56 = arith.constant 1 : index
    %get3A_57 = arith.constant 0 : index
    %get3A_58 = arith.constant 0 : index
    %get3A_59 = vector.load %arg5[%get3A_56, %get3A_57, %get3A_58] : memref<2x128x64xf32, #tpu.memory_space<vmem>>, vector<1x128x64xf32>
    %get3A_60 = vector.shape_cast %get3A_59 : vector<1x128x64xf32> to vector<128x64xf32>
    %dot_general3A_61 = arith.constant dense<0.000000e+00> : vector<2000x128xf32>
    %dot_general3A_62 = tpu.matmul %get3A_55, %get3A_60, %dot_general3A_61 {dimension_numbers = #tpu.dot_dimension_numbers<[1], [1], [0], [0], [0, 0, 1, 0], [], []>, transpose_lhs_hint = false} : vector<2000x64xf32>, vector<128x64xf32>, vector<2000x128xf32> -> vector<2000x128xf32>
    %add3A_63 = arith.addf %add3A_50, %dot_general3A_62 : vector<2000x128xf32>
    %get3A_64 = arith.constant 0 : index
    %get3A_65 = arith.constant 0 : index
    %get3A_66 = vector.load %arg6[%get3A_64, %get3A_65] : memref<1x128xf32, #tpu.memory_space<vmem>>, vector<1x128xf32>
    %add3A_67 = vector.broadcast %get3A_66 : vector<1x128xf32> to vector<2000x128xf32>
    %add3A_68 = arith.addf %add3A_63, %add3A_67 : vector<2000x128xf32>
    %max3A_69 = arith.constant 0.000000e+00 : f32
    %max3A_70 = vector.broadcast %max3A_69 : f32 to vector<2000x128xf32>
    %max3A_71 = arith.maximumf %add3A_68, %max3A_70 : vector<2000x128xf32>
    %slice3A = vector.extract_strided_slice %max3A_71 {offsets = [0, 0], sizes = [2000, 64], strides = [1, 1]} : vector<2000x128xf32> to vector<2000x64xf32>
    %swap3A = arith.constant 0 : index
    %swap3A_72 = arith.constant 0 : index
    %swap3A_73 = arith.constant 0 : index
    %swap3A_74 = vector.load %arg7[%swap3A, %swap3A_72, %swap3A_73] : memref<2x2000x64xf32, #tpu.memory_space<vmem>>, vector<1x2000x64xf32>
    %swap3A_75 = vector.shape_cast %swap3A_74 : vector<1x2000x64xf32> to vector<2000x64xf32>
    %swap3A_76 = vector.shape_cast %slice3A : vector<2000x64xf32> to vector<1x2000x64xf32>
    tpu.vector_store %arg7[%swap3A, %swap3A_72, %swap3A_73], %swap3A_76 {strides = array<i32>} : memref<2x2000x64xf32, #tpu.memory_space<vmem>>, vector<1x2000x64xf32>,
    %slice3A_77 = vector.extract_strided_slice %max3A_71 {offsets = [0, 64], sizes = [2000, 64], strides = [1, 1]} : vector<2000x128xf32> to vector<2000x64xf32>
    %swap3A_78 = arith.constant 1 : index
    %swap3A_79 = arith.constant 0 : index
    %swap3A_80 = arith.constant 0 : index
    %swap3A_81 = vector.load %arg7[%swap3A_78, %swap3A_79, %swap3A_80] : memref<2x2000x64xf32, #tpu.memory_space<vmem>>, vector<1x2000x64xf32>
    %swap3A_82 = vector.shape_cast %swap3A_81 : vector<1x2000x64xf32> to vector<2000x64xf32>
    %swap3A_83 = vector.shape_cast %slice3A_77 : vector<2000x64xf32> to vector<1x2000x64xf32>
    tpu.vector_store %arg7[%swap3A_78, %swap3A_79, %swap3A_80], %swap3A_83 {strides = array<i32>} : memref<2x2000x64xf32, #tpu.memory_space<vmem>>, vector<1x2000x64xf32>,
    return
  }
  func.func @transform_0(%arg0: i32) -> (i32, i32, i32) {
    %c0_i32 = arith.constant 0 : i32
    %c0_i32_0 = arith.constant 0 : i32
    %c0_i32_1 = arith.constant 0 : i32
    return %c0_i32, %arg0, %c0_i32_0 : i32, i32, i32
  }
  func.func @transform_1(%arg0: i32) -> (i32, i32, i32) {
    %c0_i32 = arith.constant 0 : i32
    %c0_i32_0 = arith.constant 0 : i32
    %c0_i32_1 = arith.constant 0 : i32
    return %c0_i32, %arg0, %c0_i32_0 : i32, i32, i32
  }
  func.func @transform_2(%arg0: i32) -> (i32, i32, i32) {
    %c0_i32 = arith.constant 0 : i32
    %c0_i32_0 = arith.constant 0 : i32
    %c0_i32_1 = arith.constant 0 : i32
    return %c0_i32, %arg0, %c0_i32_0 : i32, i32, i32
  }
  func.func @transform_3(%arg0: i32) -> (i32, i32, i32) {
    %c0_i32 = arith.constant 0 : i32
    %c0_i32_0 = arith.constant 0 : i32
    %c0_i32_1 = arith.constant 0 : i32
    %c0_i32_2 = arith.constant 0 : i32
    return %c0_i32, %c0_i32_0, %c0_i32_1 : i32, i32, i32
  }
  func.func @transform_4(%arg0: i32) -> (i32, i32, i32) {
    %c0_i32 = arith.constant 0 : i32
    %c0_i32_0 = arith.constant 0 : i32
    %c0_i32_1 = arith.constant 0 : i32
    %c0_i32_2 = arith.constant 0 : i32
    return %c0_i32, %c0_i32_0, %c0_i32_1 : i32, i32, i32
  }
  func.func @transform_5(%arg0: i32) -> (i32, i32) {
    %c0_i32 = arith.constant 0 : i32
    %c0_i32_0 = arith.constant 0 : i32
    %c0_i32_1 = arith.constant 0 : i32
    return %c0_i32, %c0_i32_0 : i32, i32
  }
  func.func @transform_6(%arg0: i32) -> (i32, i32, i32) {
    %c0_i32 = arith.constant 0 : i32
    %c0_i32_0 = arith.constant 0 : i32
    %c0_i32_1 = arith.constant 0 : i32
    return %c0_i32, %arg0, %c0_i32_0 : i32, i32, i32
  }
}

module attributes {stable_mosaic.version = 14 : i64} {
  func.func @body(%arg0: i32, %arg1: memref<2x2000x64xf32, #tpu.memory_space<vmem>>, %arg2: memref<2x2000x64xf32, #tpu.memory_space<vmem>>, %arg3: memref<2x2000x1xf32, #tpu.memory_space<vmem>>, %arg4: memref<2x128x64xf32, #tpu.memory_space<vmem>>, %arg5: memref<2x128x64xf32, #tpu.memory_space<vmem>>, %arg6: memref<1x128xf32, #tpu.memory_space<vmem>>, %arg7: memref<2000x128xf32, #tpu.memory_space<vmem>>) attributes {dimension_semantics = [#tpu.dimension_semantics<arbitrary>], iteration_bounds = array<i64: 5>, scalar_prefetch = 0 : i64, scratch_operands = 0 : i64, tpu.core_type = #tpu.core_type<tc>, window_params = [{transform_indices = @transform_0, window_bounds = array<i64: 2, 2000, 64>}, {transform_indices = @transform_1, window_bounds = array<i64: 2, 2000, 64>}, {transform_indices = @transform_2, window_bounds = array<i64: 2, 2000, 1>}, {pipeline_mode = #tpu.pipeline_mode<synchronous>, transform_indices = @transform_3, window_bounds = array<i64: 2, 128, 64>}, {pipeline_mode = #tpu.pipeline_mode<synchronous>, transform_indices = @transform_4, window_bounds = array<i64: 2, 128, 64>}, {pipeline_mode = #tpu.pipeline_mode<synchronous>, transform_indices = @transform_5, window_bounds = array<i64: 1, 128>}, {transform_indices = @transform_6, window_bounds = array<i64: 2000, 128>}]} {
    %get3A = arith.constant 0 : index
    %get3A_0 = arith.constant 0 : index
    %get3A_1 = arith.constant 0 : index
    %get3A_2 = vector.load %arg3[%get3A, %get3A_0, %get3A_1] : memref<2x2000x1xf32, #tpu.memory_space<vmem>>, vector<1x2000x1xf32>
    %get3A_3 = vector.shape_cast %get3A_2 : vector<1x2000x1xf32> to vector<2000x1xf32>
    %get3A_4 = arith.constant 1 : index
    %get3A_5 = arith.constant 0 : index
    %get3A_6 = arith.constant 0 : index
    %get3A_7 = vector.load %arg3[%get3A_4, %get3A_5, %get3A_6] : memref<2x2000x1xf32, #tpu.memory_space<vmem>>, vector<1x2000x1xf32>
    %get3A_8 = vector.shape_cast %get3A_7 : vector<1x2000x1xf32> to vector<2000x1xf32>
    %add3A = arith.addf %get3A_3, %get3A_8 : vector<2000x1xf32>
    %max3A = arith.constant 1.000000e+00 : f32
    %max3A_9 = vector.broadcast %max3A : f32 to vector<2000x1xf32>
    %max3A_10 = arith.maximumf %add3A, %max3A_9 : vector<2000x1xf32>
    %get3A_11 = arith.constant 0 : index
    %get3A_12 = arith.constant 0 : index
    %get3A_13 = arith.constant 0 : index
    %get3A_14 = vector.load %arg2[%get3A_11, %get3A_12, %get3A_13] : memref<2x2000x64xf32, #tpu.memory_space<vmem>>, vector<1x2000x64xf32>
    %get3A_15 = vector.shape_cast %get3A_14 : vector<1x2000x64xf32> to vector<2000x64xf32>
    %div3A = vector.broadcast %max3A_10 : vector<2000x1xf32> to vector<2000x64xf32>
    %div3A_16 = arith.divf %get3A_15, %div3A : vector<2000x64xf32>
    %get3A_17 = arith.constant 0 : index
    %get3A_18 = arith.constant 0 : index
    %get3A_19 = arith.constant 0 : index
    %get3A_20 = vector.load %arg4[%get3A_17, %get3A_18, %get3A_19] : memref<2x128x64xf32, #tpu.memory_space<vmem>>, vector<1x128x64xf32>
    %get3A_21 = vector.shape_cast %get3A_20 : vector<1x128x64xf32> to vector<128x64xf32>
    %dot_general3A = arith.constant dense<0.000000e+00> : vector<2000x128xf32>
    %dot_general3A_22 = tpu.matmul %div3A_16, %get3A_21, %dot_general3A {dimension_numbers = #tpu.dot_dimension_numbers<[1], [1], [0], [0], [0, 0, 1, 0], [], []>, transpose_lhs_hint = false} : vector<2000x64xf32>, vector<128x64xf32>, vector<2000x128xf32> -> vector<2000x128xf32>
    %get3A_23 = arith.constant 1 : index
    %get3A_24 = arith.constant 0 : index
    %get3A_25 = arith.constant 0 : index
    %get3A_26 = vector.load %arg2[%get3A_23, %get3A_24, %get3A_25] : memref<2x2000x64xf32, #tpu.memory_space<vmem>>, vector<1x2000x64xf32>
    %get3A_27 = vector.shape_cast %get3A_26 : vector<1x2000x64xf32> to vector<2000x64xf32>
    %div3A_28 = vector.broadcast %max3A_10 : vector<2000x1xf32> to vector<2000x64xf32>
    %div3A_29 = arith.divf %get3A_27, %div3A_28 : vector<2000x64xf32>
    %get3A_30 = arith.constant 1 : index
    %get3A_31 = arith.constant 0 : index
    %get3A_32 = arith.constant 0 : index
    %get3A_33 = vector.load %arg4[%get3A_30, %get3A_31, %get3A_32] : memref<2x128x64xf32, #tpu.memory_space<vmem>>, vector<1x128x64xf32>
    %get3A_34 = vector.shape_cast %get3A_33 : vector<1x128x64xf32> to vector<128x64xf32>
    %dot_general3A_35 = arith.constant dense<0.000000e+00> : vector<2000x128xf32>
    %dot_general3A_36 = tpu.matmul %div3A_29, %get3A_34, %dot_general3A_35 {dimension_numbers = #tpu.dot_dimension_numbers<[1], [1], [0], [0], [0, 0, 1, 0], [], []>, transpose_lhs_hint = false} : vector<2000x64xf32>, vector<128x64xf32>, vector<2000x128xf32> -> vector<2000x128xf32>
    %add3A_37 = arith.addf %dot_general3A_22, %dot_general3A_36 : vector<2000x128xf32>
    %get3A_38 = arith.constant 0 : index
    %get3A_39 = arith.constant 0 : index
    %get3A_40 = arith.constant 0 : index
    %get3A_41 = vector.load %arg1[%get3A_38, %get3A_39, %get3A_40] : memref<2x2000x64xf32, #tpu.memory_space<vmem>>, vector<1x2000x64xf32>
    %get3A_42 = vector.shape_cast %get3A_41 : vector<1x2000x64xf32> to vector<2000x64xf32>
    %get3A_43 = arith.constant 0 : index
    %get3A_44 = arith.constant 0 : index
    %get3A_45 = arith.constant 0 : index
    %get3A_46 = vector.load %arg5[%get3A_43, %get3A_44, %get3A_45] : memref<2x128x64xf32, #tpu.memory_space<vmem>>, vector<1x128x64xf32>
    %get3A_47 = vector.shape_cast %get3A_46 : vector<1x128x64xf32> to vector<128x64xf32>
    %dot_general3A_48 = arith.constant dense<0.000000e+00> : vector<2000x128xf32>
    %dot_general3A_49 = tpu.matmul %get3A_42, %get3A_47, %dot_general3A_48 {dimension_numbers = #tpu.dot_dimension_numbers<[1], [1], [0], [0], [0, 0, 1, 0], [], []>, transpose_lhs_hint = false} : vector<2000x64xf32>, vector<128x64xf32>, vector<2000x128xf32> -> vector<2000x128xf32>
    %add3A_50 = arith.addf %add3A_37, %dot_general3A_49 : vector<2000x128xf32>
    %get3A_51 = arith.constant 1 : index
    %get3A_52 = arith.constant 0 : index
    %get3A_53 = arith.constant 0 : index
    %get3A_54 = vector.load %arg1[%get3A_51, %get3A_52, %get3A_53] : memref<2x2000x64xf32, #tpu.memory_space<vmem>>, vector<1x2000x64xf32>
    %get3A_55 = vector.shape_cast %get3A_54 : vector<1x2000x64xf32> to vector<2000x64xf32>
    %get3A_56 = arith.constant 1 : index
    %get3A_57 = arith.constant 0 : index
    %get3A_58 = arith.constant 0 : index
    %get3A_59 = vector.load %arg5[%get3A_56, %get3A_57, %get3A_58] : memref<2x128x64xf32, #tpu.memory_space<vmem>>, vector<1x128x64xf32>
    %get3A_60 = vector.shape_cast %get3A_59 : vector<1x128x64xf32> to vector<128x64xf32>
    %dot_general3A_61 = arith.constant dense<0.000000e+00> : vector<2000x128xf32>
    %dot_general3A_62 = tpu.matmul %get3A_55, %get3A_60, %dot_general3A_61 {dimension_numbers = #tpu.dot_dimension_numbers<[1], [1], [0], [0], [0, 0, 1, 0], [], []>, transpose_lhs_hint = false} : vector<2000x64xf32>, vector<128x64xf32>, vector<2000x128xf32> -> vector<2000x128xf32>
    %add3A_63 = arith.addf %add3A_50, %dot_general3A_62 : vector<2000x128xf32>
    %get3A_64 = arith.constant 0 : index
    %get3A_65 = arith.constant 0 : index
    %get3A_66 = vector.load %arg6[%get3A_64, %get3A_65] : memref<1x128xf32, #tpu.memory_space<vmem>>, vector<1x128xf32>
    %add3A_67 = vector.broadcast %get3A_66 : vector<1x128xf32> to vector<2000x128xf32>
    %add3A_68 = arith.addf %add3A_63, %add3A_67 : vector<2000x128xf32>
    %swap3A = arith.constant 0 : index
    %swap3A_69 = arith.constant 0 : index
    %swap3A_70 = vector.load %arg7[%swap3A, %swap3A_69] : memref<2000x128xf32, #tpu.memory_space<vmem>>, vector<2000x128xf32>
    tpu.vector_store %arg7[%swap3A, %swap3A_69], %add3A_68 {strides = array<i32>} : memref<2000x128xf32, #tpu.memory_space<vmem>>, vector<2000x128xf32>,
    return
  }
  func.func @transform_0(%arg0: i32) -> (i32, i32, i32) {
    %c0_i32 = arith.constant 0 : i32
    %c0_i32_0 = arith.constant 0 : i32
    %c0_i32_1 = arith.constant 0 : i32
    return %c0_i32, %arg0, %c0_i32_0 : i32, i32, i32
  }
  func.func @transform_1(%arg0: i32) -> (i32, i32, i32) {
    %c0_i32 = arith.constant 0 : i32
    %c0_i32_0 = arith.constant 0 : i32
    %c0_i32_1 = arith.constant 0 : i32
    return %c0_i32, %arg0, %c0_i32_0 : i32, i32, i32
  }
  func.func @transform_2(%arg0: i32) -> (i32, i32, i32) {
    %c0_i32 = arith.constant 0 : i32
    %c0_i32_0 = arith.constant 0 : i32
    %c0_i32_1 = arith.constant 0 : i32
    return %c0_i32, %arg0, %c0_i32_0 : i32, i32, i32
  }
  func.func @transform_3(%arg0: i32) -> (i32, i32, i32) {
    %c0_i32 = arith.constant 0 : i32
    %c0_i32_0 = arith.constant 0 : i32
    %c0_i32_1 = arith.constant 0 : i32
    %c0_i32_2 = arith.constant 0 : i32
    return %c0_i32, %c0_i32_0, %c0_i32_1 : i32, i32, i32
  }
  func.func @transform_4(%arg0: i32) -> (i32, i32, i32) {
    %c0_i32 = arith.constant 0 : i32
    %c0_i32_0 = arith.constant 0 : i32
    %c0_i32_1 = arith.constant 0 : i32
    %c0_i32_2 = arith.constant 0 : i32
    return %c0_i32, %c0_i32_0, %c0_i32_1 : i32, i32, i32
  }
  func.func @transform_5(%arg0: i32) -> (i32, i32) {
    %c0_i32 = arith.constant 0 : i32
    %c0_i32_0 = arith.constant 0 : i32
    %c0_i32_1 = arith.constant 0 : i32
    return %c0_i32, %c0_i32_0 : i32, i32
  }
  func.func @transform_6(%arg0: i32) -> (i32, i32) {
    %c0_i32 = arith.constant 0 : i32
    %c0_i32_0 = arith.constant 0 : i32
    return %arg0, %c0_i32 : i32, i32
  }
}

</mosaic_0001>

<sc_bundles>
// kernel: kernel.6.cloned.1.call-start
scs
__scs_entry_jumppad:
0x0: {  	(pc) =	sbr.rel $0x88, $3  }
0x1: {  	(tag) =	ssettag $0x0;
	lr =	simm.s32 $0x1  }
0x2: {  	[smem:$0x3F99] =	sst lr;
	_ =	strace $0xD0000000  }
0x3: {  	_ = 	snop  }
0x4: {  	_ = 	snop  }
0x5: {  	_ = 	snop  }
0x6: {  	_ = 	snop  }
0x7: {  	_ = 	snop  }
__scs_overlays_trampoline_lowered:
0x8: {  	[smem:$0x3FA8] =	sst s0  }
0x9: {  	[smem:$0x3FA9] =	sst s1  }
0xa: {  	[smem:$0x3FAA] =	sst s2  }
0xb: {  	[smem:$0x3FAB] =	sst s3  }
0xc: {  	[smem:$0x3FAC] =	sst s4  }
0xd: {  	[smem:$0x3FAD] =	sst s5  }
0xe: {  	[smem:$0x3FAE] =	sst s6  }
0xf: {  	[smem:$0x3FAF] =	sst s7  }
0x10: {  	[smem:$0x3FB0] =	sst s8  }
0x11: {  	[smem:$0x3FB1] =	sst s9;
	s0 =	simm.s32 @!p0 $0x0  }
0x12: {  	s1 =	sld [smem:$0x3F97];
	s0 =	simm.s32 @p0 $0x1  }
0x13: {  	[smem:$0x3FB2] =	sst s0;
	s0 =	simm.s32 @!p1 $0x0  }
0x14: {  	s2 =	sld [smem:$0x3F96];
	s0 =	simm.s32 @p1 $0x1  }
0x15: {  	[smem:$0x3FB3] =	sst s0;
	s0 =	simm.s32 @!p2 $0x0  }
0x16: {  	s3 =	sld [smem:$0x3FDB];
	s0 =	simm.s32 @p2 $0x1  }
0x17: {  	s4 =	simm.s32 $0x1BF5;
	[smem:$0x3FB5] =	sst s0  }
0x18: {  	s0 =	sld [smem:$0x3F98];
	_ =	swait.ge [sflag:s4], $0x0  }
0x19: {  	s7 =	sld [smem:$0x3F99]  }
0x1a: {  	s8 =	sadd.s32 $0xFFFFE003, lr  }
0x1b: {  	s9 =	sadd.s32 $0xFFFFFEF7, lr;
	s5 =	simm.s32 $0xFFFFFFFF;
	p2 =	slt.u32 s8, $0xFFFFF086  }
0x1c: {  	p1 =	slt.u32 s9, $0xF7A;
	s5 =	simm.s32 @!p2 $0x0  }
0x1d: {  	s5 =	simm.s32 @p1 $0x1;
	p0 =	seq.s32 s7, s2  }
0x1e: {  	s7 =	smul.u32 @!p0 $0xF7A, s2;
	p2 =	seq.s32 @!p0 s5, $0x0  }
0x1f: {  	s9 =	smul.u32 $0xF7A, s1;
	s8 =	simm.s32 @!p0 $0x1BF5;
	p2 =	por !p2, p0  }
0x20: {  	[sflag:s8] =	ssyncset.s32 @!p0 $0xFFFFF086;
	s6 =	sadd.s32 @!p0 s3, s7;
	s7 =	simm.s32 @!p0 $0x108  }
0x21: {  	s3 =	sadd.s32 s3, s9;
	s6 =	sadd.s32 @!p0 $0x88, s6;
	s7 =	simm.s32 @p2 $0x1082  }
0x22: {  	[simem:s7], [sflag:s8] =	dma.local @!p0 [hbm:s6], $0xF7A  }
0x23: {  	s9 =	sor.u32 $0xD0000000, s2;
	s6 =	simm.s32 $0x108;
	_ =	swait.ge @!p0 [sflag:s8], $0x0  }
0x24: {  	s3 =	sadd.s32 $0x88, s3;
	s6 =	simm.s32 @!p1 $0x1082;
	[sflag:s4] =	ssyncset.s32 $0xFFFFF086  }
0x25: {  	[simem:s6], [sflag:s4] =	dma.local [hbm:s3], $0xF7A  }
0x26: {  	[smem:$0x3F99] =	sst s1;
	(tag) =	ssettag s2;
	_ =	strace s9  }
0x27: {  	s1 =	sld [smem:$0x3FA9]  }
0x28: {  	s2 =	sld [smem:$0x3FAA]  }
0x29: {  	s4 =	sld [smem:$0x3FAC]  }
0x2a: {  	p0 =	seq.s32 s5, $0x0;
	s5 =	sld [smem:$0x3FAD]  }
0x2b: {  	s6 =	sld [smem:$0x3FAE]  }
0x2c: {  	s7 =	sld [smem:$0x3FAF]  }
0x2d: {  	s3 =	simm.s32 $0x108;
	s8 =	sld [smem:$0x3FB0]  }
0x2e: {  	s3 =	simm.s32 @!p0 $0x1082;
	s9 =	sld [smem:$0x3FB1]  }
0x2f: {  	lr =	sadd.s32 s0, s3;
	s0 =	sld [smem:$0x3FA8]  }
0x30: {  	s3 =	sld [smem:$0x3FAB]  }
0x31: {  	[smem:$0x3FB4] =	sst s10  }
0x32: {  	s10 =	sld [smem:$0x3FB2];
	_ =	sdelay $0x3  }
0x33: {  	p0 =	seq.s32 s10, $0x1;
	s10 =	sld [smem:$0x3FB4];
	_ =	sdelay $0x3  }
0x34: {  	[smem:$0x3FB4] =	sst s10  }
0x35: {  	s10 =	sld [smem:$0x3FB3];
	_ =	sdelay $0x3  }
0x36: {  	p1 =	seq.s32 s10, $0x1;
	s10 =	sld [smem:$0x3FB4];
	_ =	sdelay $0x3  }
0x37: {  	[smem:$0x3FB4] =	sst s10  }
0x38: {  	s10 =	sld [smem:$0x3FB5]  }
0x39: {  	_ = 	snop;
	(pc) =	sbr.ind lr, $3  }
0x3a: {  	_ = 	snop  }
0x3b: {  	_ = 	snop  }
0x3c: {  	p2 =	seq.s32 s10, $0x1;
	s10 =	sld [smem:$0x3FB4]  }
0x3d: {  	_ =	shalt  }
0x3e: {  	_ =	shalt  }
0x3f: {  	_ =	shalt  }
0x40: {  	_ =	shalt  }
0x41: {  	_ =	shalt  }
0x42: {  	_ =	shalt  }
0x43: {  	_ =	shalt  }
0x44: {  	_ =	shalt  }
0x45: {  	_ =	shalt  }
0x46: {  	_ =	shalt  }
0x47: {  	_ =	shalt  }
0x48: {  	_ =	shalt  }
0x49: {  	_ =	shalt  }
0x4a: {  	_ =	shalt  }
0x4b: {  	_ =	shalt  }
0x4c: {  	_ =	shalt  }
0x4d: {  	_ =	shalt  }
0x4e: {  	_ =	shalt  }
0x4f: {  	_ =	shalt  }
0x50: {  	_ =	shalt  }
0x51: {  	_ =	shalt  }
0x52: {  	_ =	shalt  }
0x53: {  	_ =	shalt  }
0x54: {  	_ =	shalt  }
0x55: {  	_ =	shalt  }
0x56: {  	_ =	shalt  }
0x57: {  	_ =	shalt  }
0x58: {  	_ =	shalt  }
0x59: {  	_ =	shalt  }
0x5a: {  	_ =	shalt  }
0x5b: {  	_ =	shalt  }
0x5c: {  	_ =	shalt  }
0x5d: {  	_ =	shalt  }
0x5e: {  	_ =	shalt  }
0x5f: {  	_ =	shalt  }
0x60: {  	_ =	shalt  }
0x61: {  	_ =	shalt  }
0x62: {  	_ =	shalt  }
0x63: {  	_ =	shalt  }
0x64: {  	_ =	shalt  }
0x65: {  	_ =	shalt  }
0x66: {  	_ =	shalt  }
0x67: {  	_ =	shalt  }
0x68: {  	_ =	shalt  }
0x69: {  	_ =	shalt  }
0x6a: {  	_ =	shalt  }
0x6b: {  	_ =	shalt  }
0x6c: {  	_ =	shalt  }
0x6d: {  	_ =	shalt  }
0x6e: {  	_ =	shalt  }
0x6f: {  	_ =	shalt  }
0x70: {  	_ =	shalt  }
0x71: {  	_ =	shalt  }
0x72: {  	_ =	shalt  }
0x73: {  	_ =	shalt  }
0x74: {  	_ =	shalt  }
0x75: {  	_ =	shalt  }
0x76: {  	_ =	shalt  }
0x77: {  	_ =	shalt  }
0x78: {  	_ =	shalt  }
0x79: {  	_ =	shalt  }
0x7a: {  	_ =	shalt  }
0x7b: {  	_ =	shalt  }
0x7c: {  	_ =	shalt  }
0x7d: {  	_ =	shalt  }
0x7e: {  	_ =	shalt  }
0x7f: {  	_ =	shalt  }
0x80: {  	_ =	shalt  }
0x81: {  	_ =	shalt  }
0x82: {  	_ =	shalt  }
0x83: {  	_ =	shalt  }
0x84: {  	_ =	shalt  }
0x85: {  	_ =	shalt  }
0x86: {  	_ =	shalt  }
0x87: {  	_ =	shalt  }
.Lfunc_end0:
.L_simem_size_0:
called_computation_lowered:
.L_overlay_start_0:
0x88: {  	s2 =	sld [smem:$0x3FD9]  }
0x89: {  	s3 =	sld [smem:$0x3FFE];
	_ =	sdelay $0x1  }
0x8a: {  	s1 =	srdreg.scid  }
0x8b: {  	s0 =	sand.u32 $0x1, s1  }
0x8c: {  	s17 =	sshll.u32 s0, $0xA;
	s2 =	sadd.s32 s3, s2  }
0x8d: {  	s2 =	sadd.s32 s2, s17  }
0x8e: {  	[smem:$0x3FC0] =	sst s2  }
0x8f: {  	_ = 	snop  }
0x90: {  	s2 =	sld [smem:$0x3FD0];
	(tm) =	ssettm $0x1  }
0x91: {  	s18 =	sld [smem:$0x3FFB];
	_ =	sdelay $0x3  }
0x92: {  	_ =	strace s18  }
0x93: {  	s3 =	sld [smem:$0x3FFC];
	_ =	sdelay $0x3  }
0x94: {  	_ =	strace s3  }
0x95: {  	s3 =	sld [smem:$0x3FFD];
	_ =	sdelay $0x3  }
0x96: {  	_ =	strace s3  }
0x97: {  	_ =	strace $0x8FFFFFFF  }
0x98: {  	s19 =	sld [smem:$0x3FDB];
	_ =	sdelay $0x1  }
0x99: {  	s4 =	simm.s32 $_scs_section_size  }
0x9a: {  	s5 =	simm.s32 $_size__tile_overlayer_lowered;
	s6 =	simm.s32 $_tile_overlayer_lowered  }
0x9b: {  	s22 =	simm.s32 $0x1BFF;
	s21 =	sshll.u32 s6, $0x1;
	s3 =	sadd.s32 s4, s19  }
0x9c: {  	s7 =	simm.s32 $0x0;
	s20 =	sshll.u32 s5, $0x1;
	s5 =	sadd.s32 s21, s3  }
0x9d: {  	[timem:s7], [sflag:s22] =	dma.local [hbm:s5], s20  }
0x9e: {  	_ =	swait.ge [sflag:s22], s20  }
0x9f: {  	s4 =	ssub.s32 $0x0, s20;
	[sflag:s22] =	ssyncset.done $0x0  }
0xa0: {  	[sflag:s22] =	ssyncadd.s32 s4;
	_ =	sdelay $0x1  }
0xa1: {  	s23 =	simm.s32 $0x1B8B  }
0xa2: {  	_ =	swait.ge [sflag:s23], $0x1  }
0xa3: {  	[sflag:s23] =	ssyncset.done $0x0  }
0xa4: {  	s25 =	simm.s32 $0x1B8E;
	s24 =	sld [smem:$0x3FFE];
	[sflag:s23] =	ssyncadd.s32 $0xFFFFFFFF  }
0xa5: {  	s26 =	simm.s32 $execute0_lowered;
	[smem:$0x3FD2] =	sst s25  }
0xa6: {  	s5 =	sshll.u32 s26, $0x1;
	_ =	strace $0x80000046;
	[dreg:$0x1] =	wrdreg $0xFFFFFFFF  }
0xa7: {  	s28 =	simm.s32 $_size_execute0_lowered;
	s3 =	sadd.s32 s3, s5;
	[dreg:$0x0] =	wrdreg $0x0  }
0xa8: {  	s5 =	sshll.u32 s28, $0x1;
	[dreg:$0x2] =	wrdreg s3  }
0xa9: {  	[dreg:$0x3] =	wrdreg s5  }
0xaa: {  	[dreg:$0x4] =	wrdreg $0xC0  }
0xab: {  	_ =	task [dreg:s7], $0x5FFFF  }
0xac: {  	[dreg:$0x1] =	wrdreg $0xFFFFFFFF  }
0xad: {  	[dreg:$0x0] =	wrdreg $0x60  }
0xae: {  	[dreg:$0x2] =	wrdreg s2  }
0xaf: {  	[dreg:$0x3] =	wrdreg s24  }
0xb0: {  	[dreg:$0x4] =	wrdreg $0x94F80  }
0xb1: {  	[dreg:$0x5] =	wrdreg $0x131380  }
0xb2: {  	[dreg:$0x6] =	wrdreg $0x1CF380  }
0xb3: {  	[dreg:$0x7] =	wrdreg $0x9  }
0xb4: {  	_ =	task.clear_ibuf [dreg:s7], $0x8FFFF;
	_ =	strace $0x90000046  }
0xb5: {  	s29 =	simm.s32 $0x9;
	_ =	strace $0x80000048  }
0xb6: {  	_ =	swait.ge [sflag:s29], $0x1  }
0xb7: {  	[sflag:s29] =	ssyncadd.s32 $0xFFFFFFFF  }
0xb8: {  	_ =	strace $0x90000048  }
0xb9: {  	_ =	sfence  }
0xba: {  	s30 =	sld [smem:$0x0];
	_ =	sdelay $0x2  }
0xbb: {  	s31 =	sshll.u32 s1, $0xD;
	s1 =	sshrl.u32 s1, $0x2  }
0xbc: {  	s3 =	sand.u32 $0x4000, s31;
	s1 =	sadd.s32 s1, s30  }
0xbd: {  	s0 =	sor.u32 s3, s0;
	s1 =	sshll.u32 s1, $0x11  }
0xbe: {  	s0 =	sor.u32 s1, s0  }
0xbf: {  	s0 =	sadd.s32 $0x8F2B, s0  }
0xc0: {  	[sflag:s0] =	ssyncadd.remote.s32 $0x1  }
0xc1: {  	_ =	sfence.sel $0xFFFF  }
0xc2: {  	[dreg:$0x0] =	wrdreg $0xFFFFFFFF;
	(pc) =	sbr.abs _section_cstart, $3  }
0xc3: {  	[dreg:$0x1] =	wrdreg $0xFFFFFFFF  }
0xc4: {  	_ =	task.clear_ibuf [dreg:s7], $0x2FFFF;
	_ =	strace $0x9FFFFFFF  }
0xc5: {  	(tm) =	ssettm $0x7FFFFFFF  }
tec
execute0_lowered:
.L_overlay_start_1:
0x0: {  	(tag) =	ssettag $0x1  }
0x1: {  	s0 =	rddreg [dreg:$0x0]  }
0x2: {  	s1 =	rddreg [dreg:$0x1]  }
0x3: {  	s2 =	rddreg [dreg:$0x2]  }
0x4: {  	s3 =	rddreg [dreg:$0x3];
	s5 =	stileid.u32  }
0x5: {  	s4 =	rddreg [dreg:$0x4];
	s6 =	smul.u32 $0x5000, s5  }
0x6: {  	s8 =	simm.s32 $0x0;
	s7 =	srdreg.scid;
	s26 =	smul.u32 $0x9E00, s5  }
0x7: {  	s28 =	simm.s32 $0x80;
	s31 =	simm.s32 $0x6;
	s12 =	smul.u32 $0x278, s5  }
0x8: {  	s30 =	simm.s32 $0x5;
	[smem:$0x7FF] =	sst s8;
	s17 =	smul.u32 $0x9C40, s5  }
0x9: {  	s7 =	sand.u32 $0x1, s7;
	s13 =	sadd.s32 $0x2600, s1;
	s22 =	smul.u32 $0xA00, s5  }
0xa: {  	s16 =	sadd.s32 $0x2A800, s1;
	s24 =	sshll.u32 s5, $0x6;
	s9 =	smul.u32 $0x9E000, s7  }
0xb: {  	s5 =	simm.s32 $0x0;
	_ =	strace $0x80000047;
	s15 =	smul.u32 $0x2780, s7  }
0xc: {  	[dreg:$0x8] =	wrdreg s16;
	s29 =	ssub.s32 $0x2, s7;
	s19 =	smul.u32 $0x13880, s7  }
0xd: {  	p0 =	sne.s32 s7, $0x0;
	p1 =	seq.s32 s7, $0x0;
	s6 =	sshrl.u32 s6, $0x3  }
0xe: {  	s11 =	sshrl.u32 s26, $0x3;
	s14 =	sshrl.u32 s12, $0x3;
	s18 =	sshrl.u32 s29, $0x1  }
0xf: {  	s8 =	sadd.s32 s26, s3;
	s10 =	sadd.s32 s6, s1;
	s11 =	sadd.s32 s11, s1  }
0x10: {  	s9 =	sadd.s32 s26, s9;
	s14 =	sadd.s32 s14, s1;
	s15 =	sadd.s32 s12, s15  }
0x11: {  	s16 =	ssub.s32 s29, s18;
	s18 =	sadd.s32 s17, s2;
	s21 =	sadd.s32 s13, s6  }
0x12: {  	s0 =	sadd.s32 s0, s19;
	s26 =	simm.s32 $0x5100;
	[dreg:$0xd] =	wrdreg s21  }
0x13: {  	s17 =	sshrl.u32 s17, $0x3;
	s29 =	simm.s32 $0x5180;
	[dreg:$0x6] =	wrdreg s26  }
0x14: {  	s6 =	simm.s32 $0x8;
	s8 =	sshrl.u32 s8, $0x3;
	[dreg:$0x7] =	wrdreg s29  }
0x15: {  	s9 =	sshrl.u32 s9, $0x3;
	s10 =	sadd.s32 $0xC600, s10;
	[dreg:$0x15] =	wrdreg s8  }
0x16: {  	s15 =	sshrl.u32 s15, $0x3;
	s11 =	sadd.s32 $0x16600, s11;
	[dreg:$0x9] =	wrdreg s10  }
0x17: {  	s20 =	sadd.s32 $0x2A200, s14;
	s23 =	smax.u32 s16, $0x1;
	[dreg:$0xa] =	wrdreg s11  }
0x18: {  	s16 =	sadd.s32 s22, s13;
	s0 =	sadd.s32 s17, s0;
	[dreg:$0xb] =	wrdreg s20  }
0x19: {  	s25 =	sshrl.u32 s18, $0x3;
	s17 =	simm.s32 $0x5;
	[dreg:$0x11] =	wrdreg s23  }
0x1a: {  	s14 =	simm.s32 $0x5200;
	s9 =	sadd.s32 s9, s1;
	[dreg:$0x12] =	wrdreg s0  }
0x1b: {  	s11 =	sadd.s32 s12, s4;
	s12 =	sadd.s32 $0x10, s21;
	[dreg:$0x14] =	wrdreg s25  }
0x1c: {  	s1 =	sadd.s32 s15, s1;
	s10 =	simm.s32 $0x9280;
	[dreg:$0xe] =	wrdreg s12  }
0x1d: {  	s25 =	simm.s32 $0x1;
	s9 =	sadd.s32 $0x2B400, s9;
	[dreg:$0xc] =	wrdreg s11  }
0x1e: {  	s15 =	simm.s32 $0x7200;
	s1 =	sadd.s32 $0x2AA00, s1;
	[dreg:$0xf] =	wrdreg s9  }
0x1f: {  	s23 =	simm.s32 $0x4;
	[dreg:$0x10] =	wrdreg s1;
	s9 =	sor.u32 $0x1C08, s24  }
0x20: {  	s12 =	simm.s32 $0x5000;
	s1 =	simm.s32 $0x3;
	[dreg:$0x13] =	wrdreg s9  }
.LBB2_1:
0x21: {  	[dreg:$0x16] =	wrdreg s5  }
0x22: {  	s0 =	simm.s32 $0x0;
	s20 =	rddreg [dreg:$0x9]  }
0x23: {  	[tilespmem:s0], [sflag:$0x8] =	stream.linear.gather [hbm4b:s20+s0], $0x5000, $0x38;
	[tilespmem:$0x1D1B0] =	vst v63  }
0x24: {  	_ =	swait.ge [sflag:s6], $0x5000  }
0x25: {  	[sflag:s6] =	ssyncset.done $0x0;
	s21 =	rddreg [dreg:$0x12]  }
0x26: {  	s7 =	rddreg [dreg:$0x14];
	[sflag:s6] =	ssyncadd.s32 $0xFFFFB000  }
0x27: {  	[spmem:s7], [sflag:s9] =	dma.local [hbm:s21], $0x1388  }
0x28: {  	_ =	swait.ge [sflag:s6], $0x1388  }
0x29: {  	[sflag:s6] =	ssyncset.done $0x0  }
0x2a: {  	s22 =	rddreg [dreg:$0xa];
	[sflag:s6] =	ssyncadd.s32 $0xFFFFEC78  }
0x2b: {  	[spmem:s8], [sflag:s9] =	dma.local [hbm:s22], $0x13C0  }
0x2c: {  	_ =	swait.ge [sflag:s6], $0x13C0  }
0x2d: {  	[sflag:s6] =	ssyncset.done $0x0  }
0x2e: {  	s24 =	rddreg [dreg:$0xb];
	[sflag:s6] =	ssyncadd.s32 $0xFFFFEC40  }
0x2f: {  	[tilespmem:s10], [sflag:$0x8] =	stream.linear.gather [hbm4b:s24+s0], $0x278, $0x38;
	[tilespmem:$0x1D1B0] =	vst v63  }
0x30: {  	_ =	swait.ge [sflag:s6], $0x278  }
0x31: {  	[sflag:s6] =	ssyncset.done $0x0  }
0x32: {  	[sflag:s6] =	ssyncadd.s32 $0xFFFFFD88  }
0x33: {  	[spmem:s11] =	stream.linear.scatter [tilespmem:s10], [sflag:$0x8], $0x278, $0x38;
	[tilespmem:$0x1D1B0] =	vst v63  }
0x34: {  	_ =	swait.ge [sflag:s6], $0x278  }
0x35: {  	[sflag:s6] =	ssyncset.done $0x0  }
0x36: {  	s29 =	simm.s32 $0x9200;
	s26 =	rddreg [dreg:$0x8];
	[sflag:s6] =	ssyncadd.s32 $0xFFFFFD88  }
0x37: {  	[tilespmem:s29], [sflag:$0x8] =	stream.linear.gather [hbm4b:s26+s0], $0x80, $0x38;
	[tilespmem:$0x1D1B0] =	vst v63  }
0x38: {  	_ =	swait.ge [sflag:s6], $0x80  }
0x39: {  	[sflag:s6] =	ssyncset.done $0x0  }
0x3a: {  	[sflag:s6] =	ssyncadd.s32 $0xFFFFFF80  }
0x3b: {  	[bflag:$0x0] =	sbarrier.arrive $0xFFFF  }
0x3c: {  	s8 =	rddreg [dreg:$0xd]  }
0x3d: {  	[tilespmem:s12], [sflag:$0x5] =	stream.linear.gather [hbm4b:s8+s0], $0x80, $0x38;
	[tilespmem:$0x1D1B0] =	vst v63  }
0x3e: {  	_ =	swait.ge [sflag:s17], $0x80  }
0x3f: {  	[sflag:s17] =	ssyncset.done $0x0  }
0x40: {  	s10 =	simm.s32 $0x5080;
	s9 =	rddreg [dreg:$0xe];
	[sflag:s17] =	ssyncadd.s32 $0xFFFFFF80  }
0x41: {  	[tilespmem:s10], [sflag:$0x6] =	stream.linear.gather [hbm4b:s9+s0], $0x80, $0x38;
	[tilespmem:$0x1D1B0] =	vst v63  }
0x42: {  	_ = 	snop  }
0x43: {  	[tilespmem:s14], [sflag:$0x1] =	stream.indirect.gather [spmem:s2], $0x40, s0, s28, $0xb8;
	[tilespmem:$0x1D1B0] =	vst v63  }
0x44: {  	_ =	swait.ge [sflag:s25], $0x2000  }
0x45: {  	[sflag:s25] =	ssyncset.done $0x0  }
0x46: {  	[sflag:s25] =	ssyncadd.s32 $0xFFFFE000  }
0x47: {  	[spmem:s3] =	stream.indirect.scatter.add.f32 [tilespmem:s14], [sflag:$0x3], $0x40, s12, s28, $0xb8;
	[tilespmem:$0x1D1B0] =	vst v63  }
0x48: {  	s5 =	simm.s32 @!p0 $0x5000;
	s7 =	simm.s32 @!p0 $0x9200;
	s6 =	simm.s32 @!p0 $0x80  }
0x49: {  	[spmem:s4] =	stream.indirect.scatter.add.f32 @!p0 [tilespmem:s7], [sflag:$0x7], $0x1, s5, s6, $0xb8;
	[tilespmem:$0x1D1B0] =	vst v63  }
0x4a: {  	_ =	swait.ge [sflag:s31], $0x80  }
0x4b: {  	p2 =	por $0x1, $0x1;
	[sflag:s31] =	ssyncset.done $0x0  }
0x4c: {  	s7 =	simm.s32 @!p2 $0x4;
	[sflag:s31] =	ssyncadd.s32 $0xFFFFFF80  }
0x4d: {  	_ =	swait.ge @!p2 [sflag:s7], $0x2000  }
0x4e: {  	[sflag:s7] =	ssyncset.done @!p2 $0x0  }
0x4f: {  	s19 =	simm.s32 $0x80;
	s11 =	sadd.s32 $0x0, s16;
	[sflag:s7] =	ssyncadd.s32 @!p2 $0xFFFFE000  }
0x50: {  	[tilespmem:s15], [sflag:$0x2] =	stream.indirect.gather [spmem:s2], $0x40, s19, s28, $0xb8;
	[tilespmem:$0x1D1B0] =	vst v63  }
0x51: {  	s21 =	sadd.s32 $0x20, s11;
	s9 =	simm.s32 @p0 $0x2;
	s20 =	rddreg [dreg:$0x6]  }
0x52: {  	[tilespmem:s20], [sflag:$0x5] =	stream.linear.gather [hbm4b:s21+s0], $0x80, $0x38;
	[tilespmem:$0x1D1B0] =	vst v63  }
0x53: {  	_ =	swait.ge @p0 [sflag:s9], $0x2000  }
0x54: {  	s13 =	simm.s32 @p0 $0x80;
	[sflag:s9] =	ssyncset.done @p0 $0x0  }
0x55: {  	s5 =	simm.s32 @p0 $0x7200;
	s7 =	simm.s32 @p0 $0x5080;
	[sflag:s9] =	ssyncadd.s32 @p0 $0xFFFFE000  }
0x56: {  	[spmem:s3] =	stream.indirect.scatter.add.f32 @p0 [tilespmem:s5], [sflag:$0x4], $0x40, s7, s13, $0xb8;
	[tilespmem:$0x1D1B0] =	vst v63  }
0x57: {  	s18 =	simm.s32 @!p0 $0x7;
	s10 =	simm.s32 @p0 $0x9200  }
0x58: {  	[spmem:s4] =	stream.indirect.scatter.add.f32 @p0 [tilespmem:s10], [sflag:$0x7], $0x1, s7, s13, $0xb8;
	[tilespmem:$0x1D1B0] =	vst v63  }
0x59: {  	_ =	swait.ge @!p0 [sflag:s18], $0x80  }
0x5a: {  	[sflag:s18] =	ssyncset.done @!p0 $0x0  }
0x5b: {  	s20 =	simm.s32 @!p0 $0x2;
	[sflag:s18] =	ssyncadd.s32 @!p0 $0xFFFFFF80  }
0x5c: {  	_ =	swait.ge @!p0 [sflag:s20], $0x2000  }
0x5d: {  	[sflag:s20] =	ssyncset.done @!p0 $0x0  }
0x5e: {  	s19 =	simm.s32 @!p0 $0x7200;
	s7 =	simm.s32 @!p0 $0x5080;
	[sflag:s20] =	ssyncadd.s32 @!p0 $0xFFFFE000  }
0x5f: {  	[spmem:s3] =	stream.indirect.scatter.add.f32 @!p0 [tilespmem:s19], [sflag:$0x4], $0x40, s7, s6, $0xb8;
	[tilespmem:$0x1D1B0] =	vst v63  }
0x60: {  	_ =	swait.ge [sflag:s17], $0x80  }
0x61: {  	[sflag:s17] =	ssyncset.done $0x0  }
0x62: {  	[sflag:s17] =	ssyncadd.s32 $0xFFFFFF80  }
0x63: {  	_ =	swait.ge [sflag:s1], $0x2000  }
0x64: {  	[sflag:s1] =	ssyncset.done $0x0  }
0x65: {  	s22 =	simm.s32 $0x100;
	[sflag:s1] =	ssyncadd.s32 $0xFFFFE000  }
0x66: {  	[tilespmem:s14], [sflag:$0x1] =	stream.indirect.gather [spmem:s2], $0x40, s22, s28, $0xb8;
	[tilespmem:$0x1D1B0] =	vst v63  }
0x67: {  	s26 =	sadd.s32 $0x30, s11;
	s24 =	rddreg [dreg:$0x7];
	s22 =	simm.s32 @p1 $0x1  }
0x68: {  	[tilespmem:s24], [sflag:$0x6] =	stream.linear.gather [hbm4b:s26+s0], $0x80, $0x38;
	[tilespmem:$0x1D1B0] =	vst v63  }
0x69: {  	_ =	swait.ge @p1 [sflag:s22], $0x2000  }
0x6a: {  	s8 =	simm.s32 @p1 $0x5100;
	[sflag:s22] =	ssyncset.done @p1 $0x0  }
0x6b: {  	s7 =	simm.s32 @p1 $0x80;
	s0 =	simm.s32 @p1 $0x5200;
	[sflag:s22] =	ssyncadd.s32 @p1 $0xFFFFE000  }
0x6c: {  	[spmem:s3] =	stream.indirect.scatter.add.f32 @p1 [tilespmem:s0], [sflag:$0x3], $0x40, s8, s7, $0xb8;
	[tilespmem:$0x1D1B0] =	vst v63  }
0x6d: {  	s17 =	simm.s32 @!p1 $0x7;
	s0 =	simm.s32 @p1 $0x9200  }
0x6e: {  	[spmem:s4] =	stream.indirect.scatter.add.f32 @p1 [tilespmem:s0], [sflag:$0x7], $0x1, s8, s7, $0xb8;
	[tilespmem:$0x1D1B0] =	vst v63  }
0x6f: {  	_ =	swait.ge @!p1 [sflag:s17], $0x80  }
0x70: {  	[sflag:s17] =	ssyncset.done @!p1 $0x0  }
0x71: {  	s7 =	simm.s32 @!p1 $0x1;
	[sflag:s17] =	ssyncadd.s32 @!p1 $0xFFFFFF80  }
0x72: {  	_ =	swait.ge @!p1 [sflag:s7], $0x2000  }
0x73: {  	s11 =	simm.s32 @!p1 $0x5100;
	[sflag:s7] =	ssyncset.done @!p1 $0x0  }
0x74: {  	s0 =	simm.s32 @!p1 $0x5200;
	s8 =	simm.s32 @!p1 $0x80;
	[sflag:s7] =	ssyncadd.s32 @!p1 $0xFFFFE000  }
0x75: {  	[spmem:s3] =	stream.indirect.scatter.add.f32 @!p1 [tilespmem:s0], [sflag:$0x3], $0x40, s11, s8, $0xb8;
	[tilespmem:$0x1D1B0] =	vst v63  }
0x76: {  	_ =	swait.ge [sflag:s31], $0x80  }
0x77: {  	[sflag:s31] =	ssyncset.done $0x0  }
0x78: {  	[sflag:s31] =	ssyncadd.s32 $0xFFFFFF80  }
0x79: {  	_ =	swait.ge [sflag:s23], $0x2000  }
0x7a: {  	p2 =	por $0x0, $0x0;
	[sflag:s23] =	ssyncset.done $0x0  }
0x7b: {  	s29 =	simm.s32 $0x180;
	s8 =	sadd.s32 @!p2 $0x0, s16;
	[sflag:s23] =	ssyncadd.s32 $0xFFFFE000  }
0x7c: {  	[tilespmem:s15], [sflag:$0x2] =	stream.indirect.gather [spmem:s2], $0x40, s29, s28, $0xb8;
	[tilespmem:$0x1D1B0] =	vst v63  }
0x7d: {  	s14 =	simm.s32 @!p2 $0x0;
	s11 =	simm.s32 @!p2 $0x5000;
	s24 =	sadd.s32 @!p2 $0x40, s8  }
0x7e: {  	[tilespmem:s11], [sflag:$0x5] =	stream.linear.gather @!p2 [hbm4b:s24+s14], $0x80, $0x38;
	[tilespmem:$0x1D1B0] =	vst v63  }
0x7f: {  	_ =	swait.ge @p0 [sflag:s9], $0x2000  }
0x80: {  	[sflag:s9] =	ssyncset.done @p0 $0x0  }
0x81: {  	s24 =	simm.s32 @p0 $0x5180;
	[sflag:s9] =	ssyncadd.s32 @p0 $0xFFFFE000  }
0x82: {  	[spmem:s3] =	stream.indirect.scatter.add.f32 @p0 [tilespmem:s5], [sflag:$0x4], $0x40, s24, s13, $0xb8;
	[tilespmem:$0x1D1B0] =	vst v63  }
0x83: {  	_ = 	snop  }
0x84: {  	[spmem:s4] =	stream.indirect.scatter.add.f32 @p0 [tilespmem:s10], [sflag:$0x7], $0x1, s24, s13, $0xb8;
	[tilespmem:$0x1D1B0] =	vst v63  }
0x85: {  	_ =	swait.ge @!p0 [sflag:s18], $0x80  }
0x86: {  	[sflag:s18] =	ssyncset.done @!p0 $0x0  }
0x87: {  	[sflag:s18] =	ssyncadd.s32 @!p0 $0xFFFFFF80  }
0x88: {  	_ =	swait.ge @!p0 [sflag:s20], $0x2000  }
0x89: {  	[sflag:s20] =	ssyncset.done @!p0 $0x0  }
0x8a: {  	s0 =	simm.s32 @!p0 $0x5180;
	s11 =	simm.s32 @!p2 $0x5;
	[sflag:s20] =	ssyncadd.s32 @!p0 $0xFFFFE000  }
0x8b: {  	[spmem:s3] =	stream.indirect.scatter.add.f32 @!p0 [tilespmem:s19], [sflag:$0x4], $0x40, s0, s6, $0xb8;
	[tilespmem:$0x1D1B0] =	vst v63  }
0x8c: {  	_ =	swait.ge @!p2 [sflag:s11], $0x80  }
0x8d: {  	[sflag:s11] =	ssyncset.done @!p2 $0x0  }
0x8e: {  	[sflag:s11] =	ssyncadd.s32 @!p2 $0xFFFFFF80;
	s11 =	simm.s32 @!p2 $0x3  }
0x8f: {  	_ =	swait.ge @!p2 [sflag:s11], $0x2000  }
0x90: {  	s21 =	simm.s32 @!p2 $0x5200;
	[sflag:s11] =	ssyncset.done @!p2 $0x0  }
0x91: {  	s0 =	simm.s32 @!p2 $0x80;
	[sflag:s11] =	ssyncadd.s32 @!p2 $0xFFFFE000;
	s11 =	simm.s32 $0x200  }
0x92: {  	[tilespmem:s21], [sflag:$0x1] =	stream.indirect.gather @!p2 [spmem:s2], $0x40, s11, s0, $0xb8;
	[tilespmem:$0x1D1B0] =	vst v63  }
0x93: {  	s8 =	sadd.s32 @!p2 $0x50, s8;
	s15 =	simm.s32 $0x5200;
	s21 =	simm.s32 @!p2 $0x5080  }
0x94: {  	[tilespmem:s21], [sflag:$0x6] =	stream.linear.gather @!p2 [hbm4b:s8+s14], $0x80, $0x38;
	[tilespmem:$0x1D1B0] =	vst v63  }
0x95: {  	s10 =	simm.s32 $0x7200;
	s21 =	simm.s32 $0x40;
	_ =	swait.ge @!p1 [sflag:s17], $0x80  }
.LBB2_2:
0x96: {  	[sflag:s17] =	ssyncset.done @!p1 $0x0  }
0x97: {  	[sflag:s17] =	ssyncadd.s32 @!p1 $0xFFFFFF80  }
0x98: {  	_ =	swait.ge [sflag:s25], $0x2000  }
0x99: {  	[sflag:s25] =	ssyncset.done $0x0  }
0x9a: {  	[sflag:s25] =	ssyncadd.s32 $0xFFFFE000  }
0x9b: {  	[spmem:s3] =	stream.indirect.scatter.add.f32 [tilespmem:s15], [sflag:$0x3], $0x40, s12, s28, $0xb8;
	[tilespmem:$0x1D1B0] =	vst v63  }
0x9c: {  	s0 =	simm.s32 @!p0 $0x5000;
	s5 =	simm.s32 @!p0 $0x9200  }
0x9d: {  	[spmem:s4] =	stream.indirect.scatter.add.f32 @!p0 [tilespmem:s5], [sflag:$0x7], $0x1, s0, s6, $0xb8;
	[tilespmem:$0x1D1B0] =	vst v63  }
0x9e: {  	s8 =	smov.u32 s21;
	_ =	swait.ge [sflag:s31], $0x80  }
0x9f: {  	p3 =	seq.s32 s8, $0x0;
	[sflag:s31] =	ssyncset.done $0x0  }
0xa0: {  	s5 =	simm.s32 @!p3 $0x4;
	[sflag:s31] =	ssyncadd.s32 $0xFFFFFF80  }
0xa1: {  	_ =	swait.ge @!p3 [sflag:s5], $0x2000  }
0xa2: {  	s11 =	sadd.s32 $0x200, s11;
	[sflag:s5] =	ssyncset.done @!p3 $0x0  }
0xa3: {  	s29 =	sadd.s32 s8, s16;
	s19 =	sadd.s32 $0xFFFFFE80, s11;
	[sflag:s5] =	ssyncadd.s32 @!p3 $0xFFFFE000  }
0xa4: {  	[tilespmem:s10], [sflag:$0x2] =	stream.indirect.gather [spmem:s2], $0x40, s19, s28, $0xb8;
	[tilespmem:$0x1D1B0] =	vst v63  }
0xa5: {  	s26 =	sadd.s32 $0x20, s29;
	s12 =	simm.s32 $0x0;
	s25 =	rddreg [dreg:$0x6]  }
0xa6: {  	[tilespmem:s25], [sflag:$0x5] =	stream.linear.gather [hbm4b:s26+s12], $0x80, $0x38;
	[tilespmem:$0x1D1B0] =	vst v63  }
0xa7: {  	_ =	swait.ge @p0 [sflag:s9], $0x2000  }
0xa8: {  	[sflag:s9] =	ssyncset.done @p0 $0x0  }
0xa9: {  	s0 =	simm.s32 @p0 $0x5080;
	s19 =	simm.s32 @p0 $0x7200;
	[sflag:s9] =	ssyncadd.s32 @p0 $0xFFFFE000  }
0xaa: {  	[spmem:s3] =	stream.indirect.scatter.add.f32 @p0 [tilespmem:s19], [sflag:$0x4], $0x40, s0, s13, $0xb8;
	[tilespmem:$0x1D1B0] =	vst v63  }
0xab: {  	s26 =	simm.s32 @p0 $0x9200  }
0xac: {  	[spmem:s4] =	stream.indirect.scatter.add.f32 @p0 [tilespmem:s26], [sflag:$0x7], $0x1, s0, s13, $0xb8;
	[tilespmem:$0x1D1B0] =	vst v63  }
0xad: {  	_ =	swait.ge @!p0 [sflag:s18], $0x80  }
0xae: {  	[sflag:s18] =	ssyncset.done @!p0 $0x0  }
0xaf: {  	[sflag:s18] =	ssyncadd.s32 @!p0 $0xFFFFFF80  }
0xb0: {  	_ =	swait.ge @!p0 [sflag:s20], $0x2000  }
0xb1: {  	[sflag:s20] =	ssyncset.done @!p0 $0x0  }
0xb2: {  	s25 =	simm.s32 @!p0 $0x7200;
	s0 =	simm.s32 @!p0 $0x5080;
	[sflag:s20] =	ssyncadd.s32 @!p0 $0xFFFFE000  }
0xb3: {  	[spmem:s3] =	stream.indirect.scatter.add.f32 @!p0 [tilespmem:s25], [sflag:$0x4], $0x40, s0, s6, $0xb8;
	[tilespmem:$0x1D1B0] =	vst v63  }
0xb4: {  	_ =	swait.ge [sflag:s30], $0x80  }
0xb5: {  	[sflag:s30] =	ssyncset.done $0x0  }
0xb6: {  	[sflag:s30] =	ssyncadd.s32 $0xFFFFFF80  }
0xb7: {  	_ =	swait.ge [sflag:s1], $0x2000  }
0xb8: {  	[sflag:s1] =	ssyncset.done $0x0  }
0xb9: {  	s14 =	sadd.s32 $0xFFFFFF00, s11;
	[sflag:s1] =	ssyncadd.s32 $0xFFFFE000  }
0xba: {  	[tilespmem:s15], [sflag:$0x1] =	stream.indirect.gather [spmem:s2], $0x40, s14, s28, $0xb8;
	[tilespmem:$0x1D1B0] =	vst v63  }
0xbb: {  	s29 =	sadd.s32 $0x30, s29;
	s5 =	rddreg [dreg:$0x7]  }
0xbc: {  	[tilespmem:s5], [sflag:$0x6] =	stream.linear.gather [hbm4b:s29+s12], $0x80, $0x38;
	[tilespmem:$0x1D1B0] =	vst v63  }
0xbd: {  	_ =	swait.ge @p1 [sflag:s22], $0x2000  }
0xbe: {  	s0 =	simm.s32 @p1 $0x5200;
	[sflag:s22] =	ssyncset.done @p1 $0x0  }
0xbf: {  	s5 =	simm.s32 @p1 $0x80;
	s12 =	simm.s32 @p1 $0x5100;
	[sflag:s22] =	ssyncadd.s32 @p1 $0xFFFFE000  }
0xc0: {  	[spmem:s3] =	stream.indirect.scatter.add.f32 @p1 [tilespmem:s0], [sflag:$0x3], $0x40, s12, s5, $0xb8;
	[tilespmem:$0x1D1B0] =	vst v63  }
0xc1: {  	s0 =	simm.s32 @p1 $0x9200  }
0xc2: {  	[spmem:s4] =	stream.indirect.scatter.add.f32 @p1 [tilespmem:s0], [sflag:$0x7], $0x1, s12, s5, $0xb8;
	[tilespmem:$0x1D1B0] =	vst v63  }
0xc3: {  	_ =	swait.ge @!p1 [sflag:s17], $0x80  }
0xc4: {  	[sflag:s17] =	ssyncset.done @!p1 $0x0  }
0xc5: {  	[sflag:s17] =	ssyncadd.s32 @!p1 $0xFFFFFF80  }
0xc6: {  	_ =	swait.ge @!p1 [sflag:s7], $0x2000  }
0xc7: {  	s0 =	simm.s32 @!p1 $0x5200;
	[sflag:s7] =	ssyncset.done @!p1 $0x0  }
0xc8: {  	s5 =	simm.s32 @!p1 $0x80;
	s12 =	simm.s32 @!p1 $0x5100;
	[sflag:s7] =	ssyncadd.s32 @!p1 $0xFFFFE000  }
0xc9: {  	[spmem:s3] =	stream.indirect.scatter.add.f32 @!p1 [tilespmem:s0], [sflag:$0x3], $0x40, s12, s5, $0xb8;
	[tilespmem:$0x1D1B0] =	vst v63  }
0xca: {  	_ =	swait.ge [sflag:s31], $0x80  }
0xcb: {  	[sflag:s31] =	ssyncset.done $0x0  }
0xcc: {  	[sflag:s31] =	ssyncadd.s32 $0xFFFFFF80  }
0xcd: {  	_ =	swait.ge [sflag:s23], $0x2000  }
0xce: {  	p3 =	seq.s32 s8, $0x9C0;
	[sflag:s23] =	ssyncset.done $0x0  }
0xcf: {  	s29 =	sadd.s32 $0xFFFFFF80, s11;
	s0 =	sadd.s32 @!p3 s8, s16;
	[sflag:s23] =	ssyncadd.s32 $0xFFFFE000  }
0xd0: {  	[tilespmem:s10], [sflag:$0x2] =	stream.indirect.gather [spmem:s2], $0x40, s29, s28, $0xb8;
	[tilespmem:$0x1D1B0] =	vst v63  }
0xd1: {  	s5 =	simm.s32 @!p3 $0x0;
	s8 =	simm.s32 @!p3 $0x5000;
	s29 =	sadd.s32 @!p3 $0x40, s0  }
0xd2: {  	[tilespmem:s8], [sflag:$0x5] =	stream.linear.gather @!p3 [hbm4b:s29+s5], $0x80, $0x38;
	[tilespmem:$0x1D1B0] =	vst v63  }
0xd3: {  	_ =	swait.ge @p0 [sflag:s9], $0x2000  }
0xd4: {  	[sflag:s9] =	ssyncset.done @p0 $0x0  }
0xd5: {  	[sflag:s9] =	ssyncadd.s32 @p0 $0xFFFFE000  }
0xd6: {  	[spmem:s3] =	stream.indirect.scatter.add.f32 @p0 [tilespmem:s19], [sflag:$0x4], $0x40, s24, s13, $0xb8;
	[tilespmem:$0x1D1B0] =	vst v63  }
0xd7: {  	_ = 	snop  }
0xd8: {  	[spmem:s4] =	stream.indirect.scatter.add.f32 @p0 [tilespmem:s26], [sflag:$0x7], $0x1, s24, s13, $0xb8;
	[tilespmem:$0x1D1B0] =	vst v63  }
0xd9: {  	_ =	swait.ge @!p0 [sflag:s18], $0x80  }
0xda: {  	[sflag:s18] =	ssyncset.done @!p0 $0x0  }
0xdb: {  	[sflag:s18] =	ssyncadd.s32 @!p0 $0xFFFFFF80  }
0xdc: {  	_ =	swait.ge @!p0 [sflag:s20], $0x2000  }
0xdd: {  	[sflag:s20] =	ssyncset.done @!p0 $0x0  }
0xde: {  	s12 =	simm.s32 @!p0 $0x5180;
	s8 =	simm.s32 @!p3 $0x5;
	[sflag:s20] =	ssyncadd.s32 @!p0 $0xFFFFE000  }
0xdf: {  	[spmem:s3] =	stream.indirect.scatter.add.f32 @!p0 [tilespmem:s25], [sflag:$0x4], $0x40, s12, s6, $0xb8;
	[tilespmem:$0x1D1B0] =	vst v63  }
0xe0: {  	_ =	swait.ge @!p3 [sflag:s8], $0x80  }
0xe1: {  	[sflag:s8] =	ssyncset.done @!p3 $0x0  }
0xe2: {  	s29 =	simm.s32 @!p3 $0x3;
	[sflag:s8] =	ssyncadd.s32 @!p3 $0xFFFFFF80  }
0xe3: {  	s21 =	sadd.s32 $0x40, s21;
	_ =	swait.ge @!p3 [sflag:s29], $0x2000  }
0xe4: {  	p2 =	sne.s32 s21, $0xA00;
	s12 =	simm.s32 @!p3 $0x5200;
	[sflag:s29] =	ssyncset.done @!p3 $0x0  }
.Ltmp0:
0xe5: {  	s8 =	simm.s32 @!p3 $0x80;
	[sflag:s29] =	ssyncadd.s32 @!p3 $0xFFFFE000;
	(pc) =	sbr.rel @p2 .LBB2_2-.Ltmp0, $4  }
0xe6: {  	[tilespmem:s12], [sflag:$0x1] =	stream.indirect.gather @!p3 [spmem:s2], $0x40, s11, s8, $0xb8;
	[tilespmem:$0x1D1B0] =	vst v63  }
0xe7: {  	s14 =	simm.s32 $0x0;
	s0 =	sadd.s32 @!p3 $0x50, s0;
	s29 =	simm.s32 @!p3 $0x5080  }
0xe8: {  	[tilespmem:s29], [sflag:$0x6] =	stream.linear.gather @!p3 [hbm4b:s0+s5], $0x80, $0x38;
	[tilespmem:$0x1D1B0] =	vst v63  }
0xe9: {  	s25 =	simm.s32 $0x1;
	s12 =	simm.s32 $0x5000;
	_ =	swait.ge @!p1 [sflag:s17], $0x80  }
0xea: {  	[sflag:s17] =	ssyncset.done @!p1 $0x0  }
0xeb: {  	[sflag:s17] =	ssyncadd.s32 @!p1 $0xFFFFFF80  }
0xec: {  	_ =	swait.ge [sflag:s1], $0x2000  }
0xed: {  	[sflag:s1] =	ssyncset.done $0x0  }
0xee: {  	[sflag:s1] =	ssyncadd.s32 $0xFFFFE000  }
0xef: {  	_ =	swait.ge [sflag:s23], $0x2000  }
0xf0: {  	[sflag:s23] =	ssyncset.done $0x0  }
0xf1: {  	[sflag:s23] =	ssyncadd.s32 $0xFFFFE000  }
0xf2: {  	[bflag:$0x0] =	sbarrier.arrive $0xFFFF  }
0xf3: {  	s0 =	rddreg [dreg:$0xf]  }
0xf4: {  	s9 =	rddreg [dreg:$0x13]  }
0xf5: {  	s6 =	simm.s32 $0x8;
	s8 =	rddreg [dreg:$0x15]  }
0xf6: {  	[hbm:s0], [sflag:s9] =	dma.local [spmem:s8], $0x13C0  }
0xf7: {  	_ =	swait.ge [sflag:s6], $0x13C0  }
0xf8: {  	[sflag:s6] =	ssyncset.done $0x0  }
0xf9: {  	s10 =	simm.s32 $0x9280;
	s11 =	rddreg [dreg:$0xc];
	[sflag:s6] =	ssyncadd.s32 $0xFFFFEC40  }
0xfa: {  	[tilespmem:s10], [sflag:$0x8] =	stream.linear.gather [spmem:s11], $0x278, $0x38;
	[tilespmem:$0x1D1B0] =	vst v63  }
0xfb: {  	_ =	swait.ge [sflag:s6], $0x278  }
0xfc: {  	[sflag:s6] =	ssyncset.done $0x0  }
0xfd: {  	s26 =	rddreg [dreg:$0x10];
	[sflag:s6] =	ssyncadd.s32 $0xFFFFFD88  }
0xfe: {  	[hbm4b:s26+s14] =	stream.linear.scatter [tilespmem:s10], [sflag:$0x8], $0x278, $0x38;
	[tilespmem:$0x1D1B0] =	vst v63  }
0xff: {  	_ =	swait.ge [sflag:s6], $0x278  }
0x100: {  	s5 =	rddreg [dreg:$0x16]  }
0x101: {  	s29 =	rddreg [dreg:$0x11];
	s5 =	sadd.s32 $0x1, s5  }
0x102: {  	p2 =	sne.s32 s5, s29  }
.Ltmp1:
0x103: {  	_ = 	snop;
	(pc) =	sbr.rel @p2 .LBB2_1-.Ltmp1, $3  }
0x104: {  	_ =	sdelay $0x1  }
0x105: {  	s15 =	simm.s32 $0x7200;
	[sflag:s6] =	ssyncset.done $0x0  }
0x106: {  	s17 =	simm.s32 $0x5;
	s14 =	simm.s32 $0x5200;
	[sflag:s6] =	ssyncadd.s32 $0xFFFFFD88  }
0x107: {  	_ =	sfence.sel $0x180000  }
0x108: {  	[bflag:$0x0] =	sbarrier.arrive $0xFFFF  }
0x109: {  	_ =	strace $0x90000047  }
0x10a: {  	s0 =	stileid.u32;
	[bflag:$0x2] =	sbarrier.arrive $0xFFFF  }
0x10b: {  	p0 =	sne.s32 s0, $0x0;
	s0 =	rddreg [dreg:$0x5]  }
0x10c: {  	s0 =	sadd.s32 @!p0 $0x100000, s0  }
0x10d: {  	[sflag:s0] =	ssyncadd.tile.s32 @!p0 $0x1;
	_ =	shalt  }
.Lfunc_end2:
_tile_overlayer_lowered:
.L_overlay_start_2:
0x10e: {  	(tag) =	ssettag $0x2  }
0x10f: {  	s0 =	rddreg [dreg:$0x0];
	s2 =	stileid.u32  }
0x110: {  	s1 =	rddreg [dreg:$0x1];
	p0 =	sne.s32 s2, $0x0  }
0x111: {  	s3 =	rddreg [dreg:$0x2];
	[bflag:$0x3] =	sbarrier.arrive $0xFFFF;
	s2 =	simm.s32 @!p0 $0x1C08  }
0x112: {  	[timem:s3], [sflag:s2] =	dma.local @!p0 [hbm:s0], s1  }
0x113: {  	s0 =	simm.s32 @!p0 $0x8  }
0x114: {  	_ =	swait.ge @!p0 [sflag:s0], s1  }
0x115: {  	s1 =	ssub.s32 @!p0 $0x0, s1;
	[sflag:s0] =	ssyncset.done @!p0 $0x0  }
0x116: {  	[sflag:s0] =	ssyncadd.s32 @!p0 s1  }
0x117: {  	[bflag:$0x3] =	sbarrier.arrive $0xFFFF  }
0x118: {  	_ =	shalt  }

// kernel: kernel.9.cloned.1.call-start
scs
__scs_entry_jumppad:
0x0: {  	(pc) =	sbr.rel $0x88, $3  }
0x1: {  	(tag) =	ssettag $0x0;
	lr =	simm.s32 $0x1  }
0x2: {  	[smem:$0x3F99] =	sst lr;
	_ =	strace $0xD0000000  }
0x3: {  	_ = 	snop  }
0x4: {  	_ = 	snop  }
0x5: {  	_ = 	snop  }
0x6: {  	_ = 	snop  }
0x7: {  	_ = 	snop  }
__scs_overlays_trampoline_lowered:
0x8: {  	[smem:$0x3FA8] =	sst s0  }
0x9: {  	[smem:$0x3FA9] =	sst s1  }
0xa: {  	[smem:$0x3FAA] =	sst s2  }
0xb: {  	[smem:$0x3FAB] =	sst s3  }
0xc: {  	[smem:$0x3FAC] =	sst s4  }
0xd: {  	[smem:$0x3FAD] =	sst s5  }
0xe: {  	[smem:$0x3FAE] =	sst s6  }
0xf: {  	[smem:$0x3FAF] =	sst s7  }
0x10: {  	[smem:$0x3FB0] =	sst s8  }
0x11: {  	[smem:$0x3FB1] =	sst s9;
	s0 =	simm.s32 @!p0 $0x0  }
0x12: {  	s1 =	sld [smem:$0x3F97];
	s0 =	simm.s32 @p0 $0x1  }
0x13: {  	[smem:$0x3FB2] =	sst s0;
	s0 =	simm.s32 @!p1 $0x0  }
0x14: {  	s2 =	sld [smem:$0x3F96];
	s0 =	simm.s32 @p1 $0x1  }
0x15: {  	[smem:$0x3FB3] =	sst s0;
	s0 =	simm.s32 @!p2 $0x0  }
0x16: {  	s3 =	sld [smem:$0x3FDB];
	s0 =	simm.s32 @p2 $0x1  }
0x17: {  	s4 =	simm.s32 $0x1BF5;
	[smem:$0x3FB5] =	sst s0  }
0x18: {  	s0 =	sld [smem:$0x3F98];
	_ =	swait.ge [sflag:s4], $0x0  }
0x19: {  	s7 =	sld [smem:$0x3F99]  }
0x1a: {  	s8 =	sadd.s32 $0xFFFFE003, lr  }
0x1b: {  	s9 =	sadd.s32 $0xFFFFFEF7, lr;
	s5 =	simm.s32 $0xFFFFFFFF;
	p2 =	slt.u32 s8, $0xFFFFF086  }
0x1c: {  	p1 =	slt.u32 s9, $0xF7A;
	s5 =	simm.s32 @!p2 $0x0  }
0x1d: {  	s5 =	simm.s32 @p1 $0x1;
	p0 =	seq.s32 s7, s2  }
0x1e: {  	s7 =	smul.u32 @!p0 $0xF7A, s2;
	p2 =	seq.s32 @!p0 s5, $0x0  }
0x1f: {  	s9 =	smul.u32 $0xF7A, s1;
	s8 =	simm.s32 @!p0 $0x1BF5;
	p2 =	por !p2, p0  }
0x20: {  	[sflag:s8] =	ssyncset.s32 @!p0 $0xFFFFF086;
	s6 =	sadd.s32 @!p0 s3, s7;
	s7 =	simm.s32 @!p0 $0x108  }
0x21: {  	s3 =	sadd.s32 s3, s9;
	s6 =	sadd.s32 @!p0 $0x88, s6;
	s7 =	simm.s32 @p2 $0x1082  }
0x22: {  	[simem:s7], [sflag:s8] =	dma.local @!p0 [hbm:s6], $0xF7A  }
0x23: {  	s9 =	sor.u32 $0xD0000000, s2;
	s6 =	simm.s32 $0x108;
	_ =	swait.ge @!p0 [sflag:s8], $0x0  }
0x24: {  	s3 =	sadd.s32 $0x88, s3;
	s6 =	simm.s32 @!p1 $0x1082;
	[sflag:s4] =	ssyncset.s32 $0xFFFFF086  }
0x25: {  	[simem:s6], [sflag:s4] =	dma.local [hbm:s3], $0xF7A  }
0x26: {  	[smem:$0x3F99] =	sst s1;
	(tag) =	ssettag s2;
	_ =	strace s9  }
0x27: {  	s1 =	sld [smem:$0x3FA9]  }
0x28: {  	s2 =	sld [smem:$0x3FAA]  }
0x29: {  	s4 =	sld [smem:$0x3FAC]  }
0x2a: {  	p0 =	seq.s32 s5, $0x0;
	s5 =	sld [smem:$0x3FAD]  }
0x2b: {  	s6 =	sld [smem:$0x3FAE]  }
0x2c: {  	s7 =	sld [smem:$0x3FAF]  }
0x2d: {  	s3 =	simm.s32 $0x108;
	s8 =	sld [smem:$0x3FB0]  }
0x2e: {  	s3 =	simm.s32 @!p0 $0x1082;
	s9 =	sld [smem:$0x3FB1]  }
0x2f: {  	lr =	sadd.s32 s0, s3;
	s0 =	sld [smem:$0x3FA8]  }
0x30: {  	s3 =	sld [smem:$0x3FAB]  }
0x31: {  	[smem:$0x3FB4] =	sst s10  }
0x32: {  	s10 =	sld [smem:$0x3FB2];
	_ =	sdelay $0x3  }
0x33: {  	p0 =	seq.s32 s10, $0x1;
	s10 =	sld [smem:$0x3FB4];
	_ =	sdelay $0x3  }
0x34: {  	[smem:$0x3FB4] =	sst s10  }
0x35: {  	s10 =	sld [smem:$0x3FB3];
	_ =	sdelay $0x3  }
0x36: {  	p1 =	seq.s32 s10, $0x1;
	s10 =	sld [smem:$0x3FB4];
	_ =	sdelay $0x3  }
0x37: {  	[smem:$0x3FB4] =	sst s10  }
0x38: {  	s10 =	sld [smem:$0x3FB5]  }
0x39: {  	_ = 	snop;
	(pc) =	sbr.ind lr, $3  }
0x3a: {  	_ = 	snop  }
0x3b: {  	_ = 	snop  }
0x3c: {  	p2 =	seq.s32 s10, $0x1;
	s10 =	sld [smem:$0x3FB4]  }
0x3d: {  	_ =	shalt  }
0x3e: {  	_ =	shalt  }
0x3f: {  	_ =	shalt  }
0x40: {  	_ =	shalt  }
0x41: {  	_ =	shalt  }
0x42: {  	_ =	shalt  }
0x43: {  	_ =	shalt  }
0x44: {  	_ =	shalt  }
0x45: {  	_ =	shalt  }
0x46: {  	_ =	shalt  }
0x47: {  	_ =	shalt  }
0x48: {  	_ =	shalt  }
0x49: {  	_ =	shalt  }
0x4a: {  	_ =	shalt  }
0x4b: {  	_ =	shalt  }
0x4c: {  	_ =	shalt  }
0x4d: {  	_ =	shalt  }
0x4e: {  	_ =	shalt  }
0x4f: {  	_ =	shalt  }
0x50: {  	_ =	shalt  }
0x51: {  	_ =	shalt  }
0x52: {  	_ =	shalt  }
0x53: {  	_ =	shalt  }
0x54: {  	_ =	shalt  }
0x55: {  	_ =	shalt  }
0x56: {  	_ =	shalt  }
0x57: {  	_ =	shalt  }
0x58: {  	_ =	shalt  }
0x59: {  	_ =	shalt  }
0x5a: {  	_ =	shalt  }
0x5b: {  	_ =	shalt  }
0x5c: {  	_ =	shalt  }
0x5d: {  	_ =	shalt  }
0x5e: {  	_ =	shalt  }
0x5f: {  	_ =	shalt  }
0x60: {  	_ =	shalt  }
0x61: {  	_ =	shalt  }
0x62: {  	_ =	shalt  }
0x63: {  	_ =	shalt  }
0x64: {  	_ =	shalt  }
0x65: {  	_ =	shalt  }
0x66: {  	_ =	shalt  }
0x67: {  	_ =	shalt  }
0x68: {  	_ =	shalt  }
0x69: {  	_ =	shalt  }
0x6a: {  	_ =	shalt  }
0x6b: {  	_ =	shalt  }
0x6c: {  	_ =	shalt  }
0x6d: {  	_ =	shalt  }
0x6e: {  	_ =	shalt  }
0x6f: {  	_ =	shalt  }
0x70: {  	_ =	shalt  }
0x71: {  	_ =	shalt  }
0x72: {  	_ =	shalt  }
0x73: {  	_ =	shalt  }
0x74: {  	_ =	shalt  }
0x75: {  	_ =	shalt  }
0x76: {  	_ =	shalt  }
0x77: {  	_ =	shalt  }
0x78: {  	_ =	shalt  }
0x79: {  	_ =	shalt  }
0x7a: {  	_ =	shalt  }
0x7b: {  	_ =	shalt  }
0x7c: {  	_ =	shalt  }
0x7d: {  	_ =	shalt  }
0x7e: {  	_ =	shalt  }
0x7f: {  	_ =	shalt  }
0x80: {  	_ =	shalt  }
0x81: {  	_ =	shalt  }
0x82: {  	_ =	shalt  }
0x83: {  	_ =	shalt  }
0x84: {  	_ =	shalt  }
0x85: {  	_ =	shalt  }
0x86: {  	_ =	shalt  }
0x87: {  	_ =	shalt  }
.Lfunc_end0:
.L_simem_size_0:
called_computation.1_lowered:
.L_overlay_start_0:
0x88: {  	s2 =	sld [smem:$0x3FD9]  }
0x89: {  	s3 =	sld [smem:$0x3FFE];
	_ =	sdelay $0x1  }
0x8a: {  	s1 =	srdreg.scid  }
0x8b: {  	s0 =	sand.u32 $0x1, s1  }
0x8c: {  	s17 =	sshll.u32 s0, $0xA;
	s2 =	sadd.s32 s3, s2  }
0x8d: {  	s2 =	sadd.s32 s2, s17  }
0x8e: {  	[smem:$0x3FC0] =	sst s2  }
0x8f: {  	_ = 	snop  }
0x90: {  	s2 =	sld [smem:$0x3FD0];
	(tm) =	ssettm $0x1  }
0x91: {  	s18 =	sld [smem:$0x3FFB];
	_ =	sdelay $0x3  }
0x92: {  	_ =	strace s18  }
0x93: {  	s3 =	sld [smem:$0x3FFC];
	_ =	sdelay $0x3  }
0x94: {  	_ =	strace s3  }
0x95: {  	s3 =	sld [smem:$0x3FFD];
	_ =	sdelay $0x3  }
0x96: {  	_ =	strace s3  }
0x97: {  	_ =	strace $0x8FFFFFFF  }
0x98: {  	s19 =	sld [smem:$0x3FDB];
	_ =	sdelay $0x1  }
0x99: {  	s4 =	simm.s32 $_scs_section_size  }
0x9a: {  	s5 =	simm.s32 $_size__tile_overlayer_lowered;
	s6 =	simm.s32 $_tile_overlayer_lowered  }
0x9b: {  	s22 =	simm.s32 $0x1BFF;
	s21 =	sshll.u32 s6, $0x1;
	s3 =	sadd.s32 s4, s19  }
0x9c: {  	s7 =	simm.s32 $0x0;
	s20 =	sshll.u32 s5, $0x1;
	s5 =	sadd.s32 s21, s3  }
0x9d: {  	[timem:s7], [sflag:s22] =	dma.local [hbm:s5], s20  }
0x9e: {  	_ =	swait.ge [sflag:s22], s20  }
0x9f: {  	s4 =	ssub.s32 $0x0, s20;
	[sflag:s22] =	ssyncset.done $0x0  }
0xa0: {  	[sflag:s22] =	ssyncadd.s32 s4;
	_ =	sdelay $0x1  }
0xa1: {  	s23 =	simm.s32 $0x1B8B  }
0xa2: {  	_ =	swait.ge [sflag:s23], $0x1  }
0xa3: {  	[sflag:s23] =	ssyncset.done $0x0  }
0xa4: {  	s25 =	simm.s32 $0x1B8E;
	s24 =	sld [smem:$0x3FFE];
	[sflag:s23] =	ssyncadd.s32 $0xFFFFFFFF  }
0xa5: {  	s26 =	simm.s32 $execute0_lowered;
	[smem:$0x3FD2] =	sst s25  }
0xa6: {  	s5 =	sshll.u32 s26, $0x1;
	_ =	strace $0x80000049;
	[dreg:$0x1] =	wrdreg $0xFFFFFFFF  }
0xa7: {  	s28 =	simm.s32 $_size_execute0_lowered;
	s3 =	sadd.s32 s3, s5;
	[dreg:$0x0] =	wrdreg $0x0  }
0xa8: {  	s5 =	sshll.u32 s28, $0x1;
	[dreg:$0x2] =	wrdreg s3  }
0xa9: {  	[dreg:$0x3] =	wrdreg s5  }
0xaa: {  	[dreg:$0x4] =	wrdreg $0xC0  }
0xab: {  	_ =	task [dreg:s7], $0x5FFFF  }
0xac: {  	[dreg:$0x1] =	wrdreg $0xFFFFFFFF  }
0xad: {  	[dreg:$0x0] =	wrdreg $0x60  }
0xae: {  	[dreg:$0x2] =	wrdreg s2  }
0xaf: {  	[dreg:$0x3] =	wrdreg s24  }
0xb0: {  	[dreg:$0x4] =	wrdreg $0x92000  }
0xb1: {  	[dreg:$0x5] =	wrdreg $0x12E400  }
0xb2: {  	[dreg:$0x6] =	wrdreg $0x9  }
0xb3: {  	_ =	task.clear_ibuf [dreg:s7], $0x7FFFF;
	_ =	strace $0x90000049  }
0xb4: {  	s29 =	simm.s32 $0x9;
	_ =	strace $0x8000004B  }
0xb5: {  	_ =	swait.ge [sflag:s29], $0x1  }
0xb6: {  	[sflag:s29] =	ssyncadd.s32 $0xFFFFFFFF  }
0xb7: {  	_ =	strace $0x9000004B  }
0xb8: {  	_ =	sfence  }
0xb9: {  	s30 =	sld [smem:$0x0];
	_ =	sdelay $0x2  }
0xba: {  	s31 =	sshll.u32 s1, $0xD;
	s1 =	sshrl.u32 s1, $0x2  }
0xbb: {  	s3 =	sand.u32 $0x4000, s31;
	s1 =	sadd.s32 s1, s30  }
0xbc: {  	s0 =	sor.u32 s3, s0;
	s1 =	sshll.u32 s1, $0x11  }
0xbd: {  	s0 =	sor.u32 s1, s0  }
0xbe: {  	s0 =	sadd.s32 $0x8F2B, s0  }
0xbf: {  	[sflag:s0] =	ssyncadd.remote.s32 $0x1  }
0xc0: {  	_ =	sfence.sel $0xFFFF  }
0xc1: {  	[dreg:$0x0] =	wrdreg $0xFFFFFFFF;
	(pc) =	sbr.abs _section_cstart, $3  }
0xc2: {  	[dreg:$0x1] =	wrdreg $0xFFFFFFFF  }
0xc3: {  	_ =	task.clear_ibuf [dreg:s7], $0x2FFFF;
	_ =	strace $0x9FFFFFFF  }
0xc4: {  	(tm) =	ssettm $0x7FFFFFFF  }
0xc5: {  	_ =	shalt  }
tec
execute0_lowered:
.L_overlay_start_1:
0x0: {  	(tag) =	ssettag $0x1  }
0x1: {  	s0 =	rddreg [dreg:$0x0]  }
0x2: {  	s1 =	rddreg [dreg:$0x1]  }
0x3: {  	s2 =	rddreg [dreg:$0x2]  }
0x4: {  	s3 =	rddreg [dreg:$0x3]  }
0x5: {  	s14 =	stileid.u32;
	s6 =	srdreg.scid;
	s4 =	simm.s32 $0x0  }
0x6: {  	s17 =	simm.s32 $0x5000;
	s18 =	simm.s32 $0x5;
	s19 =	simm.s32 $0x5080  }
0x7: {  	s20 =	simm.s32 $0x80;
	s21 =	simm.s32 $0x5200;
	s5 =	smul.u32 $0x5000, s14  }
0x8: {  	s28 =	simm.s32 $0x3;
	s29 =	simm.s32 $0x5180;
	s7 =	smul.u32 $0x9E00, s14  }
0x9: {  	s30 =	simm.s32 $0x4;
	s31 =	simm.s32 $0x0;
	s13 =	smul.u32 $0x9C40, s14  }
0xa: {  	s6 =	sand.u32 $0x1, s6;
	[smem:$0x7FF] =	sst s4;
	s25 =	smul.u32 $0xA00, s14  }
0xb: {  	s11 =	sadd.s32 $0x2600, s1;
	s26 =	sshll.u32 s14, $0x6;
	s8 =	smul.u32 $0x9E000, s6  }
0xc: {  	_ =	strace $0x8000004A;
	s12 =	ssub.s32 $0x2, s6;
	s6 =	smul.u32 $0x13880, s6  }
0xd: {  	s14 =	sor.u32 $0x1C07, s26;
	s26 =	simm.s32 $0x2;
	s5 =	sshrl.u32 s5, $0x3  }
0xe: {  	s10 =	sshrl.u32 s7, $0x3;
	s22 =	sshrl.u32 s12, $0x1;
	s15 =	sadd.s32 s13, s2  }
0xf: {  	s13 =	sshrl.u32 s13, $0x3;
	s16 =	sadd.s32 s7, s3;
	s9 =	sadd.s32 s5, s1  }
0x10: {  	s10 =	sadd.s32 s10, s1;
	s8 =	sadd.s32 s7, s8;
	s12 =	ssub.s32 s12, s22  }
0x11: {  	s0 =	sadd.s32 s0, s6;
	s7 =	sadd.s32 s11, s5;
	s11 =	sadd.s32 s25, s11  }
0x12: {  	s15 =	sshrl.u32 s15, $0x3;
	s16 =	sshrl.u32 s16, $0x3;
	s22 =	simm.s32 $0x1  }
.Ltmp0:
0x13: {  	s25 =	simm.s32 $0x5100;
	s8 =	sshrl.u32 s8, $0x3;
	(pc) =	sbr.rel .LBB2_1-.Ltmp0, $4  }
0x14: {  	s23 =	sadd.s32 $0xC600, s9;
	s24 =	sadd.s32 $0x16600, s10;
	s10 =	smax.u32 s12, $0x1  }
0x15: {  	s12 =	simm.s32 $0x7;
	s13 =	sadd.s32 s13, s0;
	[dreg:$0x5] =	wrdreg s23  }
0x16: {  	s1 =	sadd.s32 s8, s1;
	[dreg:$0x6] =	wrdreg s24;
	s8 =	sadd.s32 $0x10, s7  }
0x17: {  	s23 =	simm.s32 $0x6;
	s24 =	simm.s32 $0x7200;
	s9 =	sadd.s32 $0x2B400, s1  }
.LBB2_4:
0x18: {  	_ =	swait.ge [sflag:s26], $0x2000  }
0x19: {  	[sflag:s26] =	ssyncset.done $0x0  }
0x1a: {  	[sflag:s26] =	ssyncadd.s32 $0xFFFFE000  }
0x1b: {  	[spmem:s3] =	stream.indirect.scatter.add.f32 [tilespmem:s24], [sflag:$0x4], $0x40, s29, s20, $0xb8;
	[tilespmem:$0x1CC40] =	vst v63  }
0x1c: {  	_ =	swait.ge [sflag:s28], $0x2000  }
0x1d: {  	[sflag:s28] =	ssyncset.done $0x0  }
0x1e: {  	[sflag:s28] =	ssyncadd.s32 $0xFFFFE000  }
0x1f: {  	_ =	swait.ge [sflag:s30], $0x2000  }
0x20: {  	s31 =	sadd.s32 $0x1, s31;
	[sflag:s30] =	ssyncset.done $0x0  }
0x21: {  	p0 =	sne.s32 s31, s10;
	[sflag:s30] =	ssyncadd.s32 $0xFFFFE000  }
.Ltmp1:
0x22: {  	[bflag:$0x0] =	sbarrier.arrive $0xFFFF;
	(pc) =	sbr.rel @!p0 .LBB2_5-.Ltmp1, $4  }
0x23: {  	[hbm:s9], [sflag:s14] =	dma.local [spmem:s16], $0x13C0  }
0x24: {  	_ =	swait.ge [sflag:s12], $0x13C0  }
0x25: {  	[sflag:s12] =	ssyncset.done $0x0  }
0x26: {  	[sflag:s12] =	ssyncadd.s32 $0xFFFFEC40  }
.LBB2_1:
0x27: {  	s0 =	rddreg [dreg:$0x5]  }
0x28: {  	[tilespmem:s4], [sflag:$0x7] =	stream.linear.gather [hbm4b:s0+s4], $0x5000, $0x38;
	[tilespmem:$0x1CC40] =	vst v63  }
0x29: {  	_ =	swait.ge [sflag:s12], $0x5000  }
0x2a: {  	[sflag:s12] =	ssyncset.done $0x0  }
0x2b: {  	[sflag:s12] =	ssyncadd.s32 $0xFFFFB000  }
0x2c: {  	[spmem:s15], [sflag:s14] =	dma.local [hbm:s13], $0x1388  }
0x2d: {  	_ =	swait.ge [sflag:s12], $0x1388  }
0x2e: {  	[sflag:s12] =	ssyncset.done $0x0  }
0x2f: {  	s6 =	rddreg [dreg:$0x6];
	[sflag:s12] =	ssyncadd.s32 $0xFFFFEC78  }
0x30: {  	[spmem:s16], [sflag:s14] =	dma.local [hbm:s6], $0x13C0  }
0x31: {  	_ =	swait.ge [sflag:s12], $0x13C0  }
0x32: {  	[sflag:s12] =	ssyncset.done $0x0  }
0x33: {  	[sflag:s12] =	ssyncadd.s32 $0xFFFFEC40  }
0x34: {  	[bflag:$0x0] =	sbarrier.arrive $0xFFFF  }
0x35: {  	[tilespmem:s17], [sflag:$0x5] =	stream.linear.gather [hbm4b:s7+s4], $0x80, $0x38;
	[tilespmem:$0x1CC40] =	vst v63  }
0x36: {  	_ =	swait.ge [sflag:s18], $0x80  }
0x37: {  	[sflag:s18] =	ssyncset.done $0x0  }
0x38: {  	[sflag:s18] =	ssyncadd.s32 $0xFFFFFF80  }
0x39: {  	[tilespmem:s19], [sflag:$0x6] =	stream.linear.gather [hbm4b:s8+s4], $0x80, $0x38;
	[tilespmem:$0x1CC40] =	vst v63  }
0x3a: {  	s1 =	simm.s32 $0x0;
	s0 =	simm.s32 $0x200  }
0x3b: {  	[tilespmem:s21], [sflag:$0x1] =	stream.indirect.gather [spmem:s2], $0x40, s4, s20, $0xb8;
	[tilespmem:$0x1CC40] =	vst v63  }
.LBB2_2:
0x3c: {  	_ =	swait.ge [sflag:s22], $0x2000  }
0x3d: {  	[sflag:s22] =	ssyncset.done $0x0  }
0x3e: {  	[sflag:s22] =	ssyncadd.s32 $0xFFFFE000  }
0x3f: {  	[spmem:s3] =	stream.indirect.scatter.add.f32 [tilespmem:s21], [sflag:$0x3], $0x40, s17, s20, $0xb8;
	[tilespmem:$0x1CC40] =	vst v63  }
0x40: {  	_ =	swait.ge [sflag:s23], $0x80  }
0x41: {  	p0 =	seq.s32 s1, $0x0;
	[sflag:s23] =	ssyncset.done $0x0  }
0x42: {  	s5 =	simm.s32 @!p0 $0x4;
	[sflag:s23] =	ssyncadd.s32 $0xFFFFFF80  }
0x43: {  	_ =	swait.ge @!p0 [sflag:s5], $0x2000  }
0x44: {  	[sflag:s5] =	ssyncset.done @!p0 $0x0  }
0x45: {  	s6 =	sadd.s32 $0xFFFFFE80, s0;
	[sflag:s5] =	ssyncadd.s32 @!p0 $0xFFFFE000;
	s5 =	sadd.s32 s1, s11  }
0x46: {  	[tilespmem:s24], [sflag:$0x2] =	stream.indirect.gather [spmem:s2], $0x40, s6, s20, $0xb8;
	[tilespmem:$0x1CC40] =	vst v63  }
0x47: {  	s6 =	sadd.s32 $0x20, s5  }
0x48: {  	[tilespmem:s25], [sflag:$0x5] =	stream.linear.gather [hbm4b:s6+s4], $0x80, $0x38;
	[tilespmem:$0x1CC40] =	vst v63  }
0x49: {  	_ =	swait.ge [sflag:s26], $0x2000  }
0x4a: {  	[sflag:s26] =	ssyncset.done $0x0  }
0x4b: {  	[sflag:s26] =	ssyncadd.s32 $0xFFFFE000  }
0x4c: {  	[spmem:s3] =	stream.indirect.scatter.add.f32 [tilespmem:s24], [sflag:$0x4], $0x40, s19, s20, $0xb8;
	[tilespmem:$0x1CC40] =	vst v63  }
0x4d: {  	_ =	swait.ge [sflag:s18], $0x80  }
0x4e: {  	[sflag:s18] =	ssyncset.done $0x0  }
0x4f: {  	[sflag:s18] =	ssyncadd.s32 $0xFFFFFF80  }
0x50: {  	_ =	swait.ge [sflag:s28], $0x2000  }
0x51: {  	[sflag:s28] =	ssyncset.done $0x0  }
0x52: {  	s6 =	sadd.s32 $0xFFFFFF00, s0;
	[sflag:s28] =	ssyncadd.s32 $0xFFFFE000  }
0x53: {  	[tilespmem:s21], [sflag:$0x1] =	stream.indirect.gather [spmem:s2], $0x40, s6, s20, $0xb8;
	[tilespmem:$0x1CC40] =	vst v63  }
0x54: {  	s6 =	sadd.s32 $0x30, s5  }
0x55: {  	[tilespmem:s29], [sflag:$0x6] =	stream.linear.gather [hbm4b:s6+s4], $0x80, $0x38;
	[tilespmem:$0x1CC40] =	vst v63  }
0x56: {  	_ =	swait.ge [sflag:s22], $0x2000  }
0x57: {  	[sflag:s22] =	ssyncset.done $0x0  }
0x58: {  	[sflag:s22] =	ssyncadd.s32 $0xFFFFE000  }
0x59: {  	[spmem:s3] =	stream.indirect.scatter.add.f32 [tilespmem:s21], [sflag:$0x3], $0x40, s25, s20, $0xb8;
	[tilespmem:$0x1CC40] =	vst v63  }
0x5a: {  	_ =	swait.ge [sflag:s23], $0x80  }
0x5b: {  	p0 =	seq.s32 s1, $0x9C0;
	[sflag:s23] =	ssyncset.done $0x0  }
.Ltmp2:
0x5c: {  	[sflag:s23] =	ssyncadd.s32 $0xFFFFFF80;
	(pc) =	sbr.rel @p0 .LBB2_4-.Ltmp2, $4  }
0x5d: {  	_ =	swait.ge [sflag:s30], $0x2000  }
0x5e: {  	[sflag:s30] =	ssyncset.done $0x0  }
0x5f: {  	s6 =	sadd.s32 $0xFFFFFF80, s0;
	[sflag:s30] =	ssyncadd.s32 $0xFFFFE000  }
0x60: {  	[tilespmem:s24], [sflag:$0x2] =	stream.indirect.gather [spmem:s2], $0x40, s6, s20, $0xb8;
	[tilespmem:$0x1CC40] =	vst v63  }
0x61: {  	s6 =	sadd.s32 $0x40, s5  }
0x62: {  	[tilespmem:s17], [sflag:$0x5] =	stream.linear.gather [hbm4b:s6+s4], $0x80, $0x38;
	[tilespmem:$0x1CC40] =	vst v63  }
0x63: {  	_ =	swait.ge [sflag:s26], $0x2000  }
0x64: {  	[sflag:s26] =	ssyncset.done $0x0  }
0x65: {  	[sflag:s26] =	ssyncadd.s32 $0xFFFFE000  }
0x66: {  	[spmem:s3] =	stream.indirect.scatter.add.f32 [tilespmem:s24], [sflag:$0x4], $0x40, s29, s20, $0xb8;
	[tilespmem:$0x1CC40] =	vst v63  }
0x67: {  	_ =	swait.ge [sflag:s18], $0x80  }
0x68: {  	[sflag:s18] =	ssyncset.done $0x0  }
0x69: {  	[sflag:s18] =	ssyncadd.s32 $0xFFFFFF80  }
0x6a: {  	_ =	swait.ge [sflag:s28], $0x2000  }
.Ltmp3:
0x6b: {  	[sflag:s28] =	ssyncset.done $0x0;
	(pc) =	sbr.rel .LBB2_2-.Ltmp3, $4  }
0x6c: {  	[sflag:s28] =	ssyncadd.s32 $0xFFFFE000  }
0x6d: {  	[tilespmem:s21], [sflag:$0x1] =	stream.indirect.gather [spmem:s2], $0x40, s0, s20, $0xb8;
	[tilespmem:$0x1CC40] =	vst v63  }
0x6e: {  	s1 =	sadd.s32 $0x40, s1;
	s6 =	sadd.s32 $0x50, s5;
	s0 =	sadd.s32 $0x200, s0  }
0x6f: {  	[tilespmem:s19], [sflag:$0x6] =	stream.linear.gather [hbm4b:s6+s4], $0x80, $0x38;
	[tilespmem:$0x1CC40] =	vst v63  }
.LBB2_5:
0x70: {  	_ =	sfence.sel $0x180000  }
0x71: {  	[bflag:$0x0] =	sbarrier.arrive $0xFFFF  }
0x72: {  	_ =	strace $0x9000004A  }
0x73: {  	s0 =	stileid.u32;
	[bflag:$0x2] =	sbarrier.arrive $0xFFFF  }
0x74: {  	p0 =	sne.s32 s0, $0x0;
	s0 =	rddreg [dreg:$0x4]  }
0x75: {  	s0 =	sadd.s32 @!p0 $0x100000, s0  }
0x76: {  	[sflag:s0] =	ssyncadd.tile.s32 @!p0 $0x1;
	_ =	shalt  }
.Lfunc_end2:
_tile_overlayer_lowered:
.L_overlay_start_2:
0x77: {  	(tag) =	ssettag $0x2  }
0x78: {  	s0 =	rddreg [dreg:$0x0];
	s2 =	stileid.u32  }
0x79: {  	s1 =	rddreg [dreg:$0x1];
	p0 =	sne.s32 s2, $0x0  }
0x7a: {  	s3 =	rddreg [dreg:$0x2];
	[bflag:$0x3] =	sbarrier.arrive $0xFFFF;
	s2 =	simm.s32 @!p0 $0x1C07  }
0x7b: {  	[timem:s3], [sflag:s2] =	dma.local @!p0 [hbm:s0], s1  }
0x7c: {  	s0 =	simm.s32 @!p0 $0x7  }
0x7d: {  	_ =	swait.ge @!p0 [sflag:s0], s1  }
0x7e: {  	s1 =	ssub.s32 @!p0 $0x0, s1;
	[sflag:s0] =	ssyncset.done @!p0 $0x0  }
0x7f: {  	[sflag:s0] =	ssyncadd.s32 @!p0 s1  }
0x80: {  	[bflag:$0x3] =	sbarrier.arrive $0xFFFF  }
0x81: {  	_ =	shalt  }

</sc_bundles>
